<compile_context>
chip_gen: v7x
topology: tpu7x:2x2x1
jax: 0.10.2.dev20260603
libtpu: 0.0.44.dev20260713+nightly
codegen_flags: <defaults>
</compile_context>

<pallas_src>
import functools

import jax
import jax.numpy as jnp
from jax import lax
from jax.experimental import pallas as pl
from jax.experimental.pallas import tpu as pltpu
from jax.experimental.pallas import tpu_sc as plsc

NC = 2
NS = 16
L = 16
CHUNK = 128


def _round_up(v, m):
    return (v + m - 1) // m * m


def _deg_body(npt, ept, dst_hbm, degp_hbm, idx_v, hist_v, red_v, hist2_v,
              stack_sh):
    c = lax.axis_index("c")
    s = lax.axis_index("s")
    wid = s * NC + c
    n_pad = npt * NS

    def zero_one(k, _):
        hist_v[pl.ds(k * L, L)] = jnp.zeros((L,), jnp.float32)
        return 0
    lax.fori_loop(0, n_pad // L, zero_one, 0)

    pltpu.sync_copy(dst_hbm.at[pl.ds(wid * ept, ept)], idx_v)
    ones = jnp.ones((L,), jnp.float32)

    def hist_one(j, _):
        d16 = idx_v[pl.ds(j * L, L)]
        plsc.addupdate_scatter(hist_v, [d16], ones)
        return 0
    lax.fori_loop(0, ept // L, hist_one, 0)

    pltpu.sync_copy(hist_v, stack_sh.at[s])
    plsc.subcore_barrier()

    for r in range(NS):
        pltpu.sync_copy(stack_sh.at[r, pl.ds(s * npt, npt)], red_v.at[r])

    def red_one(k, _):
        v = red_v[0, pl.ds(k * L, L)]
        for r in range(1, NS):
            v = v + red_v[r, pl.ds(k * L, L)]
        hist2_v[pl.ds(k * L, L)] = v
        return 0
    lax.fori_loop(0, npt // L, red_one, 0)

    pltpu.sync_copy(hist2_v, degp_hbm.at[c, pl.ds(s * npt, npt)])


def _agg_body(npt, chunks, g_hbm, src_hbm, dst_hbm, acc_hbm,
              sidx_v, didx_v, rows_v, zbuf_v, sem, acc_sh):
    c = lax.axis_index("c")
    s = lax.axis_index("s")
    wid = s * NC + c
    d = rows_v.shape[1]

    for r in range(L):
        for u in range(d // L):
            zbuf_v[r, pl.ds(u * L, L)] = jnp.zeros((L,), jnp.float32)

    def zero_one(j, _):
        pltpu.sync_copy(zbuf_v, acc_sh.at[pl.ds(s * npt + j * L, L)])
        return 0
    lax.fori_loop(0, npt // L, zero_one, 0)
    plsc.subcore_barrier()

    def edge_chunk(k, _):
        base = (wid * chunks + k) * CHUNK
        pltpu.sync_copy(src_hbm.at[pl.ds(base, CHUNK)], sidx_v)
        pltpu.sync_copy(dst_hbm.at[pl.ds(base, CHUNK)], didx_v)
        pltpu.async_copy(g_hbm.at[sidx_v], rows_v, sem).wait()
        pltpu.sync_copy(rows_v, acc_sh.at[didx_v], add=True)
        return 0
    lax.fori_loop(0, chunks, edge_chunk, 0)

    plsc.subcore_barrier()
    pltpu.sync_copy(acc_sh.at[pl.ds(s * npt, npt)],
                    acc_hbm.at[c, pl.ds(s * npt, npt)])


def _mm_body(x_ref, w_ref, degp_ref, h_ref, g_ref):
    deg = degp_ref[0, :] + degp_ref[1, :] + 1.0
    dinv = lax.rsqrt(deg)
    h = jnp.dot(x_ref[...], w_ref[...], preferred_element_type=jnp.float32)
    h_ref[...] = h
    g_ref[...] = h * dinv[:, None]


def _fin_body(acc_ref, degp_ref, h_ref, b_ref, a_ref, o_ref):
    deg = degp_ref[0, :] + degp_ref[1, :] + 1.0
    dinv = lax.rsqrt(deg)
    acc = acc_ref[0] + acc_ref[1]
    pre = dinv[:, None] * acc + (dinv * dinv)[:, None] * h_ref[...] \
        + b_ref[...]
    o_ref[...] = jnp.where(pre >= 0.0, pre, a_ref[...] * pre)


def kernel(x, edge_index, W, b, a):
    n, d_in = x.shape
    d_hid = W.shape[1]
    e = edge_index.shape[1]

    npt = _round_up((n + 1 + NS - 1) // NS, L)
    n_pad = npt * NS
    ept = _round_up((e + NC * NS - 1) // (NC * NS), CHUNK)
    e_pad = ept * NC * NS
    chunks = ept // CHUNK

    src = edge_index[0]
    dst = edge_index[1]
    pad = e_pad - e
    src_p = jnp.concatenate([src, jnp.zeros((pad,), jnp.int32)])
    dst_p = jnp.concatenate([dst, jnp.full((pad,), n, jnp.int32)])
    x_p = jnp.pad(x, ((0, n_pad - n), (0, 0)))

    mesh = plsc.VectorSubcoreMesh(core_axis_name="c", subcore_axis_name="s")

    deg_call = pl.kernel(
        functools.partial(_deg_body, npt, ept),
        out_type=jax.ShapeDtypeStruct((NC, n_pad), jnp.float32),
        mesh=mesh,
        scratch_types=[
            pltpu.VMEM((ept,), jnp.int32),
            pltpu.VMEM((n_pad,), jnp.float32),
            pltpu.VMEM((NS, npt), jnp.float32),
            pltpu.VMEM((npt,), jnp.float32),
            pltpu.VMEM_SHARED((NS, n_pad), jnp.float32),
        ],
        compiler_params=pltpu.CompilerParams(needs_layout_passes=False),
    )
    degp = deg_call(dst_p)

    nb = n_pad // 1024
    h, g = pl.pallas_call(
        _mm_body,
        grid=(nb,),
        in_specs=[
            pl.BlockSpec((1024, d_in), lambda i: (i, 0)),
            pl.BlockSpec((d_in, d_hid), lambda i: (0, 0)),
            pl.BlockSpec((NC, 1024), lambda i: (0, i)),
        ],
        out_specs=[
            pl.BlockSpec((1024, d_hid), lambda i: (i, 0)),
            pl.BlockSpec((1024, d_hid), lambda i: (i, 0)),
        ],
        out_shape=[
            jax.ShapeDtypeStruct((n_pad, d_hid), jnp.float32),
            jax.ShapeDtypeStruct((n_pad, d_hid), jnp.float32),
        ],
    )(x_p, W, degp)

    agg_call = pl.kernel(
        functools.partial(_agg_body, npt, chunks),
        out_type=jax.ShapeDtypeStruct((NC, n_pad, d_hid), jnp.float32),
        mesh=mesh,
        scratch_types=[
            pltpu.VMEM((CHUNK,), jnp.int32),
            pltpu.VMEM((CHUNK,), jnp.int32),
            pltpu.VMEM((CHUNK, d_hid), jnp.float32),
            pltpu.VMEM((L, d_hid), jnp.float32),
            pltpu.SemaphoreType.DMA,
            pltpu.VMEM_SHARED((n_pad, d_hid), jnp.float32),
        ],
    )
    acc = agg_call(g, src_p, dst_p)

    bn = 1024
    out = pl.pallas_call(
        _fin_body,
        grid=(n_pad // bn,),
        in_specs=[
            pl.BlockSpec((NC, bn, d_hid), lambda i: (0, i, 0)),
            pl.BlockSpec((NC, bn), lambda i: (0, i)),
            pl.BlockSpec((bn, d_hid), lambda i: (i, 0)),
            pl.BlockSpec((1, d_hid), lambda i: (0, 0)),
            pl.BlockSpec((1, d_hid), lambda i: (0, 0)),
        ],
        out_specs=pl.BlockSpec((bn, d_hid), lambda i: (i, 0)),
        out_shape=jax.ShapeDtypeStruct((n_pad, d_hid), jnp.float32),
    )(acc, degp, h, b.reshape(1, -1), a.reshape(1, -1))
    return out[:n]

# --- scband reference (transcript-rebuilt; emitter-appended) ---
"""Pipeline reference for scband-encoder-18468359373464 (READ-ONLY COPY).

The authoritative reference and input builder live on the scoring server;
editing this copy changes nothing except your own understanding.
"""

import jax, jax.numpy as jnp
import numpy as np

N_NODES = 10000
N_EDGES = 320000
D_IN = 128
D_HID = 128


def setup_inputs(seed: int = 0) -> dict:
    key = jax.random.key(seed)
    k1, k2, k3, k4 = jax.random.split(key, 4)
    x = jax.random.normal(k1, (N_NODES, D_IN), dtype=jnp.float32)
    edge_index = jax.random.randint(k2, (2, N_EDGES), 0, N_NODES, dtype=jnp.int32)
    # GCNConv linear weight (glorot-ish) and bias
    W = jax.random.normal(k3, (D_IN, D_HID), dtype=jnp.float32) * (1.0 / np.sqrt(D_IN))
    b = jnp.zeros((D_HID,), dtype=jnp.float32)
    # PReLU per-channel slope, PyTorch default init 0.25
    a = jnp.full((D_HID,), 0.25, dtype=jnp.float32)
    return {"x": x, "edge_index": edge_index, "W": W, "b": b, "a": a}


def reference(x, edge_index, W, b, a):
    # GCNConv with add_self_loops=True, normalize=True (PyG semantics):
    # out = D^{-1/2} (A + I) D^{-1/2} (x @ W) + b, then PReLU
    N = x.shape[0]
    loop = jnp.arange(N, dtype=edge_index.dtype)
    src = jnp.concatenate([edge_index[0], loop])  # row / source (x_j)
    dst = jnp.concatenate([edge_index[1], loop])  # col / target (aggregate here)
    # symmetric normalization: deg over col with unit edge weights
    deg = jnp.zeros((N,), dtype=x.dtype).at[dst].add(1.0)
    deg_inv_sqrt = jnp.where(deg > 0, 1.0 / jnp.sqrt(deg), 0.0)
    norm = deg_inv_sqrt[src] * deg_inv_sqrt[dst]
    # transform then propagate
    h = x @ W
    msg = h[src] * norm[:, None]
    out = jnp.zeros((N, h.shape[1]), dtype=x.dtype).at[dst].add(msg)
    out = out + b
    # PReLU with per-channel parameter a
    out = jnp.where(out >= 0, out, a * out)
    return out

if __name__ == "__main__":
    import jax
    _d = setup_inputs()
    print(jax.jit(kernel)(*tuple(_d.values())))

</pallas_src>

<mosaic_0001>
#map = affine_map<(d0, d1) -> (0)>
#map1 = affine_map<(d0, d1) -> (0, 0)>
module attributes {stable_mosaic.version = 14 : i64} {
  func.func @_deg_body(%arg0: i32, %arg1: i32, %arg2: memref<323584xi32, #tpu.memory_space<hbm>>, %arg3: memref<2x10240xf32, #tpu.memory_space<hbm>>, %arg4: memref<10112xi32, #tpu.memory_space<vmem>>, %arg5: memref<10240xf32, #tpu.memory_space<vmem>>, %arg6: memref<16x640xf32, #tpu.memory_space<vmem>>, %arg7: memref<640xf32, #tpu.memory_space<vmem>>, %arg8: memref<16x10240xf32, #tpu.memory_space<vmem_shared>>) attributes {dimension_semantics = [#tpu.dimension_semantics<core_parallel>, #tpu.dimension_semantics<subcore_parallel>], iteration_bounds = array<i64: 2, 16>, scalar_prefetch = 0 : i64, scratch_operands = 5 : i64, tpu.core_type = #tpu.core_type<sc_vector_subcore>, window_params = [{transform_indices = #map}, {transform_indices = #map1}]} {
    %mul3A = arith.constant 2 : i32
    %mul3A_0 = arith.muli %arg1, %mul3A : i32
    %add3A = arith.addi %mul3A_0, %arg0 : i32
    %scan3A = arith.constant 0 : i32
    %scan3A_1 = arith.constant 0 : i32
    %scan3A_2 = arith.constant 640 : i32
    %scan3A_3 = arith.addi %scan3A_1, %scan3A_2 : i32
    %scan3A_4 = arith.constant 1 : i32
    %scan3A_5 = scf.for %scan3A_89 = %scan3A_1 to %scan3A_3 step %scan3A_4 iter_args(%scan3A_90 = %scan3A) -> (i32)  : i32 {
      %broadcast_in_dim3A_91 = arith.constant 0.000000e+00 : f32
      %broadcast_in_dim3A_92 = vector.broadcast %broadcast_in_dim3A_91 : f32 to vector<16xf32>
      %mul3A_93 = arith.constant 16 : i32
      %mul3A_94 = arith.muli %scan3A_89, %mul3A_93 : i32
      %swap3A = arith.index_cast %mul3A_94 : i32 to index
      %swap3A_95 = tpu.vector_load %arg5[%swap3A] {strides = array<i32>} : memref<10240xf32, #tpu.memory_space<vmem>>, vector<16xf32>,
      tpu.vector_store %arg5[%swap3A], %broadcast_in_dim3A_92 {strides = array<i32>} : memref<10240xf32, #tpu.memory_space<vmem>>, vector<16xf32>,
      %scan3A_96 = arith.constant 0 : i32
      scf.yield %scan3A_96 : i32
    }
    %scan3A_6 = arith.constant 640 : i32
    %mul3A_7 = arith.constant 10112 : i32
    %mul3A_8 = arith.muli %add3A, %mul3A_7 : i32
    "tpu.region"() ({
      %run_scoped3A_89 = tpu.sem_alloc : memref<!tpu.dma_semaphore, #tpu.memory_space<semaphore_mem>>
      %dma_start3A = tpu.memref_slice %arg2[%mul3A_8] : memref<323584xi32, #tpu.memory_space<hbm>> -> memref<10112xi32, #tpu.memory_space<hbm>>
      %dma_start3A_90 = tpu.memref_slice %arg2[%mul3A_8] : memref<323584xi32, #tpu.memory_space<hbm>> -> memref<10112xi32, #tpu.memory_space<hbm>>
      tpu.enqueue_dma source(%dma_start3A_90 : memref<10112xi32, #tpu.memory_space<hbm>>) target(%arg4 : memref<10112xi32, #tpu.memory_space<vmem>>) target_semaphore(%run_scoped3A_89 : memref<!tpu.dma_semaphore, #tpu.memory_space<semaphore_mem>>)
      %dma_wait3A = tpu.memref_slice %arg2[%mul3A_8] : memref<323584xi32, #tpu.memory_space<hbm>> -> memref<10112xi32, #tpu.memory_space<hbm>>
      %dma_wait3A_91 = tpu.memref_slice %arg2[%mul3A_8] : memref<323584xi32, #tpu.memory_space<hbm>> -> memref<10112xi32, #tpu.memory_space<hbm>>
      tpu.wait_dma2 semaphore(%run_scoped3A_89 : memref<!tpu.dma_semaphore, #tpu.memory_space<semaphore_mem>>) src(%dma_wait3A_91 : memref<10112xi32, #tpu.memory_space<hbm>>) dst(%arg4 : memref<10112xi32, #tpu.memory_space<vmem>>)
      tpu.yield
    }) : () -> ()
    %broadcast_in_dim3A = arith.constant 1.000000e+00 : f32
    %broadcast_in_dim3A_9 = vector.broadcast %broadcast_in_dim3A : f32 to vector<16xf32>
    %scan3A_10 = arith.constant 0 : i32
    %scan3A_11 = arith.constant 0 : i32
    %scan3A_12 = arith.constant 632 : i32
    %scan3A_13 = arith.addi %scan3A_11, %scan3A_12 : i32
    %scan3A_14 = arith.constant 1 : i32
    %scan3A_15 = scf.for %scan3A_89 = %scan3A_11 to %scan3A_13 step %scan3A_14 iter_args(%scan3A_90 = %scan3A_10) -> (i32)  : i32 {
      %mul3A_91 = arith.constant 16 : i32
      %mul3A_92 = arith.muli %scan3A_89, %mul3A_91 : i32
      %get3A = arith.index_cast %mul3A_92 : i32 to index
      %get3A_93 = tpu.vector_load %arg4[%get3A] {strides = array<i32>} : memref<10112xi32, #tpu.memory_space<vmem>>, vector<16xi32>,
      tpu.vector_store_idx %arg5[%get3A_93], %broadcast_in_dim3A_9 {add = true} : memref<10240xf32, #tpu.memory_space<vmem>>[vector<16xi32>], vector<16xf32>,
      %scan3A_94 = arith.constant 0 : i32
      scf.yield %scan3A_94 : i32
    }
    %scan3A_16 = arith.constant 632 : i32
    "tpu.region"() ({
      %run_scoped3A_89 = tpu.sem_alloc : memref<!tpu.dma_semaphore, #tpu.memory_space<semaphore_mem>>
      %dma_start3A = arith.constant 0 : i32
      %dma_start3A_90 = tpu.memref_slice %arg8[%arg1, %dma_start3A] : memref<16x10240xf32, #tpu.memory_space<vmem_shared>> -> memref<1x10240xf32, #tpu.memory_space<vmem_shared>>
      %dma_start3A_91 = tpu.memref_squeeze %dma_start3A_90 : memref<1x10240xf32, #tpu.memory_space<vmem_shared>> -> memref<10240xf32, #tpu.memory_space<vmem_shared>>
      %dma_start3A_92 = arith.constant 0 : i32
      %dma_start3A_93 = tpu.memref_slice %arg8[%arg1, %dma_start3A_92] : memref<16x10240xf32, #tpu.memory_space<vmem_shared>> -> memref<1x10240xf32, #tpu.memory_space<vmem_shared>>
      %dma_start3A_94 = tpu.memref_squeeze %dma_start3A_93 : memref<1x10240xf32, #tpu.memory_space<vmem_shared>> -> memref<10240xf32, #tpu.memory_space<vmem_shared>>
      tpu.enqueue_dma source(%arg5 : memref<10240xf32, #tpu.memory_space<vmem>>) target(%dma_start3A_94 : memref<10240xf32, #tpu.memory_space<vmem_shared>>) target_semaphore(%run_scoped3A_89 : memref<!tpu.dma_semaphore, #tpu.memory_space<semaphore_mem>>)
      %dma_wait3A = arith.constant 0 : i32
      %dma_wait3A_95 = tpu.memref_slice %arg8[%arg1, %dma_wait3A] : memref<16x10240xf32, #tpu.memory_space<vmem_shared>> -> memref<1x10240xf32, #tpu.memory_space<vmem_shared>>
      %dma_wait3A_96 = tpu.memref_squeeze %dma_wait3A_95 : memref<1x10240xf32, #tpu.memory_space<vmem_shared>> -> memref<10240xf32, #tpu.memory_space<vmem_shared>>
      %dma_wait3A_97 = arith.constant 0 : i32
      %dma_wait3A_98 = tpu.memref_slice %arg8[%arg1, %dma_wait3A_97] : memref<16x10240xf32, #tpu.memory_space<vmem_shared>> -> memref<1x10240xf32, #tpu.memory_space<vmem_shared>>
      %dma_wait3A_99 = tpu.memref_squeeze %dma_wait3A_98 : memref<1x10240xf32, #tpu.memory_space<vmem_shared>> -> memref<10240xf32, #tpu.memory_space<vmem_shared>>
      tpu.wait_dma2 semaphore(%run_scoped3A_89 : memref<!tpu.dma_semaphore, #tpu.memory_space<semaphore_mem>>) src(%arg5 : memref<10240xf32, #tpu.memory_space<vmem>>) dst(%dma_wait3A_99 : memref<10240xf32, #tpu.memory_space<vmem_shared>>)
      tpu.yield
    }) : () -> ()
    %barrier3A = arith.constant 0 : index
    tpu.barrier barrier_id(%barrier3A)
    %mul3A_17 = arith.constant 640 : i32
    %mul3A_18 = arith.muli %arg1, %mul3A_17 : i32
    %run_scoped3A = arith.constant 0 : i32
    %run_scoped3A_19 = arith.constant 0 : i32
    "tpu.region"() ({
      %run_scoped3A_89 = tpu.sem_alloc : memref<!tpu.dma_semaphore, #tpu.memory_space<semaphore_mem>>
      %dma_start3A = arith.constant 0 : i32
      %dma_start3A_90 = tpu.memref_slice %arg6[%run_scoped3A_19, %dma_start3A] : memref<16x640xf32, #tpu.memory_space<vmem>> -> memref<1x640xf32, #tpu.memory_space<vmem>>
      %dma_start3A_91 = tpu.memref_squeeze %dma_start3A_90 : memref<1x640xf32, #tpu.memory_space<vmem>> -> memref<640xf32, #tpu.memory_space<vmem>>
      %dma_start3A_92 = tpu.memref_slice %arg8[%run_scoped3A, %mul3A_18] : memref<16x10240xf32, #tpu.memory_space<vmem_shared>> -> memref<1x640xf32, #tpu.memory_space<vmem_shared>>
      %dma_start3A_93 = tpu.memref_squeeze %dma_start3A_92 : memref<1x640xf32, #tpu.memory_space<vmem_shared>> -> memref<640xf32, #tpu.memory_space<vmem_shared>>
      %dma_start3A_94 = arith.constant 0 : i32
      %dma_start3A_95 = tpu.memref_slice %arg6[%run_scoped3A_19, %dma_start3A_94] : memref<16x640xf32, #tpu.memory_space<vmem>> -> memref<1x640xf32, #tpu.memory_space<vmem>>
      %dma_start3A_96 = tpu.memref_squeeze %dma_start3A_95 : memref<1x640xf32, #tpu.memory_space<vmem>> -> memref<640xf32, #tpu.memory_space<vmem>>
      %dma_start3A_97 = tpu.memref_slice %arg8[%run_scoped3A, %mul3A_18] : memref<16x10240xf32, #tpu.memory_space<vmem_shared>> -> memref<1x640xf32, #tpu.memory_space<vmem_shared>>
      %dma_start3A_98 = tpu.memref_squeeze %dma_start3A_97 : memref<1x640xf32, #tpu.memory_space<vmem_shared>> -> memref<640xf32, #tpu.memory_space<vmem_shared>>
      tpu.enqueue_dma source(%dma_start3A_98 : memref<640xf32, #tpu.memory_space<vmem_shared>>) target(%dma_start3A_96 : memref<640xf32, #tpu.memory_space<vmem>>) target_semaphore(%run_scoped3A_89 : memref<!tpu.dma_semaphore, #tpu.memory_space<semaphore_mem>>)
      %dma_wait3A = arith.constant 0 : i32
      %dma_wait3A_99 = tpu.memref_slice %arg6[%run_scoped3A_19, %dma_wait3A] : memref<16x640xf32, #tpu.memory_space<vmem>> -> memref<1x640xf32, #tpu.memory_space<vmem>>
      %dma_wait3A_100 = tpu.memref_squeeze %dma_wait3A_99 : memref<1x640xf32, #tpu.memory_space<vmem>> -> memref<640xf32, #tpu.memory_space<vmem>>
      %dma_wait3A_101 = tpu.memref_slice %arg8[%run_scoped3A, %mul3A_18] : memref<16x10240xf32, #tpu.memory_space<vmem_shared>> -> memref<1x640xf32, #tpu.memory_space<vmem_shared>>
      %dma_wait3A_102 = tpu.memref_squeeze %dma_wait3A_101 : memref<1x640xf32, #tpu.memory_space<vmem_shared>> -> memref<640xf32, #tpu.memory_space<vmem_shared>>
      %dma_wait3A_103 = arith.constant 0 : i32
      %dma_wait3A_104 = tpu.memref_slice %arg6[%run_scoped3A_19, %dma_wait3A_103] : memref<16x640xf32, #tpu.memory_space<vmem>> -> memref<1x640xf32, #tpu.memory_space<vmem>>
      %dma_wait3A_105 = tpu.memref_squeeze %dma_wait3A_104 : memref<1x640xf32, #tpu.memory_space<vmem>> -> memref<640xf32, #tpu.memory_space<vmem>>
      %dma_wait3A_106 = tpu.memref_slice %arg8[%run_scoped3A, %mul3A_18] : memref<16x10240xf32, #tpu.memory_space<vmem_shared>> -> memref<1x640xf32, #tpu.memory_space<vmem_shared>>
      %dma_wait3A_107 = tpu.memref_squeeze %dma_wait3A_106 : memref<1x640xf32, #tpu.memory_space<vmem_shared>> -> memref<640xf32, #tpu.memory_space<vmem_shared>>
      tpu.wait_dma2 semaphore(%run_scoped3A_89 : memref<!tpu.dma_semaphore, #tpu.memory_space<semaphore_mem>>) src(%dma_wait3A_107 : memref<640xf32, #tpu.memory_space<vmem_shared>>) dst(%dma_wait3A_105 : memref<640xf32, #tpu.memory_space<vmem>>)
      tpu.yield
    }) : () -> ()
    %mul3A_20 = arith.constant 640 : i32
    %mul3A_21 = arith.muli %arg1, %mul3A_20 : i32
    %run_scoped3A_22 = arith.constant 1 : i32
    %run_scoped3A_23 = arith.constant 1 : i32
    "tpu.region"() ({
      %run_scoped3A_89 = tpu.sem_alloc : memref<!tpu.dma_semaphore, #tpu.memory_space<semaphore_mem>>
      %dma_start3A = arith.constant 0 : i32
      %dma_start3A_90 = tpu.memref_slice %arg6[%run_scoped3A_23, %dma_start3A] : memref<16x640xf32, #tpu.memory_space<vmem>> -> memref<1x640xf32, #tpu.memory_space<vmem>>
      %dma_start3A_91 = tpu.memref_squeeze %dma_start3A_90 : memref<1x640xf32, #tpu.memory_space<vmem>> -> memref<640xf32, #tpu.memory_space<vmem>>
      %dma_start3A_92 = tpu.memref_slice %arg8[%run_scoped3A_22, %mul3A_21] : memref<16x10240xf32, #tpu.memory_space<vmem_shared>> -> memref<1x640xf32, #tpu.memory_space<vmem_shared>>
      %dma_start3A_93 = tpu.memref_squeeze %dma_start3A_92 : memref<1x640xf32, #tpu.memory_space<vmem_shared>> -> memref<640xf32, #tpu.memory_space<vmem_shared>>
      %dma_start3A_94 = arith.constant 0 : i32
      %dma_start3A_95 = tpu.memref_slice %arg6[%run_scoped3A_23, %dma_start3A_94] : memref<16x640xf32, #tpu.memory_space<vmem>> -> memref<1x640xf32, #tpu.memory_space<vmem>>
      %dma_start3A_96 = tpu.memref_squeeze %dma_start3A_95 : memref<1x640xf32, #tpu.memory_space<vmem>> -> memref<640xf32, #tpu.memory_space<vmem>>
      %dma_start3A_97 = tpu.memref_slice %arg8[%run_scoped3A_22, %mul3A_21] : memref<16x10240xf32, #tpu.memory_space<vmem_shared>> -> memref<1x640xf32, #tpu.memory_space<vmem_shared>>
      %dma_start3A_98 = tpu.memref_squeeze %dma_start3A_97 : memref<1x640xf32, #tpu.memory_space<vmem_shared>> -> memref<640xf32, #tpu.memory_space<vmem_shared>>
      tpu.enqueue_dma source(%dma_start3A_98 : memref<640xf32, #tpu.memory_space<vmem_shared>>) target(%dma_start3A_96 : memref<640xf32, #tpu.memory_space<vmem>>) target_semaphore(%run_scoped3A_89 : memref<!tpu.dma_semaphore, #tpu.memory_space<semaphore_mem>>)
      %dma_wait3A = arith.constant 0 : i32
      %dma_wait3A_99 = tpu.memref_slice %arg6[%run_scoped3A_23, %dma_wait3A] : memref<16x640xf32, #tpu.memory_space<vmem>> -> memref<1x640xf32, #tpu.memory_space<vmem>>
      %dma_wait3A_100 = tpu.memref_squeeze %dma_wait3A_99 : memref<1x640xf32, #tpu.memory_space<vmem>> -> memref<640xf32, #tpu.memory_space<vmem>>
      %dma_wait3A_101 = tpu.memref_slice %arg8[%run_scoped3A_22, %mul3A_21] : memref<16x10240xf32, #tpu.memory_space<vmem_shared>> -> memref<1x640xf32, #tpu.memory_space<vmem_shared>>
      %dma_wait3A_102 = tpu.memref_squeeze %dma_wait3A_101 : memref<1x640xf32, #tpu.memory_space<vmem_shared>> -> memref<640xf32, #tpu.memory_space<vmem_shared>>
      %dma_wait3A_103 = arith.constant 0 : i32
      %dma_wait3A_104 = tpu.memref_slice %arg6[%run_scoped3A_23, %dma_wait3A_103] : memref<16x640xf32, #tpu.memory_space<vmem>> -> memref<1x640xf32, #tpu.memory_space<vmem>>
      %dma_wait3A_105 = tpu.memref_squeeze %dma_wait3A_104 : memref<1x640xf32, #tpu.memory_space<vmem>> -> memref<640xf32, #tpu.memory_space<vmem>>
      %dma_wait3A_106 = tpu.memref_slice %arg8[%run_scoped3A_22, %mul3A_21] : memref<16x10240xf32, #tpu.memory_space<vmem_shared>> -> memref<1x640xf32, #tpu.memory_space<vmem_shared>>
      %dma_wait3A_107 = tpu.memref_squeeze %dma_wait3A_106 : memref<1x640xf32, #tpu.memory_space<vmem_shared>> -> memref<640xf32, #tpu.memory_space<vmem_shared>>
      tpu.wait_dma2 semaphore(%run_scoped3A_89 : memref<!tpu.dma_semaphore, #tpu.memory_space<semaphore_mem>>) src(%dma_wait3A_107 : memref<640xf32, #tpu.memory_space<vmem_shared>>) dst(%dma_wait3A_105 : memref<640xf32, #tpu.memory_space<vmem>>)
      tpu.yield
    }) : () -> ()
    %mul3A_24 = arith.constant 640 : i32
    %mul3A_25 = arith.muli %arg1, %mul3A_24 : i32
    %run_scoped3A_26 = arith.constant 2 : i32
    %run_scoped3A_27 = arith.constant 2 : i32
    "tpu.region"() ({
      %run_scoped3A_89 = tpu.sem_alloc : memref<!tpu.dma_semaphore, #tpu.memory_space<semaphore_mem>>
      %dma_start3A = arith.constant 0 : i32
      %dma_start3A_90 = tpu.memref_slice %arg6[%run_scoped3A_27, %dma_start3A] : memref<16x640xf32, #tpu.memory_space<vmem>> -> memref<1x640xf32, #tpu.memory_space<vmem>>
      %dma_start3A_91 = tpu.memref_squeeze %dma_start3A_90 : memref<1x640xf32, #tpu.memory_space<vmem>> -> memref<640xf32, #tpu.memory_space<vmem>>
      %dma_start3A_92 = tpu.memref_slice %arg8[%run_scoped3A_26, %mul3A_25] : memref<16x10240xf32, #tpu.memory_space<vmem_shared>> -> memref<1x640xf32, #tpu.memory_space<vmem_shared>>
      %dma_start3A_93 = tpu.memref_squeeze %dma_start3A_92 : memref<1x640xf32, #tpu.memory_space<vmem_shared>> -> memref<640xf32, #tpu.memory_space<vmem_shared>>
      %dma_start3A_94 = arith.constant 0 : i32
      %dma_start3A_95 = tpu.memref_slice %arg6[%run_scoped3A_27, %dma_start3A_94] : memref<16x640xf32, #tpu.memory_space<vmem>> -> memref<1x640xf32, #tpu.memory_space<vmem>>
      %dma_start3A_96 = tpu.memref_squeeze %dma_start3A_95 : memref<1x640xf32, #tpu.memory_space<vmem>> -> memref<640xf32, #tpu.memory_space<vmem>>
      %dma_start3A_97 = tpu.memref_slice %arg8[%run_scoped3A_26, %mul3A_25] : memref<16x10240xf32, #tpu.memory_space<vmem_shared>> -> memref<1x640xf32, #tpu.memory_space<vmem_shared>>
      %dma_start3A_98 = tpu.memref_squeeze %dma_start3A_97 : memref<1x640xf32, #tpu.memory_space<vmem_shared>> -> memref<640xf32, #tpu.memory_space<vmem_shared>>
      tpu.enqueue_dma source(%dma_start3A_98 : memref<640xf32, #tpu.memory_space<vmem_shared>>) target(%dma_start3A_96 : memref<640xf32, #tpu.memory_space<vmem>>) target_semaphore(%run_scoped3A_89 : memref<!tpu.dma_semaphore, #tpu.memory_space<semaphore_mem>>)
      %dma_wait3A = arith.constant 0 : i32
      %dma_wait3A_99 = tpu.memref_slice %arg6[%run_scoped3A_27, %dma_wait3A] : memref<16x640xf32, #tpu.memory_space<vmem>> -> memref<1x640xf32, #tpu.memory_space<vmem>>
      %dma_wait3A_100 = tpu.memref_squeeze %dma_wait3A_99 : memref<1x640xf32, #tpu.memory_space<vmem>> -> memref<640xf32, #tpu.memory_space<vmem>>
      %dma_wait3A_101 = tpu.memref_slice %arg8[%run_scoped3A_26, %mul3A_25] : memref<16x10240xf32, #tpu.memory_space<vmem_shared>> -> memref<1x640xf32, #tpu.memory_space<vmem_shared>>
      %dma_wait3A_102 = tpu.memref_squeeze %dma_wait3A_101 : memref<1x640xf32, #tpu.memory_space<vmem_shared>> -> memref<640xf32, #tpu.memory_space<vmem_shared>>
      %dma_wait3A_103 = arith.constant 0 : i32
      %dma_wait3A_104 = tpu.memref_slice %arg6[%run_scoped3A_27, %dma_wait3A_103] : memref<16x640xf32, #tpu.memory_space<vmem>> -> memref<1x640xf32, #tpu.memory_space<vmem>>
      %dma_wait3A_105 = tpu.memref_squeeze %dma_wait3A_104 : memref<1x640xf32, #tpu.memory_space<vmem>> -> memref<640xf32, #tpu.memory_space<vmem>>
      %dma_wait3A_106 = tpu.memref_slice %arg8[%run_scoped3A_26, %mul3A_25] : memref<16x10240xf32, #tpu.memory_space<vmem_shared>> -> memref<1x640xf32, #tpu.memory_space<vmem_shared>>
      %dma_wait3A_107 = tpu.memref_squeeze %dma_wait3A_106 : memref<1x640xf32, #tpu.memory_space<vmem_shared>> -> memref<640xf32, #tpu.memory_space<vmem_shared>>
      tpu.wait_dma2 semaphore(%run_scoped3A_89 : memref<!tpu.dma_semaphore, #tpu.memory_space<semaphore_mem>>) src(%dma_wait3A_107 : memref<640xf32, #tpu.memory_space<vmem_shared>>) dst(%dma_wait3A_105 : memref<640xf32, #tpu.memory_space<vmem>>)
      tpu.yield
    }) : () -> ()
    %mul3A_28 = arith.constant 640 : i32
    %mul3A_29 = arith.muli %arg1, %mul3A_28 : i32
    %run_scoped3A_30 = arith.constant 3 : i32
    %run_scoped3A_31 = arith.constant 3 : i32
    "tpu.region"() ({
      %run_scoped3A_89 = tpu.sem_alloc : memref<!tpu.dma_semaphore, #tpu.memory_space<semaphore_mem>>
      %dma_start3A = arith.constant 0 : i32
      %dma_start3A_90 = tpu.memref_slice %arg6[%run_scoped3A_31, %dma_start3A] : memref<16x640xf32, #tpu.memory_space<vmem>> -> memref<1x640xf32, #tpu.memory_space<vmem>>
      %dma_start3A_91 = tpu.memref_squeeze %dma_start3A_90 : memref<1x640xf32, #tpu.memory_space<vmem>> -> memref<640xf32, #tpu.memory_space<vmem>>
      %dma_start3A_92 = tpu.memref_slice %arg8[%run_scoped3A_30, %mul3A_29] : memref<16x10240xf32, #tpu.memory_space<vmem_shared>> -> memref<1x640xf32, #tpu.memory_space<vmem_shared>>
      %dma_start3A_93 = tpu.memref_squeeze %dma_start3A_92 : memref<1x640xf32, #tpu.memory_space<vmem_shared>> -> memref<640xf32, #tpu.memory_space<vmem_shared>>
      %dma_start3A_94 = arith.constant 0 : i32
      %dma_start3A_95 = tpu.memref_slice %arg6[%run_scoped3A_31, %dma_start3A_94] : memref<16x640xf32, #tpu.memory_space<vmem>> -> memref<1x640xf32, #tpu.memory_space<vmem>>
      %dma_start3A_96 = tpu.memref_squeeze %dma_start3A_95 : memref<1x640xf32, #tpu.memory_space<vmem>> -> memref<640xf32, #tpu.memory_space<vmem>>
      %dma_start3A_97 = tpu.memref_slice %arg8[%run_scoped3A_30, %mul3A_29] : memref<16x10240xf32, #tpu.memory_space<vmem_shared>> -> memref<1x640xf32, #tpu.memory_space<vmem_shared>>
      %dma_start3A_98 = tpu.memref_squeeze %dma_start3A_97 : memref<1x640xf32, #tpu.memory_space<vmem_shared>> -> memref<640xf32, #tpu.memory_space<vmem_shared>>
      tpu.enqueue_dma source(%dma_start3A_98 : memref<640xf32, #tpu.memory_space<vmem_shared>>) target(%dma_start3A_96 : memref<640xf32, #tpu.memory_space<vmem>>) target_semaphore(%run_scoped3A_89 : memref<!tpu.dma_semaphore, #tpu.memory_space<semaphore_mem>>)
      %dma_wait3A = arith.constant 0 : i32
      %dma_wait3A_99 = tpu.memref_slice %arg6[%run_scoped3A_31, %dma_wait3A] : memref<16x640xf32, #tpu.memory_space<vmem>> -> memref<1x640xf32, #tpu.memory_space<vmem>>
      %dma_wait3A_100 = tpu.memref_squeeze %dma_wait3A_99 : memref<1x640xf32, #tpu.memory_space<vmem>> -> memref<640xf32, #tpu.memory_space<vmem>>
      %dma_wait3A_101 = tpu.memref_slice %arg8[%run_scoped3A_30, %mul3A_29] : memref<16x10240xf32, #tpu.memory_space<vmem_shared>> -> memref<1x640xf32, #tpu.memory_space<vmem_shared>>
      %dma_wait3A_102 = tpu.memref_squeeze %dma_wait3A_101 : memref<1x640xf32, #tpu.memory_space<vmem_shared>> -> memref<640xf32, #tpu.memory_space<vmem_shared>>
      %dma_wait3A_103 = arith.constant 0 : i32
      %dma_wait3A_104 = tpu.memref_slice %arg6[%run_scoped3A_31, %dma_wait3A_103] : memref<16x640xf32, #tpu.memory_space<vmem>> -> memref<1x640xf32, #tpu.memory_space<vmem>>
      %dma_wait3A_105 = tpu.memref_squeeze %dma_wait3A_104 : memref<1x640xf32, #tpu.memory_space<vmem>> -> memref<640xf32, #tpu.memory_space<vmem>>
      %dma_wait3A_106 = tpu.memref_slice %arg8[%run_scoped3A_30, %mul3A_29] : memref<16x10240xf32, #tpu.memory_space<vmem_shared>> -> memref<1x640xf32, #tpu.memory_space<vmem_shared>>
      %dma_wait3A_107 = tpu.memref_squeeze %dma_wait3A_106 : memref<1x640xf32, #tpu.memory_space<vmem_shared>> -> memref<640xf32, #tpu.memory_space<vmem_shared>>
      tpu.wait_dma2 semaphore(%run_scoped3A_89 : memref<!tpu.dma_semaphore, #tpu.memory_space<semaphore_mem>>) src(%dma_wait3A_107 : memref<640xf32, #tpu.memory_space<vmem_shared>>) dst(%dma_wait3A_105 : memref<640xf32, #tpu.memory_space<vmem>>)
      tpu.yield
    }) : () -> ()
    %mul3A_32 = arith.constant 640 : i32
    %mul3A_33 = arith.muli %arg1, %mul3A_32 : i32
    %run_scoped3A_34 = arith.constant 4 : i32
    %run_scoped3A_35 = arith.constant 4 : i32
    "tpu.region"() ({
      %run_scoped3A_89 = tpu.sem_alloc : memref<!tpu.dma_semaphore, #tpu.memory_space<semaphore_mem>>
      %dma_start3A = arith.constant 0 : i32
      %dma_start3A_90 = tpu.memref_slice %arg6[%run_scoped3A_35, %dma_start3A] : memref<16x640xf32, #tpu.memory_space<vmem>> -> memref<1x640xf32, #tpu.memory_space<vmem>>
      %dma_start3A_91 = tpu.memref_squeeze %dma_start3A_90 : memref<1x640xf32, #tpu.memory_space<vmem>> -> memref<640xf32, #tpu.memory_space<vmem>>
      %dma_start3A_92 = tpu.memref_slice %arg8[%run_scoped3A_34, %mul3A_33] : memref<16x10240xf32, #tpu.memory_space<vmem_shared>> -> memref<1x640xf32, #tpu.memory_space<vmem_shared>>
      %dma_start3A_93 = tpu.memref_squeeze %dma_start3A_92 : memref<1x640xf32, #tpu.memory_space<vmem_shared>> -> memref<640xf32, #tpu.memory_space<vmem_shared>>
      %dma_start3A_94 = arith.constant 0 : i32
      %dma_start3A_95 = tpu.memref_slice %arg6[%run_scoped3A_35, %dma_start3A_94] : memref<16x640xf32, #tpu.memory_space<vmem>> -> memref<1x640xf32, #tpu.memory_space<vmem>>
      %dma_start3A_96 = tpu.memref_squeeze %dma_start3A_95 : memref<1x640xf32, #tpu.memory_space<vmem>> -> memref<640xf32, #tpu.memory_space<vmem>>
      %dma_start3A_97 = tpu.memref_slice %arg8[%run_scoped3A_34, %mul3A_33] : memref<16x10240xf32, #tpu.memory_space<vmem_shared>> -> memref<1x640xf32, #tpu.memory_space<vmem_shared>>
      %dma_start3A_98 = tpu.memref_squeeze %dma_start3A_97 : memref<1x640xf32, #tpu.memory_space<vmem_shared>> -> memref<640xf32, #tpu.memory_space<vmem_shared>>
      tpu.enqueue_dma source(%dma_start3A_98 : memref<640xf32, #tpu.memory_space<vmem_shared>>) target(%dma_start3A_96 : memref<640xf32, #tpu.memory_space<vmem>>) target_semaphore(%run_scoped3A_89 : memref<!tpu.dma_semaphore, #tpu.memory_space<semaphore_mem>>)
      %dma_wait3A = arith.constant 0 : i32
      %dma_wait3A_99 = tpu.memref_slice %arg6[%run_scoped3A_35, %dma_wait3A] : memref<16x640xf32, #tpu.memory_space<vmem>> -> memref<1x640xf32, #tpu.memory_space<vmem>>
      %dma_wait3A_100 = tpu.memref_squeeze %dma_wait3A_99 : memref<1x640xf32, #tpu.memory_space<vmem>> -> memref<640xf32, #tpu.memory_space<vmem>>
      %dma_wait3A_101 = tpu.memref_slice %arg8[%run_scoped3A_34, %mul3A_33] : memref<16x10240xf32, #tpu.memory_space<vmem_shared>> -> memref<1x640xf32, #tpu.memory_space<vmem_shared>>
      %dma_wait3A_102 = tpu.memref_squeeze %dma_wait3A_101 : memref<1x640xf32, #tpu.memory_space<vmem_shared>> -> memref<640xf32, #tpu.memory_space<vmem_shared>>
      %dma_wait3A_103 = arith.constant 0 : i32
      %dma_wait3A_104 = tpu.memref_slice %arg6[%run_scoped3A_35, %dma_wait3A_103] : memref<16x640xf32, #tpu.memory_space<vmem>> -> memref<1x640xf32, #tpu.memory_space<vmem>>
      %dma_wait3A_105 = tpu.memref_squeeze %dma_wait3A_104 : memref<1x640xf32, #tpu.memory_space<vmem>> -> memref<640xf32, #tpu.memory_space<vmem>>
      %dma_wait3A_106 = tpu.memref_slice %arg8[%run_scoped3A_34, %mul3A_33] : memref<16x10240xf32, #tpu.memory_space<vmem_shared>> -> memref<1x640xf32, #tpu.memory_space<vmem_shared>>
      %dma_wait3A_107 = tpu.memref_squeeze %dma_wait3A_106 : memref<1x640xf32, #tpu.memory_space<vmem_shared>> -> memref<640xf32, #tpu.memory_space<vmem_shared>>
      tpu.wait_dma2 semaphore(%run_scoped3A_89 : memref<!tpu.dma_semaphore, #tpu.memory_space<semaphore_mem>>) src(%dma_wait3A_107 : memref<640xf32, #tpu.memory_space<vmem_shared>>) dst(%dma_wait3A_105 : memref<640xf32, #tpu.memory_space<vmem>>)
      tpu.yield
    }) : () -> ()
    %mul3A_36 = arith.constant 640 : i32
    %mul3A_37 = arith.muli %arg1, %mul3A_36 : i32
    %run_scoped3A_38 = arith.constant 5 : i32
    %run_scoped3A_39 = arith.constant 5 : i32
    "tpu.region"() ({
      %run_scoped3A_89 = tpu.sem_alloc : memref<!tpu.dma_semaphore, #tpu.memory_space<semaphore_mem>>
      %dma_start3A = arith.constant 0 : i32
      %dma_start3A_90 = tpu.memref_slice %arg6[%run_scoped3A_39, %dma_start3A] : memref<16x640xf32, #tpu.memory_space<vmem>> -> memref<1x640xf32, #tpu.memory_space<vmem>>
      %dma_start3A_91 = tpu.memref_squeeze %dma_start3A_90 : memref<1x640xf32, #tpu.memory_space<vmem>> -> memref<640xf32, #tpu.memory_space<vmem>>
      %dma_start3A_92 = tpu.memref_slice %arg8[%run_scoped3A_38, %mul3A_37] : memref<16x10240xf32, #tpu.memory_space<vmem_shared>> -> memref<1x640xf32, #tpu.memory_space<vmem_shared>>
      %dma_start3A_93 = tpu.memref_squeeze %dma_start3A_92 : memref<1x640xf32, #tpu.memory_space<vmem_shared>> -> memref<640xf32, #tpu.memory_space<vmem_shared>>
      %dma_start3A_94 = arith.constant 0 : i32
      %dma_start3A_95 = tpu.memref_slice %arg6[%run_scoped3A_39, %dma_start3A_94] : memref<16x640xf32, #tpu.memory_space<vmem>> -> memref<1x640xf32, #tpu.memory_space<vmem>>
      %dma_start3A_96 = tpu.memref_squeeze %dma_start3A_95 : memref<1x640xf32, #tpu.memory_space<vmem>> -> memref<640xf32, #tpu.memory_space<vmem>>
      %dma_start3A_97 = tpu.memref_slice %arg8[%run_scoped3A_38, %mul3A_37] : memref<16x10240xf32, #tpu.memory_space<vmem_shared>> -> memref<1x640xf32, #tpu.memory_space<vmem_shared>>
      %dma_start3A_98 = tpu.memref_squeeze %dma_start3A_97 : memref<1x640xf32, #tpu.memory_space<vmem_shared>> -> memref<640xf32, #tpu.memory_space<vmem_shared>>
      tpu.enqueue_dma source(%dma_start3A_98 : memref<640xf32, #tpu.memory_space<vmem_shared>>) target(%dma_start3A_96 : memref<640xf32, #tpu.memory_space<vmem>>) target_semaphore(%run_scoped3A_89 : memref<!tpu.dma_semaphore, #tpu.memory_space<semaphore_mem>>)
      %dma_wait3A = arith.constant 0 : i32
      %dma_wait3A_99 = tpu.memref_slice %arg6[%run_scoped3A_39, %dma_wait3A] : memref<16x640xf32, #tpu.memory_space<vmem>> -> memref<1x640xf32, #tpu.memory_space<vmem>>
      %dma_wait3A_100 = tpu.memref_squeeze %dma_wait3A_99 : memref<1x640xf32, #tpu.memory_space<vmem>> -> memref<640xf32, #tpu.memory_space<vmem>>
      %dma_wait3A_101 = tpu.memref_slice %arg8[%run_scoped3A_38, %mul3A_37] : memref<16x10240xf32, #tpu.memory_space<vmem_shared>> -> memref<1x640xf32, #tpu.memory_space<vmem_shared>>
      %dma_wait3A_102 = tpu.memref_squeeze %dma_wait3A_101 : memref<1x640xf32, #tpu.memory_space<vmem_shared>> -> memref<640xf32, #tpu.memory_space<vmem_shared>>
      %dma_wait3A_103 = arith.constant 0 : i32
      %dma_wait3A_104 = tpu.memref_slice %arg6[%run_scoped3A_39, %dma_wait3A_103] : memref<16x640xf32, #tpu.memory_space<vmem>> -> memref<1x640xf32, #tpu.memory_space<vmem>>
      %dma_wait3A_105 = tpu.memref_squeeze %dma_wait3A_104 : memref<1x640xf32, #tpu.memory_space<vmem>> -> memref<640xf32, #tpu.memory_space<vmem>>
      %dma_wait3A_106 = tpu.memref_slice %arg8[%run_scoped3A_38, %mul3A_37] : memref<16x10240xf32, #tpu.memory_space<vmem_shared>> -> memref<1x640xf32, #tpu.memory_space<vmem_shared>>
      %dma_wait3A_107 = tpu.memref_squeeze %dma_wait3A_106 : memref<1x640xf32, #tpu.memory_space<vmem_shared>> -> memref<640xf32, #tpu.memory_space<vmem_shared>>
      tpu.wait_dma2 semaphore(%run_scoped3A_89 : memref<!tpu.dma_semaphore, #tpu.memory_space<semaphore_mem>>) src(%dma_wait3A_107 : memref<640xf32, #tpu.memory_space<vmem_shared>>) dst(%dma_wait3A_105 : memref<640xf32, #tpu.memory_space<vmem>>)
      tpu.yield
    }) : () -> ()
    %mul3A_40 = arith.constant 640 : i32
    %mul3A_41 = arith.muli %arg1, %mul3A_40 : i32
    %run_scoped3A_42 = arith.constant 6 : i32
    %run_scoped3A_43 = arith.constant 6 : i32
    "tpu.region"() ({
      %run_scoped3A_89 = tpu.sem_alloc : memref<!tpu.dma_semaphore, #tpu.memory_space<semaphore_mem>>
      %dma_start3A = arith.constant 0 : i32
      %dma_start3A_90 = tpu.memref_slice %arg6[%run_scoped3A_43, %dma_start3A] : memref<16x640xf32, #tpu.memory_space<vmem>> -> memref<1x640xf32, #tpu.memory_space<vmem>>
      %dma_start3A_91 = tpu.memref_squeeze %dma_start3A_90 : memref<1x640xf32, #tpu.memory_space<vmem>> -> memref<640xf32, #tpu.memory_space<vmem>>
      %dma_start3A_92 = tpu.memref_slice %arg8[%run_scoped3A_42, %mul3A_41] : memref<16x10240xf32, #tpu.memory_space<vmem_shared>> -> memref<1x640xf32, #tpu.memory_space<vmem_shared>>
      %dma_start3A_93 = tpu.memref_squeeze %dma_start3A_92 : memref<1x640xf32, #tpu.memory_space<vmem_shared>> -> memref<640xf32, #tpu.memory_space<vmem_shared>>
      %dma_start3A_94 = arith.constant 0 : i32
      %dma_start3A_95 = tpu.memref_slice %arg6[%run_scoped3A_43, %dma_start3A_94] : memref<16x640xf32, #tpu.memory_space<vmem>> -> memref<1x640xf32, #tpu.memory_space<vmem>>
      %dma_start3A_96 = tpu.memref_squeeze %dma_start3A_95 : memref<1x640xf32, #tpu.memory_space<vmem>> -> memref<640xf32, #tpu.memory_space<vmem>>
      %dma_start3A_97 = tpu.memref_slice %arg8[%run_scoped3A_42, %mul3A_41] : memref<16x10240xf32, #tpu.memory_space<vmem_shared>> -> memref<1x640xf32, #tpu.memory_space<vmem_shared>>
      %dma_start3A_98 = tpu.memref_squeeze %dma_start3A_97 : memref<1x640xf32, #tpu.memory_space<vmem_shared>> -> memref<640xf32, #tpu.memory_space<vmem_shared>>
      tpu.enqueue_dma source(%dma_start3A_98 : memref<640xf32, #tpu.memory_space<vmem_shared>>) target(%dma_start3A_96 : memref<640xf32, #tpu.memory_space<vmem>>) target_semaphore(%run_scoped3A_89 : memref<!tpu.dma_semaphore, #tpu.memory_space<semaphore_mem>>)
      %dma_wait3A = arith.constant 0 : i32
      %dma_wait3A_99 = tpu.memref_slice %arg6[%run_scoped3A_43, %dma_wait3A] : memref<16x640xf32, #tpu.memory_space<vmem>> -> memref<1x640xf32, #tpu.memory_space<vmem>>
      %dma_wait3A_100 = tpu.memref_squeeze %dma_wait3A_99 : memref<1x640xf32, #tpu.memory_space<vmem>> -> memref<640xf32, #tpu.memory_space<vmem>>
      %dma_wait3A_101 = tpu.memref_slice %arg8[%run_scoped3A_42, %mul3A_41] : memref<16x10240xf32, #tpu.memory_space<vmem_shared>> -> memref<1x640xf32, #tpu.memory_space<vmem_shared>>
      %dma_wait3A_102 = tpu.memref_squeeze %dma_wait3A_101 : memref<1x640xf32, #tpu.memory_space<vmem_shared>> -> memref<640xf32, #tpu.memory_space<vmem_shared>>
      %dma_wait3A_103 = arith.constant 0 : i32
      %dma_wait3A_104 = tpu.memref_slice %arg6[%run_scoped3A_43, %dma_wait3A_103] : memref<16x640xf32, #tpu.memory_space<vmem>> -> memref<1x640xf32, #tpu.memory_space<vmem>>
      %dma_wait3A_105 = tpu.memref_squeeze %dma_wait3A_104 : memref<1x640xf32, #tpu.memory_space<vmem>> -> memref<640xf32, #tpu.memory_space<vmem>>
      %dma_wait3A_106 = tpu.memref_slice %arg8[%run_scoped3A_42, %mul3A_41] : memref<16x10240xf32, #tpu.memory_space<vmem_shared>> -> memref<1x640xf32, #tpu.memory_space<vmem_shared>>
      %dma_wait3A_107 = tpu.memref_squeeze %dma_wait3A_106 : memref<1x640xf32, #tpu.memory_space<vmem_shared>> -> memref<640xf32, #tpu.memory_space<vmem_shared>>
      tpu.wait_dma2 semaphore(%run_scoped3A_89 : memref<!tpu.dma_semaphore, #tpu.memory_space<semaphore_mem>>) src(%dma_wait3A_107 : memref<640xf32, #tpu.memory_space<vmem_shared>>) dst(%dma_wait3A_105 : memref<640xf32, #tpu.memory_space<vmem>>)
      tpu.yield
    }) : () -> ()
    %mul3A_44 = arith.constant 640 : i32
    %mul3A_45 = arith.muli %arg1, %mul3A_44 : i32
    %run_scoped3A_46 = arith.constant 7 : i32
    %run_scoped3A_47 = arith.constant 7 : i32
    "tpu.region"() ({
      %run_scoped3A_89 = tpu.sem_alloc : memref<!tpu.dma_semaphore, #tpu.memory_space<semaphore_mem>>
      %dma_start3A = arith.constant 0 : i32
      %dma_start3A_90 = tpu.memref_slice %arg6[%run_scoped3A_47, %dma_start3A] : memref<16x640xf32, #tpu.memory_space<vmem>> -> memref<1x640xf32, #tpu.memory_space<vmem>>
      %dma_start3A_91 = tpu.memref_squeeze %dma_start3A_90 : memref<1x640xf32, #tpu.memory_space<vmem>> -> memref<640xf32, #tpu.memory_space<vmem>>
      %dma_start3A_92 = tpu.memref_slice %arg8[%run_scoped3A_46, %mul3A_45] : memref<16x10240xf32, #tpu.memory_space<vmem_shared>> -> memref<1x640xf32, #tpu.memory_space<vmem_shared>>
      %dma_start3A_93 = tpu.memref_squeeze %dma_start3A_92 : memref<1x640xf32, #tpu.memory_space<vmem_shared>> -> memref<640xf32, #tpu.memory_space<vmem_shared>>
      %dma_start3A_94 = arith.constant 0 : i32
      %dma_start3A_95 = tpu.memref_slice %arg6[%run_scoped3A_47, %dma_start3A_94] : memref<16x640xf32, #tpu.memory_space<vmem>> -> memref<1x640xf32, #tpu.memory_space<vmem>>
      %dma_start3A_96 = tpu.memref_squeeze %dma_start3A_95 : memref<1x640xf32, #tpu.memory_space<vmem>> -> memref<640xf32, #tpu.memory_space<vmem>>
      %dma_start3A_97 = tpu.memref_slice %arg8[%run_scoped3A_46, %mul3A_45] : memref<16x10240xf32, #tpu.memory_space<vmem_shared>> -> memref<1x640xf32, #tpu.memory_space<vmem_shared>>
      %dma_start3A_98 = tpu.memref_squeeze %dma_start3A_97 : memref<1x640xf32, #tpu.memory_space<vmem_shared>> -> memref<640xf32, #tpu.memory_space<vmem_shared>>
      tpu.enqueue_dma source(%dma_start3A_98 : memref<640xf32, #tpu.memory_space<vmem_shared>>) target(%dma_start3A_96 : memref<640xf32, #tpu.memory_space<vmem>>) target_semaphore(%run_scoped3A_89 : memref<!tpu.dma_semaphore, #tpu.memory_space<semaphore_mem>>)
      %dma_wait3A = arith.constant 0 : i32
      %dma_wait3A_99 = tpu.memref_slice %arg6[%run_scoped3A_47, %dma_wait3A] : memref<16x640xf32, #tpu.memory_space<vmem>> -> memref<1x640xf32, #tpu.memory_space<vmem>>
      %dma_wait3A_100 = tpu.memref_squeeze %dma_wait3A_99 : memref<1x640xf32, #tpu.memory_space<vmem>> -> memref<640xf32, #tpu.memory_space<vmem>>
      %dma_wait3A_101 = tpu.memref_slice %arg8[%run_scoped3A_46, %mul3A_45] : memref<16x10240xf32, #tpu.memory_space<vmem_shared>> -> memref<1x640xf32, #tpu.memory_space<vmem_shared>>
      %dma_wait3A_102 = tpu.memref_squeeze %dma_wait3A_101 : memref<1x640xf32, #tpu.memory_space<vmem_shared>> -> memref<640xf32, #tpu.memory_space<vmem_shared>>
      %dma_wait3A_103 = arith.constant 0 : i32
      %dma_wait3A_104 = tpu.memref_slice %arg6[%run_scoped3A_47, %dma_wait3A_103] : memref<16x640xf32, #tpu.memory_space<vmem>> -> memref<1x640xf32, #tpu.memory_space<vmem>>
      %dma_wait3A_105 = tpu.memref_squeeze %dma_wait3A_104 : memref<1x640xf32, #tpu.memory_space<vmem>> -> memref<640xf32, #tpu.memory_space<vmem>>
      %dma_wait3A_106 = tpu.memref_slice %arg8[%run_scoped3A_46, %mul3A_45] : memref<16x10240xf32, #tpu.memory_space<vmem_shared>> -> memref<1x640xf32, #tpu.memory_space<vmem_shared>>
      %dma_wait3A_107 = tpu.memref_squeeze %dma_wait3A_106 : memref<1x640xf32, #tpu.memory_space<vmem_shared>> -> memref<640xf32, #tpu.memory_space<vmem_shared>>
      tpu.wait_dma2 semaphore(%run_scoped3A_89 : memref<!tpu.dma_semaphore, #tpu.memory_space<semaphore_mem>>) src(%dma_wait3A_107 : memref<640xf32, #tpu.memory_space<vmem_shared>>) dst(%dma_wait3A_105 : memref<640xf32, #tpu.memory_space<vmem>>)
      tpu.yield
    }) : () -> ()
    %mul3A_48 = arith.constant 640 : i32
    %mul3A_49 = arith.muli %arg1, %mul3A_48 : i32
    %run_scoped3A_50 = arith.constant 8 : i32
    %run_scoped3A_51 = arith.constant 8 : i32
    "tpu.region"() ({
      %run_scoped3A_89 = tpu.sem_alloc : memref<!tpu.dma_semaphore, #tpu.memory_space<semaphore_mem>>
      %dma_start3A = arith.constant 0 : i32
      %dma_start3A_90 = tpu.memref_slice %arg6[%run_scoped3A_51, %dma_start3A] : memref<16x640xf32, #tpu.memory_space<vmem>> -> memref<1x640xf32, #tpu.memory_space<vmem>>
      %dma_start3A_91 = tpu.memref_squeeze %dma_start3A_90 : memref<1x640xf32, #tpu.memory_space<vmem>> -> memref<640xf32, #tpu.memory_space<vmem>>
      %dma_start3A_92 = tpu.memref_slice %arg8[%run_scoped3A_50, %mul3A_49] : memref<16x10240xf32, #tpu.memory_space<vmem_shared>> -> memref<1x640xf32, #tpu.memory_space<vmem_shared>>
      %dma_start3A_93 = tpu.memref_squeeze %dma_start3A_92 : memref<1x640xf32, #tpu.memory_space<vmem_shared>> -> memref<640xf32, #tpu.memory_space<vmem_shared>>
      %dma_start3A_94 = arith.constant 0 : i32
      %dma_start3A_95 = tpu.memref_slice %arg6[%run_scoped3A_51, %dma_start3A_94] : memref<16x640xf32, #tpu.memory_space<vmem>> -> memref<1x640xf32, #tpu.memory_space<vmem>>
      %dma_start3A_96 = tpu.memref_squeeze %dma_start3A_95 : memref<1x640xf32, #tpu.memory_space<vmem>> -> memref<640xf32, #tpu.memory_space<vmem>>
      %dma_start3A_97 = tpu.memref_slice %arg8[%run_scoped3A_50, %mul3A_49] : memref<16x10240xf32, #tpu.memory_space<vmem_shared>> -> memref<1x640xf32, #tpu.memory_space<vmem_shared>>
      %dma_start3A_98 = tpu.memref_squeeze %dma_start3A_97 : memref<1x640xf32, #tpu.memory_space<vmem_shared>> -> memref<640xf32, #tpu.memory_space<vmem_shared>>
      tpu.enqueue_dma source(%dma_start3A_98 : memref<640xf32, #tpu.memory_space<vmem_shared>>) target(%dma_start3A_96 : memref<640xf32, #tpu.memory_space<vmem>>) target_semaphore(%run_scoped3A_89 : memref<!tpu.dma_semaphore, #tpu.memory_space<semaphore_mem>>)
      %dma_wait3A = arith.constant 0 : i32
      %dma_wait3A_99 = tpu.memref_slice %arg6[%run_scoped3A_51, %dma_wait3A] : memref<16x640xf32, #tpu.memory_space<vmem>> -> memref<1x640xf32, #tpu.memory_space<vmem>>
      %dma_wait3A_100 = tpu.memref_squeeze %dma_wait3A_99 : memref<1x640xf32, #tpu.memory_space<vmem>> -> memref<640xf32, #tpu.memory_space<vmem>>
      %dma_wait3A_101 = tpu.memref_slice %arg8[%run_scoped3A_50, %mul3A_49] : memref<16x10240xf32, #tpu.memory_space<vmem_shared>> -> memref<1x640xf32, #tpu.memory_space<vmem_shared>>
      %dma_wait3A_102 = tpu.memref_squeeze %dma_wait3A_101 : memref<1x640xf32, #tpu.memory_space<vmem_shared>> -> memref<640xf32, #tpu.memory_space<vmem_shared>>
      %dma_wait3A_103 = arith.constant 0 : i32
      %dma_wait3A_104 = tpu.memref_slice %arg6[%run_scoped3A_51, %dma_wait3A_103] : memref<16x640xf32, #tpu.memory_space<vmem>> -> memref<1x640xf32, #tpu.memory_space<vmem>>
      %dma_wait3A_105 = tpu.memref_squeeze %dma_wait3A_104 : memref<1x640xf32, #tpu.memory_space<vmem>> -> memref<640xf32, #tpu.memory_space<vmem>>
      %dma_wait3A_106 = tpu.memref_slice %arg8[%run_scoped3A_50, %mul3A_49] : memref<16x10240xf32, #tpu.memory_space<vmem_shared>> -> memref<1x640xf32, #tpu.memory_space<vmem_shared>>
      %dma_wait3A_107 = tpu.memref_squeeze %dma_wait3A_106 : memref<1x640xf32, #tpu.memory_space<vmem_shared>> -> memref<640xf32, #tpu.memory_space<vmem_shared>>
      tpu.wait_dma2 semaphore(%run_scoped3A_89 : memref<!tpu.dma_semaphore, #tpu.memory_space<semaphore_mem>>) src(%dma_wait3A_107 : memref<640xf32, #tpu.memory_space<vmem_shared>>) dst(%dma_wait3A_105 : memref<640xf32, #tpu.memory_space<vmem>>)
      tpu.yield
    }) : () -> ()
    %mul3A_52 = arith.constant 640 : i32
    %mul3A_53 = arith.muli %arg1, %mul3A_52 : i32
    %run_scoped3A_54 = arith.constant 9 : i32
    %run_scoped3A_55 = arith.constant 9 : i32
    "tpu.region"() ({
      %run_scoped3A_89 = tpu.sem_alloc : memref<!tpu.dma_semaphore, #tpu.memory_space<semaphore_mem>>
      %dma_start3A = arith.constant 0 : i32
      %dma_start3A_90 = tpu.memref_slice %arg6[%run_scoped3A_55, %dma_start3A] : memref<16x640xf32, #tpu.memory_space<vmem>> -> memref<1x640xf32, #tpu.memory_space<vmem>>
      %dma_start3A_91 = tpu.memref_squeeze %dma_start3A_90 : memref<1x640xf32, #tpu.memory_space<vmem>> -> memref<640xf32, #tpu.memory_space<vmem>>
      %dma_start3A_92 = tpu.memref_slice %arg8[%run_scoped3A_54, %mul3A_53] : memref<16x10240xf32, #tpu.memory_space<vmem_shared>> -> memref<1x640xf32, #tpu.memory_space<vmem_shared>>
      %dma_start3A_93 = tpu.memref_squeeze %dma_start3A_92 : memref<1x640xf32, #tpu.memory_space<vmem_shared>> -> memref<640xf32, #tpu.memory_space<vmem_shared>>
      %dma_start3A_94 = arith.constant 0 : i32
      %dma_start3A_95 = tpu.memref_slice %arg6[%run_scoped3A_55, %dma_start3A_94] : memref<16x640xf32, #tpu.memory_space<vmem>> -> memref<1x640xf32, #tpu.memory_space<vmem>>
      %dma_start3A_96 = tpu.memref_squeeze %dma_start3A_95 : memref<1x640xf32, #tpu.memory_space<vmem>> -> memref<640xf32, #tpu.memory_space<vmem>>
      %dma_start3A_97 = tpu.memref_slice %arg8[%run_scoped3A_54, %mul3A_53] : memref<16x10240xf32, #tpu.memory_space<vmem_shared>> -> memref<1x640xf32, #tpu.memory_space<vmem_shared>>
      %dma_start3A_98 = tpu.memref_squeeze %dma_start3A_97 : memref<1x640xf32, #tpu.memory_space<vmem_shared>> -> memref<640xf32, #tpu.memory_space<vmem_shared>>
      tpu.enqueue_dma source(%dma_start3A_98 : memref<640xf32, #tpu.memory_space<vmem_shared>>) target(%dma_start3A_96 : memref<640xf32, #tpu.memory_space<vmem>>) target_semaphore(%run_scoped3A_89 : memref<!tpu.dma_semaphore, #tpu.memory_space<semaphore_mem>>)
      %dma_wait3A = arith.constant 0 : i32
      %dma_wait3A_99 = tpu.memref_slice %arg6[%run_scoped3A_55, %dma_wait3A] : memref<16x640xf32, #tpu.memory_space<vmem>> -> memref<1x640xf32, #tpu.memory_space<vmem>>
      %dma_wait3A_100 = tpu.memref_squeeze %dma_wait3A_99 : memref<1x640xf32, #tpu.memory_space<vmem>> -> memref<640xf32, #tpu.memory_space<vmem>>
      %dma_wait3A_101 = tpu.memref_slice %arg8[%run_scoped3A_54, %mul3A_53] : memref<16x10240xf32, #tpu.memory_space<vmem_shared>> -> memref<1x640xf32, #tpu.memory_space<vmem_shared>>
      %dma_wait3A_102 = tpu.memref_squeeze %dma_wait3A_101 : memref<1x640xf32, #tpu.memory_space<vmem_shared>> -> memref<640xf32, #tpu.memory_space<vmem_shared>>
      %dma_wait3A_103 = arith.constant 0 : i32
      %dma_wait3A_104 = tpu.memref_slice %arg6[%run_scoped3A_55, %dma_wait3A_103] : memref<16x640xf32, #tpu.memory_space<vmem>> -> memref<1x640xf32, #tpu.memory_space<vmem>>
      %dma_wait3A_105 = tpu.memref_squeeze %dma_wait3A_104 : memref<1x640xf32, #tpu.memory_space<vmem>> -> memref<640xf32, #tpu.memory_space<vmem>>
      %dma_wait3A_106 = tpu.memref_slice %arg8[%run_scoped3A_54, %mul3A_53] : memref<16x10240xf32, #tpu.memory_space<vmem_shared>> -> memref<1x640xf32, #tpu.memory_space<vmem_shared>>
      %dma_wait3A_107 = tpu.memref_squeeze %dma_wait3A_106 : memref<1x640xf32, #tpu.memory_space<vmem_shared>> -> memref<640xf32, #tpu.memory_space<vmem_shared>>
      tpu.wait_dma2 semaphore(%run_scoped3A_89 : memref<!tpu.dma_semaphore, #tpu.memory_space<semaphore_mem>>) src(%dma_wait3A_107 : memref<640xf32, #tpu.memory_space<vmem_shared>>) dst(%dma_wait3A_105 : memref<640xf32, #tpu.memory_space<vmem>>)
      tpu.yield
    }) : () -> ()
    %mul3A_56 = arith.constant 640 : i32
    %mul3A_57 = arith.muli %arg1, %mul3A_56 : i32
    %run_scoped3A_58 = arith.constant 10 : i32
    %run_scoped3A_59 = arith.constant 10 : i32
    "tpu.region"() ({
      %run_scoped3A_89 = tpu.sem_alloc : memref<!tpu.dma_semaphore, #tpu.memory_space<semaphore_mem>>
      %dma_start3A = arith.constant 0 : i32
      %dma_start3A_90 = tpu.memref_slice %arg6[%run_scoped3A_59, %dma_start3A] : memref<16x640xf32, #tpu.memory_space<vmem>> -> memref<1x640xf32, #tpu.memory_space<vmem>>
      %dma_start3A_91 = tpu.memref_squeeze %dma_start3A_90 : memref<1x640xf32, #tpu.memory_space<vmem>> -> memref<640xf32, #tpu.memory_space<vmem>>
      %dma_start3A_92 = tpu.memref_slice %arg8[%run_scoped3A_58, %mul3A_57] : memref<16x10240xf32, #tpu.memory_space<vmem_shared>> -> memref<1x640xf32, #tpu.memory_space<vmem_shared>>
      %dma_start3A_93 = tpu.memref_squeeze %dma_start3A_92 : memref<1x640xf32, #tpu.memory_space<vmem_shared>> -> memref<640xf32, #tpu.memory_space<vmem_shared>>
      %dma_start3A_94 = arith.constant 0 : i32
      %dma_start3A_95 = tpu.memref_slice %arg6[%run_scoped3A_59, %dma_start3A_94] : memref<16x640xf32, #tpu.memory_space<vmem>> -> memref<1x640xf32, #tpu.memory_space<vmem>>
      %dma_start3A_96 = tpu.memref_squeeze %dma_start3A_95 : memref<1x640xf32, #tpu.memory_space<vmem>> -> memref<640xf32, #tpu.memory_space<vmem>>
      %dma_start3A_97 = tpu.memref_slice %arg8[%run_scoped3A_58, %mul3A_57] : memref<16x10240xf32, #tpu.memory_space<vmem_shared>> -> memref<1x640xf32, #tpu.memory_space<vmem_shared>>
      %dma_start3A_98 = tpu.memref_squeeze %dma_start3A_97 : memref<1x640xf32, #tpu.memory_space<vmem_shared>> -> memref<640xf32, #tpu.memory_space<vmem_shared>>
      tpu.enqueue_dma source(%dma_start3A_98 : memref<640xf32, #tpu.memory_space<vmem_shared>>) target(%dma_start3A_96 : memref<640xf32, #tpu.memory_space<vmem>>) target_semaphore(%run_scoped3A_89 : memref<!tpu.dma_semaphore, #tpu.memory_space<semaphore_mem>>)
      %dma_wait3A = arith.constant 0 : i32
      %dma_wait3A_99 = tpu.memref_slice %arg6[%run_scoped3A_59, %dma_wait3A] : memref<16x640xf32, #tpu.memory_space<vmem>> -> memref<1x640xf32, #tpu.memory_space<vmem>>
      %dma_wait3A_100 = tpu.memref_squeeze %dma_wait3A_99 : memref<1x640xf32, #tpu.memory_space<vmem>> -> memref<640xf32, #tpu.memory_space<vmem>>
      %dma_wait3A_101 = tpu.memref_slice %arg8[%run_scoped3A_58, %mul3A_57] : memref<16x10240xf32, #tpu.memory_space<vmem_shared>> -> memref<1x640xf32, #tpu.memory_space<vmem_shared>>
      %dma_wait3A_102 = tpu.memref_squeeze %dma_wait3A_101 : memref<1x640xf32, #tpu.memory_space<vmem_shared>> -> memref<640xf32, #tpu.memory_space<vmem_shared>>
      %dma_wait3A_103 = arith.constant 0 : i32
      %dma_wait3A_104 = tpu.memref_slice %arg6[%run_scoped3A_59, %dma_wait3A_103] : memref<16x640xf32, #tpu.memory_space<vmem>> -> memref<1x640xf32, #tpu.memory_space<vmem>>
      %dma_wait3A_105 = tpu.memref_squeeze %dma_wait3A_104 : memref<1x640xf32, #tpu.memory_space<vmem>> -> memref<640xf32, #tpu.memory_space<vmem>>
      %dma_wait3A_106 = tpu.memref_slice %arg8[%run_scoped3A_58, %mul3A_57] : memref<16x10240xf32, #tpu.memory_space<vmem_shared>> -> memref<1x640xf32, #tpu.memory_space<vmem_shared>>
      %dma_wait3A_107 = tpu.memref_squeeze %dma_wait3A_106 : memref<1x640xf32, #tpu.memory_space<vmem_shared>> -> memref<640xf32, #tpu.memory_space<vmem_shared>>
      tpu.wait_dma2 semaphore(%run_scoped3A_89 : memref<!tpu.dma_semaphore, #tpu.memory_space<semaphore_mem>>) src(%dma_wait3A_107 : memref<640xf32, #tpu.memory_space<vmem_shared>>) dst(%dma_wait3A_105 : memref<640xf32, #tpu.memory_space<vmem>>)
      tpu.yield
    }) : () -> ()
    %mul3A_60 = arith.constant 640 : i32
    %mul3A_61 = arith.muli %arg1, %mul3A_60 : i32
    %run_scoped3A_62 = arith.constant 11 : i32
    %run_scoped3A_63 = arith.constant 11 : i32
    "tpu.region"() ({
      %run_scoped3A_89 = tpu.sem_alloc : memref<!tpu.dma_semaphore, #tpu.memory_space<semaphore_mem>>
      %dma_start3A = arith.constant 0 : i32
      %dma_start3A_90 = tpu.memref_slice %arg6[%run_scoped3A_63, %dma_start3A] : memref<16x640xf32, #tpu.memory_space<vmem>> -> memref<1x640xf32, #tpu.memory_space<vmem>>
      %dma_start3A_91 = tpu.memref_squeeze %dma_start3A_90 : memref<1x640xf32, #tpu.memory_space<vmem>> -> memref<640xf32, #tpu.memory_space<vmem>>
      %dma_start3A_92 = tpu.memref_slice %arg8[%run_scoped3A_62, %mul3A_61] : memref<16x10240xf32, #tpu.memory_space<vmem_shared>> -> memref<1x640xf32, #tpu.memory_space<vmem_shared>>
      %dma_start3A_93 = tpu.memref_squeeze %dma_start3A_92 : memref<1x640xf32, #tpu.memory_space<vmem_shared>> -> memref<640xf32, #tpu.memory_space<vmem_shared>>
      %dma_start3A_94 = arith.constant 0 : i32
      %dma_start3A_95 = tpu.memref_slice %arg6[%run_scoped3A_63, %dma_start3A_94] : memref<16x640xf32, #tpu.memory_space<vmem>> -> memref<1x640xf32, #tpu.memory_space<vmem>>
      %dma_start3A_96 = tpu.memref_squeeze %dma_start3A_95 : memref<1x640xf32, #tpu.memory_space<vmem>> -> memref<640xf32, #tpu.memory_space<vmem>>
      %dma_start3A_97 = tpu.memref_slice %arg8[%run_scoped3A_62, %mul3A_61] : memref<16x10240xf32, #tpu.memory_space<vmem_shared>> -> memref<1x640xf32, #tpu.memory_space<vmem_shared>>
      %dma_start3A_98 = tpu.memref_squeeze %dma_start3A_97 : memref<1x640xf32, #tpu.memory_space<vmem_shared>> -> memref<640xf32, #tpu.memory_space<vmem_shared>>
      tpu.enqueue_dma source(%dma_start3A_98 : memref<640xf32, #tpu.memory_space<vmem_shared>>) target(%dma_start3A_96 : memref<640xf32, #tpu.memory_space<vmem>>) target_semaphore(%run_scoped3A_89 : memref<!tpu.dma_semaphore, #tpu.memory_space<semaphore_mem>>)
      %dma_wait3A = arith.constant 0 : i32
      %dma_wait3A_99 = tpu.memref_slice %arg6[%run_scoped3A_63, %dma_wait3A] : memref<16x640xf32, #tpu.memory_space<vmem>> -> memref<1x640xf32, #tpu.memory_space<vmem>>
      %dma_wait3A_100 = tpu.memref_squeeze %dma_wait3A_99 : memref<1x640xf32, #tpu.memory_space<vmem>> -> memref<640xf32, #tpu.memory_space<vmem>>
      %dma_wait3A_101 = tpu.memref_slice %arg8[%run_scoped3A_62, %mul3A_61] : memref<16x10240xf32, #tpu.memory_space<vmem_shared>> -> memref<1x640xf32, #tpu.memory_space<vmem_shared>>
      %dma_wait3A_102 = tpu.memref_squeeze %dma_wait3A_101 : memref<1x640xf32, #tpu.memory_space<vmem_shared>> -> memref<640xf32, #tpu.memory_space<vmem_shared>>
      %dma_wait3A_103 = arith.constant 0 : i32
      %dma_wait3A_104 = tpu.memref_slice %arg6[%run_scoped3A_63, %dma_wait3A_103] : memref<16x640xf32, #tpu.memory_space<vmem>> -> memref<1x640xf32, #tpu.memory_space<vmem>>
      %dma_wait3A_105 = tpu.memref_squeeze %dma_wait3A_104 : memref<1x640xf32, #tpu.memory_space<vmem>> -> memref<640xf32, #tpu.memory_space<vmem>>
      %dma_wait3A_106 = tpu.memref_slice %arg8[%run_scoped3A_62, %mul3A_61] : memref<16x10240xf32, #tpu.memory_space<vmem_shared>> -> memref<1x640xf32, #tpu.memory_space<vmem_shared>>
      %dma_wait3A_107 = tpu.memref_squeeze %dma_wait3A_106 : memref<1x640xf32, #tpu.memory_space<vmem_shared>> -> memref<640xf32, #tpu.memory_space<vmem_shared>>
      tpu.wait_dma2 semaphore(%run_scoped3A_89 : memref<!tpu.dma_semaphore, #tpu.memory_space<semaphore_mem>>) src(%dma_wait3A_107 : memref<640xf32, #tpu.memory_space<vmem_shared>>) dst(%dma_wait3A_105 : memref<640xf32, #tpu.memory_space<vmem>>)
      tpu.yield
    }) : () -> ()
    %mul3A_64 = arith.constant 640 : i32
    %mul3A_65 = arith.muli %arg1, %mul3A_64 : i32
    %run_scoped3A_66 = arith.constant 12 : i32
    %run_scoped3A_67 = arith.constant 12 : i32
    "tpu.region"() ({
      %run_scoped3A_89 = tpu.sem_alloc : memref<!tpu.dma_semaphore, #tpu.memory_space<semaphore_mem>>
      %dma_start3A = arith.constant 0 : i32
      %dma_start3A_90 = tpu.memref_slice %arg6[%run_scoped3A_67, %dma_start3A] : memref<16x640xf32, #tpu.memory_space<vmem>> -> memref<1x640xf32, #tpu.memory_space<vmem>>
      %dma_start3A_91 = tpu.memref_squeeze %dma_start3A_90 : memref<1x640xf32, #tpu.memory_space<vmem>> -> memref<640xf32, #tpu.memory_space<vmem>>
      %dma_start3A_92 = tpu.memref_slice %arg8[%run_scoped3A_66, %mul3A_65] : memref<16x10240xf32, #tpu.memory_space<vmem_shared>> -> memref<1x640xf32, #tpu.memory_space<vmem_shared>>
      %dma_start3A_93 = tpu.memref_squeeze %dma_start3A_92 : memref<1x640xf32, #tpu.memory_space<vmem_shared>> -> memref<640xf32, #tpu.memory_space<vmem_shared>>
      %dma_start3A_94 = arith.constant 0 : i32
      %dma_start3A_95 = tpu.memref_slice %arg6[%run_scoped3A_67, %dma_start3A_94] : memref<16x640xf32, #tpu.memory_space<vmem>> -> memref<1x640xf32, #tpu.memory_space<vmem>>
      %dma_start3A_96 = tpu.memref_squeeze %dma_start3A_95 : memref<1x640xf32, #tpu.memory_space<vmem>> -> memref<640xf32, #tpu.memory_space<vmem>>
      %dma_start3A_97 = tpu.memref_slice %arg8[%run_scoped3A_66, %mul3A_65] : memref<16x10240xf32, #tpu.memory_space<vmem_shared>> -> memref<1x640xf32, #tpu.memory_space<vmem_shared>>
      %dma_start3A_98 = tpu.memref_squeeze %dma_start3A_97 : memref<1x640xf32, #tpu.memory_space<vmem_shared>> -> memref<640xf32, #tpu.memory_space<vmem_shared>>
      tpu.enqueue_dma source(%dma_start3A_98 : memref<640xf32, #tpu.memory_space<vmem_shared>>) target(%dma_start3A_96 : memref<640xf32, #tpu.memory_space<vmem>>) target_semaphore(%run_scoped3A_89 : memref<!tpu.dma_semaphore, #tpu.memory_space<semaphore_mem>>)
      %dma_wait3A = arith.constant 0 : i32
      %dma_wait3A_99 = tpu.memref_slice %arg6[%run_scoped3A_67, %dma_wait3A] : memref<16x640xf32, #tpu.memory_space<vmem>> -> memref<1x640xf32, #tpu.memory_space<vmem>>
      %dma_wait3A_100 = tpu.memref_squeeze %dma_wait3A_99 : memref<1x640xf32, #tpu.memory_space<vmem>> -> memref<640xf32, #tpu.memory_space<vmem>>
      %dma_wait3A_101 = tpu.memref_slice %arg8[%run_scoped3A_66, %mul3A_65] : memref<16x10240xf32, #tpu.memory_space<vmem_shared>> -> memref<1x640xf32, #tpu.memory_space<vmem_shared>>
      %dma_wait3A_102 = tpu.memref_squeeze %dma_wait3A_101 : memref<1x640xf32, #tpu.memory_space<vmem_shared>> -> memref<640xf32, #tpu.memory_space<vmem_shared>>
      %dma_wait3A_103 = arith.constant 0 : i32
      %dma_wait3A_104 = tpu.memref_slice %arg6[%run_scoped3A_67, %dma_wait3A_103] : memref<16x640xf32, #tpu.memory_space<vmem>> -> memref<1x640xf32, #tpu.memory_space<vmem>>
      %dma_wait3A_105 = tpu.memref_squeeze %dma_wait3A_104 : memref<1x640xf32, #tpu.memory_space<vmem>> -> memref<640xf32, #tpu.memory_space<vmem>>
      %dma_wait3A_106 = tpu.memref_slice %arg8[%run_scoped3A_66, %mul3A_65] : memref<16x10240xf32, #tpu.memory_space<vmem_shared>> -> memref<1x640xf32, #tpu.memory_space<vmem_shared>>
      %dma_wait3A_107 = tpu.memref_squeeze %dma_wait3A_106 : memref<1x640xf32, #tpu.memory_space<vmem_shared>> -> memref<640xf32, #tpu.memory_space<vmem_shared>>
      tpu.wait_dma2 semaphore(%run_scoped3A_89 : memref<!tpu.dma_semaphore, #tpu.memory_space<semaphore_mem>>) src(%dma_wait3A_107 : memref<640xf32, #tpu.memory_space<vmem_shared>>) dst(%dma_wait3A_105 : memref<640xf32, #tpu.memory_space<vmem>>)
      tpu.yield
    }) : () -> ()
    %mul3A_68 = arith.constant 640 : i32
    %mul3A_69 = arith.muli %arg1, %mul3A_68 : i32
    %run_scoped3A_70 = arith.constant 13 : i32
    %run_scoped3A_71 = arith.constant 13 : i32
    "tpu.region"() ({
      %run_scoped3A_89 = tpu.sem_alloc : memref<!tpu.dma_semaphore, #tpu.memory_space<semaphore_mem>>
      %dma_start3A = arith.constant 0 : i32
      %dma_start3A_90 = tpu.memref_slice %arg6[%run_scoped3A_71, %dma_start3A] : memref<16x640xf32, #tpu.memory_space<vmem>> -> memref<1x640xf32, #tpu.memory_space<vmem>>
      %dma_start3A_91 = tpu.memref_squeeze %dma_start3A_90 : memref<1x640xf32, #tpu.memory_space<vmem>> -> memref<640xf32, #tpu.memory_space<vmem>>
      %dma_start3A_92 = tpu.memref_slice %arg8[%run_scoped3A_70, %mul3A_69] : memref<16x10240xf32, #tpu.memory_space<vmem_shared>> -> memref<1x640xf32, #tpu.memory_space<vmem_shared>>
      %dma_start3A_93 = tpu.memref_squeeze %dma_start3A_92 : memref<1x640xf32, #tpu.memory_space<vmem_shared>> -> memref<640xf32, #tpu.memory_space<vmem_shared>>
      %dma_start3A_94 = arith.constant 0 : i32
      %dma_start3A_95 = tpu.memref_slice %arg6[%run_scoped3A_71, %dma_start3A_94] : memref<16x640xf32, #tpu.memory_space<vmem>> -> memref<1x640xf32, #tpu.memory_space<vmem>>
      %dma_start3A_96 = tpu.memref_squeeze %dma_start3A_95 : memref<1x640xf32, #tpu.memory_space<vmem>> -> memref<640xf32, #tpu.memory_space<vmem>>
      %dma_start3A_97 = tpu.memref_slice %arg8[%run_scoped3A_70, %mul3A_69] : memref<16x10240xf32, #tpu.memory_space<vmem_shared>> -> memref<1x640xf32, #tpu.memory_space<vmem_shared>>
      %dma_start3A_98 = tpu.memref_squeeze %dma_start3A_97 : memref<1x640xf32, #tpu.memory_space<vmem_shared>> -> memref<640xf32, #tpu.memory_space<vmem_shared>>
      tpu.enqueue_dma source(%dma_start3A_98 : memref<640xf32, #tpu.memory_space<vmem_shared>>) target(%dma_start3A_96 : memref<640xf32, #tpu.memory_space<vmem>>) target_semaphore(%run_scoped3A_89 : memref<!tpu.dma_semaphore, #tpu.memory_space<semaphore_mem>>)
      %dma_wait3A = arith.constant 0 : i32
      %dma_wait3A_99 = tpu.memref_slice %arg6[%run_scoped3A_71, %dma_wait3A] : memref<16x640xf32, #tpu.memory_space<vmem>> -> memref<1x640xf32, #tpu.memory_space<vmem>>
      %dma_wait3A_100 = tpu.memref_squeeze %dma_wait3A_99 : memref<1x640xf32, #tpu.memory_space<vmem>> -> memref<640xf32, #tpu.memory_space<vmem>>
      %dma_wait3A_101 = tpu.memref_slice %arg8[%run_scoped3A_70, %mul3A_69] : memref<16x10240xf32, #tpu.memory_space<vmem_shared>> -> memref<1x640xf32, #tpu.memory_space<vmem_shared>>
      %dma_wait3A_102 = tpu.memref_squeeze %dma_wait3A_101 : memref<1x640xf32, #tpu.memory_space<vmem_shared>> -> memref<640xf32, #tpu.memory_space<vmem_shared>>
      %dma_wait3A_103 = arith.constant 0 : i32
      %dma_wait3A_104 = tpu.memref_slice %arg6[%run_scoped3A_71, %dma_wait3A_103] : memref<16x640xf32, #tpu.memory_space<vmem>> -> memref<1x640xf32, #tpu.memory_space<vmem>>
      %dma_wait3A_105 = tpu.memref_squeeze %dma_wait3A_104 : memref<1x640xf32, #tpu.memory_space<vmem>> -> memref<640xf32, #tpu.memory_space<vmem>>
      %dma_wait3A_106 = tpu.memref_slice %arg8[%run_scoped3A_70, %mul3A_69] : memref<16x10240xf32, #tpu.memory_space<vmem_shared>> -> memref<1x640xf32, #tpu.memory_space<vmem_shared>>
      %dma_wait3A_107 = tpu.memref_squeeze %dma_wait3A_106 : memref<1x640xf32, #tpu.memory_space<vmem_shared>> -> memref<640xf32, #tpu.memory_space<vmem_shared>>
      tpu.wait_dma2 semaphore(%run_scoped3A_89 : memref<!tpu.dma_semaphore, #tpu.memory_space<semaphore_mem>>) src(%dma_wait3A_107 : memref<640xf32, #tpu.memory_space<vmem_shared>>) dst(%dma_wait3A_105 : memref<640xf32, #tpu.memory_space<vmem>>)
      tpu.yield
    }) : () -> ()
    %mul3A_72 = arith.constant 640 : i32
    %mul3A_73 = arith.muli %arg1, %mul3A_72 : i32
    %run_scoped3A_74 = arith.constant 14 : i32
    %run_scoped3A_75 = arith.constant 14 : i32
    "tpu.region"() ({
      %run_scoped3A_89 = tpu.sem_alloc : memref<!tpu.dma_semaphore, #tpu.memory_space<semaphore_mem>>
      %dma_start3A = arith.constant 0 : i32
      %dma_start3A_90 = tpu.memref_slice %arg6[%run_scoped3A_75, %dma_start3A] : memref<16x640xf32, #tpu.memory_space<vmem>> -> memref<1x640xf32, #tpu.memory_space<vmem>>
      %dma_start3A_91 = tpu.memref_squeeze %dma_start3A_90 : memref<1x640xf32, #tpu.memory_space<vmem>> -> memref<640xf32, #tpu.memory_space<vmem>>
      %dma_start3A_92 = tpu.memref_slice %arg8[%run_scoped3A_74, %mul3A_73] : memref<16x10240xf32, #tpu.memory_space<vmem_shared>> -> memref<1x640xf32, #tpu.memory_space<vmem_shared>>
      %dma_start3A_93 = tpu.memref_squeeze %dma_start3A_92 : memref<1x640xf32, #tpu.memory_space<vmem_shared>> -> memref<640xf32, #tpu.memory_space<vmem_shared>>
      %dma_start3A_94 = arith.constant 0 : i32
      %dma_start3A_95 = tpu.memref_slice %arg6[%run_scoped3A_75, %dma_start3A_94] : memref<16x640xf32, #tpu.memory_space<vmem>> -> memref<1x640xf32, #tpu.memory_space<vmem>>
      %dma_start3A_96 = tpu.memref_squeeze %dma_start3A_95 : memref<1x640xf32, #tpu.memory_space<vmem>> -> memref<640xf32, #tpu.memory_space<vmem>>
      %dma_start3A_97 = tpu.memref_slice %arg8[%run_scoped3A_74, %mul3A_73] : memref<16x10240xf32, #tpu.memory_space<vmem_shared>> -> memref<1x640xf32, #tpu.memory_space<vmem_shared>>
      %dma_start3A_98 = tpu.memref_squeeze %dma_start3A_97 : memref<1x640xf32, #tpu.memory_space<vmem_shared>> -> memref<640xf32, #tpu.memory_space<vmem_shared>>
      tpu.enqueue_dma source(%dma_start3A_98 : memref<640xf32, #tpu.memory_space<vmem_shared>>) target(%dma_start3A_96 : memref<640xf32, #tpu.memory_space<vmem>>) target_semaphore(%run_scoped3A_89 : memref<!tpu.dma_semaphore, #tpu.memory_space<semaphore_mem>>)
      %dma_wait3A = arith.constant 0 : i32
      %dma_wait3A_99 = tpu.memref_slice %arg6[%run_scoped3A_75, %dma_wait3A] : memref<16x640xf32, #tpu.memory_space<vmem>> -> memref<1x640xf32, #tpu.memory_space<vmem>>
      %dma_wait3A_100 = tpu.memref_squeeze %dma_wait3A_99 : memref<1x640xf32, #tpu.memory_space<vmem>> -> memref<640xf32, #tpu.memory_space<vmem>>
      %dma_wait3A_101 = tpu.memref_slice %arg8[%run_scoped3A_74, %mul3A_73] : memref<16x10240xf32, #tpu.memory_space<vmem_shared>> -> memref<1x640xf32, #tpu.memory_space<vmem_shared>>
      %dma_wait3A_102 = tpu.memref_squeeze %dma_wait3A_101 : memref<1x640xf32, #tpu.memory_space<vmem_shared>> -> memref<640xf32, #tpu.memory_space<vmem_shared>>
      %dma_wait3A_103 = arith.constant 0 : i32
      %dma_wait3A_104 = tpu.memref_slice %arg6[%run_scoped3A_75, %dma_wait3A_103] : memref<16x640xf32, #tpu.memory_space<vmem>> -> memref<1x640xf32, #tpu.memory_space<vmem>>
      %dma_wait3A_105 = tpu.memref_squeeze %dma_wait3A_104 : memref<1x640xf32, #tpu.memory_space<vmem>> -> memref<640xf32, #tpu.memory_space<vmem>>
      %dma_wait3A_106 = tpu.memref_slice %arg8[%run_scoped3A_74, %mul3A_73] : memref<16x10240xf32, #tpu.memory_space<vmem_shared>> -> memref<1x640xf32, #tpu.memory_space<vmem_shared>>
      %dma_wait3A_107 = tpu.memref_squeeze %dma_wait3A_106 : memref<1x640xf32, #tpu.memory_space<vmem_shared>> -> memref<640xf32, #tpu.memory_space<vmem_shared>>
      tpu.wait_dma2 semaphore(%run_scoped3A_89 : memref<!tpu.dma_semaphore, #tpu.memory_space<semaphore_mem>>) src(%dma_wait3A_107 : memref<640xf32, #tpu.memory_space<vmem_shared>>) dst(%dma_wait3A_105 : memref<640xf32, #tpu.memory_space<vmem>>)
      tpu.yield
    }) : () -> ()
    %mul3A_76 = arith.constant 640 : i32
    %mul3A_77 = arith.muli %arg1, %mul3A_76 : i32
    %run_scoped3A_78 = arith.constant 15 : i32
    %run_scoped3A_79 = arith.constant 15 : i32
    "tpu.region"() ({
      %run_scoped3A_89 = tpu.sem_alloc : memref<!tpu.dma_semaphore, #tpu.memory_space<semaphore_mem>>
      %dma_start3A = arith.constant 0 : i32
      %dma_start3A_90 = tpu.memref_slice %arg6[%run_scoped3A_79, %dma_start3A] : memref<16x640xf32, #tpu.memory_space<vmem>> -> memref<1x640xf32, #tpu.memory_space<vmem>>
      %dma_start3A_91 = tpu.memref_squeeze %dma_start3A_90 : memref<1x640xf32, #tpu.memory_space<vmem>> -> memref<640xf32, #tpu.memory_space<vmem>>
      %dma_start3A_92 = tpu.memref_slice %arg8[%run_scoped3A_78, %mul3A_77] : memref<16x10240xf32, #tpu.memory_space<vmem_shared>> -> memref<1x640xf32, #tpu.memory_space<vmem_shared>>
      %dma_start3A_93 = tpu.memref_squeeze %dma_start3A_92 : memref<1x640xf32, #tpu.memory_space<vmem_shared>> -> memref<640xf32, #tpu.memory_space<vmem_shared>>
      %dma_start3A_94 = arith.constant 0 : i32
      %dma_start3A_95 = tpu.memref_slice %arg6[%run_scoped3A_79, %dma_start3A_94] : memref<16x640xf32, #tpu.memory_space<vmem>> -> memref<1x640xf32, #tpu.memory_space<vmem>>
      %dma_start3A_96 = tpu.memref_squeeze %dma_start3A_95 : memref<1x640xf32, #tpu.memory_space<vmem>> -> memref<640xf32, #tpu.memory_space<vmem>>
      %dma_start3A_97 = tpu.memref_slice %arg8[%run_scoped3A_78, %mul3A_77] : memref<16x10240xf32, #tpu.memory_space<vmem_shared>> -> memref<1x640xf32, #tpu.memory_space<vmem_shared>>
      %dma_start3A_98 = tpu.memref_squeeze %dma_start3A_97 : memref<1x640xf32, #tpu.memory_space<vmem_shared>> -> memref<640xf32, #tpu.memory_space<vmem_shared>>
      tpu.enqueue_dma source(%dma_start3A_98 : memref<640xf32, #tpu.memory_space<vmem_shared>>) target(%dma_start3A_96 : memref<640xf32, #tpu.memory_space<vmem>>) target_semaphore(%run_scoped3A_89 : memref<!tpu.dma_semaphore, #tpu.memory_space<semaphore_mem>>)
      %dma_wait3A = arith.constant 0 : i32
      %dma_wait3A_99 = tpu.memref_slice %arg6[%run_scoped3A_79, %dma_wait3A] : memref<16x640xf32, #tpu.memory_space<vmem>> -> memref<1x640xf32, #tpu.memory_space<vmem>>
      %dma_wait3A_100 = tpu.memref_squeeze %dma_wait3A_99 : memref<1x640xf32, #tpu.memory_space<vmem>> -> memref<640xf32, #tpu.memory_space<vmem>>
      %dma_wait3A_101 = tpu.memref_slice %arg8[%run_scoped3A_78, %mul3A_77] : memref<16x10240xf32, #tpu.memory_space<vmem_shared>> -> memref<1x640xf32, #tpu.memory_space<vmem_shared>>
      %dma_wait3A_102 = tpu.memref_squeeze %dma_wait3A_101 : memref<1x640xf32, #tpu.memory_space<vmem_shared>> -> memref<640xf32, #tpu.memory_space<vmem_shared>>
      %dma_wait3A_103 = arith.constant 0 : i32
      %dma_wait3A_104 = tpu.memref_slice %arg6[%run_scoped3A_79, %dma_wait3A_103] : memref<16x640xf32, #tpu.memory_space<vmem>> -> memref<1x640xf32, #tpu.memory_space<vmem>>
      %dma_wait3A_105 = tpu.memref_squeeze %dma_wait3A_104 : memref<1x640xf32, #tpu.memory_space<vmem>> -> memref<640xf32, #tpu.memory_space<vmem>>
      %dma_wait3A_106 = tpu.memref_slice %arg8[%run_scoped3A_78, %mul3A_77] : memref<16x10240xf32, #tpu.memory_space<vmem_shared>> -> memref<1x640xf32, #tpu.memory_space<vmem_shared>>
      %dma_wait3A_107 = tpu.memref_squeeze %dma_wait3A_106 : memref<1x640xf32, #tpu.memory_space<vmem_shared>> -> memref<640xf32, #tpu.memory_space<vmem_shared>>
      tpu.wait_dma2 semaphore(%run_scoped3A_89 : memref<!tpu.dma_semaphore, #tpu.memory_space<semaphore_mem>>) src(%dma_wait3A_107 : memref<640xf32, #tpu.memory_space<vmem_shared>>) dst(%dma_wait3A_105 : memref<640xf32, #tpu.memory_space<vmem>>)
      tpu.yield
    }) : () -> ()
    %scan3A_80 = arith.constant 0 : i32
    %scan3A_81 = arith.constant 0 : i32
    %scan3A_82 = arith.constant 40 : i32
    %scan3A_83 = arith.addi %scan3A_81, %scan3A_82 : i32
    %scan3A_84 = arith.constant 1 : i32
    %scan3A_85 = scf.for %scan3A_89 = %scan3A_81 to %scan3A_83 step %scan3A_84 iter_args(%scan3A_90 = %scan3A_80) -> (i32)  : i32 {
      %mul3A_91 = arith.constant 16 : i32
      %mul3A_92 = arith.muli %scan3A_89, %mul3A_91 : i32
      %get3A = arith.constant 0 : i32
      %get3A_93 = arith.index_cast %get3A : i32 to index
      %get3A_94 = arith.index_cast %mul3A_92 : i32 to index
      %get3A_95 = tpu.vector_load %arg6[%get3A_93, %get3A_94] {strides = array<i32>} : memref<16x640xf32, #tpu.memory_space<vmem>>, vector<16xf32>,
      %mul3A_96 = arith.constant 16 : i32
      %mul3A_97 = arith.muli %scan3A_89, %mul3A_96 : i32
      %get3A_98 = arith.constant 1 : i32
      %get3A_99 = arith.index_cast %get3A_98 : i32 to index
      %get3A_100 = arith.index_cast %mul3A_97 : i32 to index
      %get3A_101 = tpu.vector_load %arg6[%get3A_99, %get3A_100] {strides = array<i32>} : memref<16x640xf32, #tpu.memory_space<vmem>>, vector<16xf32>,
      %add3A_102 = arith.addf %get3A_95, %get3A_101 : vector<16xf32>
      %mul3A_103 = arith.constant 16 : i32
      %mul3A_104 = arith.muli %scan3A_89, %mul3A_103 : i32
      %get3A_105 = arith.constant 2 : i32
      %get3A_106 = arith.index_cast %get3A_105 : i32 to index
      %get3A_107 = arith.index_cast %mul3A_104 : i32 to index
      %get3A_108 = tpu.vector_load %arg6[%get3A_106, %get3A_107] {strides = array<i32>} : memref<16x640xf32, #tpu.memory_space<vmem>>, vector<16xf32>,
      %add3A_109 = arith.addf %add3A_102, %get3A_108 : vector<16xf32>
      %mul3A_110 = arith.constant 16 : i32
      %mul3A_111 = arith.muli %scan3A_89, %mul3A_110 : i32
      %get3A_112 = arith.constant 3 : i32
      %get3A_113 = arith.index_cast %get3A_112 : i32 to index
      %get3A_114 = arith.index_cast %mul3A_111 : i32 to index
      %get3A_115 = tpu.vector_load %arg6[%get3A_113, %get3A_114] {strides = array<i32>} : memref<16x640xf32, #tpu.memory_space<vmem>>, vector<16xf32>,
      %add3A_116 = arith.addf %add3A_109, %get3A_115 : vector<16xf32>
      %mul3A_117 = arith.constant 16 : i32
      %mul3A_118 = arith.muli %scan3A_89, %mul3A_117 : i32
      %get3A_119 = arith.constant 4 : i32
      %get3A_120 = arith.index_cast %get3A_119 : i32 to index
      %get3A_121 = arith.index_cast %mul3A_118 : i32 to index
      %get3A_122 = tpu.vector_load %arg6[%get3A_120, %get3A_121] {strides = array<i32>} : memref<16x640xf32, #tpu.memory_space<vmem>>, vector<16xf32>,
      %add3A_123 = arith.addf %add3A_116, %get3A_122 : vector<16xf32>
      %mul3A_124 = arith.constant 16 : i32
      %mul3A_125 = arith.muli %scan3A_89, %mul3A_124 : i32
      %get3A_126 = arith.constant 5 : i32
      %get3A_127 = arith.index_cast %get3A_126 : i32 to index
      %get3A_128 = arith.index_cast %mul3A_125 : i32 to index
      %get3A_129 = tpu.vector_load %arg6[%get3A_127, %get3A_128] {strides = array<i32>} : memref<16x640xf32, #tpu.memory_space<vmem>>, vector<16xf32>,
      %add3A_130 = arith.addf %add3A_123, %get3A_129 : vector<16xf32>
      %mul3A_131 = arith.constant 16 : i32
      %mul3A_132 = arith.muli %scan3A_89, %mul3A_131 : i32
      %get3A_133 = arith.constant 6 : i32
      %get3A_134 = arith.index_cast %get3A_133 : i32 to index
      %get3A_135 = arith.index_cast %mul3A_132 : i32 to index
      %get3A_136 = tpu.vector_load %arg6[%get3A_134, %get3A_135] {strides = array<i32>} : memref<16x640xf32, #tpu.memory_space<vmem>>, vector<16xf32>,
      %add3A_137 = arith.addf %add3A_130, %get3A_136 : vector<16xf32>
      %mul3A_138 = arith.constant 16 : i32
      %mul3A_139 = arith.muli %scan3A_89, %mul3A_138 : i32
      %get3A_140 = arith.constant 7 : i32
      %get3A_141 = arith.index_cast %get3A_140 : i32 to index
      %get3A_142 = arith.index_cast %mul3A_139 : i32 to index
      %get3A_143 = tpu.vector_load %arg6[%get3A_141, %get3A_142] {strides = array<i32>} : memref<16x640xf32, #tpu.memory_space<vmem>>, vector<16xf32>,
      %add3A_144 = arith.addf %add3A_137, %get3A_143 : vector<16xf32>
      %mul3A_145 = arith.constant 16 : i32
      %mul3A_146 = arith.muli %scan3A_89, %mul3A_145 : i32
      %get3A_147 = arith.constant 8 : i32
      %get3A_148 = arith.index_cast %get3A_147 : i32 to index
      %get3A_149 = arith.index_cast %mul3A_146 : i32 to index
      %get3A_150 = tpu.vector_load %arg6[%get3A_148, %get3A_149] {strides = array<i32>} : memref<16x640xf32, #tpu.memory_space<vmem>>, vector<16xf32>,
      %add3A_151 = arith.addf %add3A_144, %get3A_150 : vector<16xf32>
      %mul3A_152 = arith.constant 16 : i32
      %mul3A_153 = arith.muli %scan3A_89, %mul3A_152 : i32
      %get3A_154 = arith.constant 9 : i32
      %get3A_155 = arith.index_cast %get3A_154 : i32 to index
      %get3A_156 = arith.index_cast %mul3A_153 : i32 to index
      %get3A_157 = tpu.vector_load %arg6[%get3A_155, %get3A_156] {strides = array<i32>} : memref<16x640xf32, #tpu.memory_space<vmem>>, vector<16xf32>,
      %add3A_158 = arith.addf %add3A_151, %get3A_157 : vector<16xf32>
      %mul3A_159 = arith.constant 16 : i32
      %mul3A_160 = arith.muli %scan3A_89, %mul3A_159 : i32
      %get3A_161 = arith.constant 10 : i32
      %get3A_162 = arith.index_cast %get3A_161 : i32 to index
      %get3A_163 = arith.index_cast %mul3A_160 : i32 to index
      %get3A_164 = tpu.vector_load %arg6[%get3A_162, %get3A_163] {strides = array<i32>} : memref<16x640xf32, #tpu.memory_space<vmem>>, vector<16xf32>,
      %add3A_165 = arith.addf %add3A_158, %get3A_164 : vector<16xf32>
      %mul3A_166 = arith.constant 16 : i32
      %mul3A_167 = arith.muli %scan3A_89, %mul3A_166 : i32
      %get3A_168 = arith.constant 11 : i32
      %get3A_169 = arith.index_cast %get3A_168 : i32 to index
      %get3A_170 = arith.index_cast %mul3A_167 : i32 to index
      %get3A_171 = tpu.vector_load %arg6[%get3A_169, %get3A_170] {strides = array<i32>} : memref<16x640xf32, #tpu.memory_space<vmem>>, vector<16xf32>,
      %add3A_172 = arith.addf %add3A_165, %get3A_171 : vector<16xf32>
      %mul3A_173 = arith.constant 16 : i32
      %mul3A_174 = arith.muli %scan3A_89, %mul3A_173 : i32
      %get3A_175 = arith.constant 12 : i32
      %get3A_176 = arith.index_cast %get3A_175 : i32 to index
      %get3A_177 = arith.index_cast %mul3A_174 : i32 to index
      %get3A_178 = tpu.vector_load %arg6[%get3A_176, %get3A_177] {strides = array<i32>} : memref<16x640xf32, #tpu.memory_space<vmem>>, vector<16xf32>,
      %add3A_179 = arith.addf %add3A_172, %get3A_178 : vector<16xf32>
      %mul3A_180 = arith.constant 16 : i32
      %mul3A_181 = arith.muli %scan3A_89, %mul3A_180 : i32
      %get3A_182 = arith.constant 13 : i32
      %get3A_183 = arith.index_cast %get3A_182 : i32 to index
      %get3A_184 = arith.index_cast %mul3A_181 : i32 to index
      %get3A_185 = tpu.vector_load %arg6[%get3A_183, %get3A_184] {strides = array<i32>} : memref<16x640xf32, #tpu.memory_space<vmem>>, vector<16xf32>,
      %add3A_186 = arith.addf %add3A_179, %get3A_185 : vector<16xf32>
      %mul3A_187 = arith.constant 16 : i32
      %mul3A_188 = arith.muli %scan3A_89, %mul3A_187 : i32
      %get3A_189 = arith.constant 14 : i32
      %get3A_190 = arith.index_cast %get3A_189 : i32 to index
      %get3A_191 = arith.index_cast %mul3A_188 : i32 to index
      %get3A_192 = tpu.vector_load %arg6[%get3A_190, %get3A_191] {strides = array<i32>} : memref<16x640xf32, #tpu.memory_space<vmem>>, vector<16xf32>,
      %add3A_193 = arith.addf %add3A_186, %get3A_192 : vector<16xf32>
      %mul3A_194 = arith.constant 16 : i32
      %mul3A_195 = arith.muli %scan3A_89, %mul3A_194 : i32
      %get3A_196 = arith.constant 15 : i32
      %get3A_197 = arith.index_cast %get3A_196 : i32 to index
      %get3A_198 = arith.index_cast %mul3A_195 : i32 to index
      %get3A_199 = tpu.vector_load %arg6[%get3A_197, %get3A_198] {strides = array<i32>} : memref<16x640xf32, #tpu.memory_space<vmem>>, vector<16xf32>,
      %add3A_200 = arith.addf %add3A_193, %get3A_199 : vector<16xf32>
      %mul3A_201 = arith.constant 16 : i32
      %mul3A_202 = arith.muli %scan3A_89, %mul3A_201 : i32
      %swap3A = arith.index_cast %mul3A_202 : i32 to index
      %swap3A_203 = tpu.vector_load %arg7[%swap3A] {strides = array<i32>} : memref<640xf32, #tpu.memory_space<vmem>>, vector<16xf32>,
      tpu.vector_store %arg7[%swap3A], %add3A_200 {strides = array<i32>} : memref<640xf32, #tpu.memory_space<vmem>>, vector<16xf32>,
      %scan3A_204 = arith.constant 0 : i32
      scf.yield %scan3A_204 : i32
    }
    %scan3A_86 = arith.constant 40 : i32
    %mul3A_87 = arith.constant 640 : i32
    %mul3A_88 = arith.muli %arg1, %mul3A_87 : i32
    "tpu.region"() ({
      %run_scoped3A_89 = tpu.sem_alloc : memref<!tpu.dma_semaphore, #tpu.memory_space<semaphore_mem>>
      %dma_start3A = tpu.memref_slice %arg3[%arg0, %mul3A_88] : memref<2x10240xf32, #tpu.memory_space<hbm>> -> memref<1x640xf32, #tpu.memory_space<hbm>>
      %dma_start3A_90 = tpu.memref_squeeze %dma_start3A : memref<1x640xf32, #tpu.memory_space<hbm>> -> memref<640xf32, #tpu.memory_space<hbm>>
      %dma_start3A_91 = tpu.memref_slice %arg3[%arg0, %mul3A_88] : memref<2x10240xf32, #tpu.memory_space<hbm>> -> memref<1x640xf32, #tpu.memory_space<hbm>>
      %dma_start3A_92 = tpu.memref_squeeze %dma_start3A_91 : memref<1x640xf32, #tpu.memory_space<hbm>> -> memref<640xf32, #tpu.memory_space<hbm>>
      tpu.enqueue_dma source(%arg7 : memref<640xf32, #tpu.memory_space<vmem>>) target(%dma_start3A_92 : memref<640xf32, #tpu.memory_space<hbm>>) target_semaphore(%run_scoped3A_89 : memref<!tpu.dma_semaphore, #tpu.memory_space<semaphore_mem>>)
      %dma_wait3A = tpu.memref_slice %arg3[%arg0, %mul3A_88] : memref<2x10240xf32, #tpu.memory_space<hbm>> -> memref<1x640xf32, #tpu.memory_space<hbm>>
      %dma_wait3A_93 = tpu.memref_squeeze %dma_wait3A : memref<1x640xf32, #tpu.memory_space<hbm>> -> memref<640xf32, #tpu.memory_space<hbm>>
      %dma_wait3A_94 = tpu.memref_slice %arg3[%arg0, %mul3A_88] : memref<2x10240xf32, #tpu.memory_space<hbm>> -> memref<1x640xf32, #tpu.memory_space<hbm>>
      %dma_wait3A_95 = tpu.memref_squeeze %dma_wait3A_94 : memref<1x640xf32, #tpu.memory_space<hbm>> -> memref<640xf32, #tpu.memory_space<hbm>>
      tpu.wait_dma2 semaphore(%run_scoped3A_89 : memref<!tpu.dma_semaphore, #tpu.memory_space<semaphore_mem>>) src(%arg7 : memref<640xf32, #tpu.memory_space<vmem>>) dst(%dma_wait3A_95 : memref<640xf32, #tpu.memory_space<hbm>>)
      tpu.yield
    }) : () -> ()
    return
  }
}

#map = affine_map<(d0, d1) -> (0, 0)>
#map1 = affine_map<(d0, d1) -> (0)>
#map2 = affine_map<(d0, d1) -> (0, 0, 0)>
module attributes {stable_mosaic.version = 14 : i64} {
  func.func @_agg_body(%arg0: i32, %arg1: i32, %arg2: memref<10240x128xf32, #tpu.memory_space<hbm>>, %arg3: memref<323584xi32, #tpu.memory_space<hbm>>, %arg4: memref<323584xi32, #tpu.memory_space<hbm>>, %arg5: memref<2x10240x128xf32, #tpu.memory_space<hbm>>, %arg6: memref<128xi32, #tpu.memory_space<vmem>>, %arg7: memref<128xi32, #tpu.memory_space<vmem>>, %arg8: memref<128x128xf32, #tpu.memory_space<vmem>>, %arg9: memref<16x128xf32, #tpu.memory_space<vmem>>, %arg10: memref<!tpu.dma_semaphore, #tpu.memory_space<semaphore_mem>>, %arg11: memref<10240x128xf32, #tpu.memory_space<vmem_shared>>) attributes {dimension_semantics = [#tpu.dimension_semantics<core_parallel>, #tpu.dimension_semantics<subcore_parallel>], iteration_bounds = array<i64: 2, 16>, scalar_prefetch = 0 : i64, scratch_operands = 6 : i64, tpu.core_type = #tpu.core_type<sc_vector_subcore>, window_params = [{transform_indices = #map}, {transform_indices = #map1}, {transform_indices = #map1}, {transform_indices = #map2}]} {
    %mul3A = arith.constant 2 : i32
    %mul3A_0 = arith.muli %arg1, %mul3A : i32
    %add3A = arith.addi %mul3A_0, %arg0 : i32
    %broadcast_in_dim3A = arith.constant 0.000000e+00 : f32
    %broadcast_in_dim3A_1 = vector.broadcast %broadcast_in_dim3A : f32 to vector<16xf32>
    %swap3A = arith.constant 0 : i32
    %swap3A_2 = arith.index_cast %swap3A : i32 to index
    %swap3A_3 = arith.constant 0 : index
    %swap3A_4 = tpu.vector_load %arg9[%swap3A_2, %swap3A_3] {strides = array<i32>} : memref<16x128xf32, #tpu.memory_space<vmem>>, vector<1x16xf32>,
    %swap3A_5 = vector.shape_cast %swap3A_4 : vector<1x16xf32> to vector<16xf32>
    %swap3A_6 = vector.shape_cast %broadcast_in_dim3A_1 : vector<16xf32> to vector<1x16xf32>
    tpu.vector_store %arg9[%swap3A_2, %swap3A_3], %swap3A_6 {strides = array<i32>} : memref<16x128xf32, #tpu.memory_space<vmem>>, vector<1x16xf32>,
    %broadcast_in_dim3A_7 = arith.constant 0.000000e+00 : f32
    %broadcast_in_dim3A_8 = vector.broadcast %broadcast_in_dim3A_7 : f32 to vector<16xf32>
    %swap3A_9 = arith.constant 0 : i32
    %swap3A_10 = arith.index_cast %swap3A_9 : i32 to index
    %swap3A_11 = arith.constant 16 : index
    %swap3A_12 = tpu.vector_load %arg9[%swap3A_10, %swap3A_11] {strides = array<i32>} : memref<16x128xf32, #tpu.memory_space<vmem>>, vector<1x16xf32>,
    %swap3A_13 = vector.shape_cast %swap3A_12 : vector<1x16xf32> to vector<16xf32>
    %swap3A_14 = vector.shape_cast %broadcast_in_dim3A_8 : vector<16xf32> to vector<1x16xf32>
    tpu.vector_store %arg9[%swap3A_10, %swap3A_11], %swap3A_14 {strides = array<i32>} : memref<16x128xf32, #tpu.memory_space<vmem>>, vector<1x16xf32>,
    %broadcast_in_dim3A_15 = arith.constant 0.000000e+00 : f32
    %broadcast_in_dim3A_16 = vector.broadcast %broadcast_in_dim3A_15 : f32 to vector<16xf32>
    %swap3A_17 = arith.constant 0 : i32
    %swap3A_18 = arith.index_cast %swap3A_17 : i32 to index
    %swap3A_19 = arith.constant 32 : index
    %swap3A_20 = tpu.vector_load %arg9[%swap3A_18, %swap3A_19] {strides = array<i32>} : memref<16x128xf32, #tpu.memory_space<vmem>>, vector<1x16xf32>,
    %swap3A_21 = vector.shape_cast %swap3A_20 : vector<1x16xf32> to vector<16xf32>
    %swap3A_22 = vector.shape_cast %broadcast_in_dim3A_16 : vector<16xf32> to vector<1x16xf32>
    tpu.vector_store %arg9[%swap3A_18, %swap3A_19], %swap3A_22 {strides = array<i32>} : memref<16x128xf32, #tpu.memory_space<vmem>>, vector<1x16xf32>,
    %broadcast_in_dim3A_23 = arith.constant 0.000000e+00 : f32
    %broadcast_in_dim3A_24 = vector.broadcast %broadcast_in_dim3A_23 : f32 to vector<16xf32>
    %swap3A_25 = arith.constant 0 : i32
    %swap3A_26 = arith.index_cast %swap3A_25 : i32 to index
    %swap3A_27 = arith.constant 48 : index
    %swap3A_28 = tpu.vector_load %arg9[%swap3A_26, %swap3A_27] {strides = array<i32>} : memref<16x128xf32, #tpu.memory_space<vmem>>, vector<1x16xf32>,
    %swap3A_29 = vector.shape_cast %swap3A_28 : vector<1x16xf32> to vector<16xf32>
    %swap3A_30 = vector.shape_cast %broadcast_in_dim3A_24 : vector<16xf32> to vector<1x16xf32>
    tpu.vector_store %arg9[%swap3A_26, %swap3A_27], %swap3A_30 {strides = array<i32>} : memref<16x128xf32, #tpu.memory_space<vmem>>, vector<1x16xf32>,
    %broadcast_in_dim3A_31 = arith.constant 0.000000e+00 : f32
    %broadcast_in_dim3A_32 = vector.broadcast %broadcast_in_dim3A_31 : f32 to vector<16xf32>
    %swap3A_33 = arith.constant 0 : i32
    %swap3A_34 = arith.index_cast %swap3A_33 : i32 to index
    %swap3A_35 = arith.constant 64 : index
    %swap3A_36 = tpu.vector_load %arg9[%swap3A_34, %swap3A_35] {strides = array<i32>} : memref<16x128xf32, #tpu.memory_space<vmem>>, vector<1x16xf32>,
    %swap3A_37 = vector.shape_cast %swap3A_36 : vector<1x16xf32> to vector<16xf32>
    %swap3A_38 = vector.shape_cast %broadcast_in_dim3A_32 : vector<16xf32> to vector<1x16xf32>
    tpu.vector_store %arg9[%swap3A_34, %swap3A_35], %swap3A_38 {strides = array<i32>} : memref<16x128xf32, #tpu.memory_space<vmem>>, vector<1x16xf32>,
    %broadcast_in_dim3A_39 = arith.constant 0.000000e+00 : f32
    %broadcast_in_dim3A_40 = vector.broadcast %broadcast_in_dim3A_39 : f32 to vector<16xf32>
    %swap3A_41 = arith.constant 0 : i32
    %swap3A_42 = arith.index_cast %swap3A_41 : i32 to index
    %swap3A_43 = arith.constant 80 : index
    %swap3A_44 = tpu.vector_load %arg9[%swap3A_42, %swap3A_43] {strides = array<i32>} : memref<16x128xf32, #tpu.memory_space<vmem>>, vector<1x16xf32>,
    %swap3A_45 = vector.shape_cast %swap3A_44 : vector<1x16xf32> to vector<16xf32>
    %swap3A_46 = vector.shape_cast %broadcast_in_dim3A_40 : vector<16xf32> to vector<1x16xf32>
    tpu.vector_store %arg9[%swap3A_42, %swap3A_43], %swap3A_46 {strides = array<i32>} : memref<16x128xf32, #tpu.memory_space<vmem>>, vector<1x16xf32>,
    %broadcast_in_dim3A_47 = arith.constant 0.000000e+00 : f32
    %broadcast_in_dim3A_48 = vector.broadcast %broadcast_in_dim3A_47 : f32 to vector<16xf32>
    %swap3A_49 = arith.constant 0 : i32
    %swap3A_50 = arith.index_cast %swap3A_49 : i32 to index
    %swap3A_51 = arith.constant 96 : index
    %swap3A_52 = tpu.vector_load %arg9[%swap3A_50, %swap3A_51] {strides = array<i32>} : memref<16x128xf32, #tpu.memory_space<vmem>>, vector<1x16xf32>,
    %swap3A_53 = vector.shape_cast %swap3A_52 : vector<1x16xf32> to vector<16xf32>
    %swap3A_54 = vector.shape_cast %broadcast_in_dim3A_48 : vector<16xf32> to vector<1x16xf32>
    tpu.vector_store %arg9[%swap3A_50, %swap3A_51], %swap3A_54 {strides = array<i32>} : memref<16x128xf32, #tpu.memory_space<vmem>>, vector<1x16xf32>,
    %broadcast_in_dim3A_55 = arith.constant 0.000000e+00 : f32
    %broadcast_in_dim3A_56 = vector.broadcast %broadcast_in_dim3A_55 : f32 to vector<16xf32>
    %swap3A_57 = arith.constant 0 : i32
    %swap3A_58 = arith.index_cast %swap3A_57 : i32 to index
    %swap3A_59 = arith.constant 112 : index
    %swap3A_60 = tpu.vector_load %arg9[%swap3A_58, %swap3A_59] {strides = array<i32>} : memref<16x128xf32, #tpu.memory_space<vmem>>, vector<1x16xf32>,
    %swap3A_61 = vector.shape_cast %swap3A_60 : vector<1x16xf32> to vector<16xf32>
    %swap3A_62 = vector.shape_cast %broadcast_in_dim3A_56 : vector<16xf32> to vector<1x16xf32>
    tpu.vector_store %arg9[%swap3A_58, %swap3A_59], %swap3A_62 {strides = array<i32>} : memref<16x128xf32, #tpu.memory_space<vmem>>, vector<1x16xf32>,
    %broadcast_in_dim3A_63 = arith.constant 0.000000e+00 : f32
    %broadcast_in_dim3A_64 = vector.broadcast %broadcast_in_dim3A_63 : f32 to vector<16xf32>
    %swap3A_65 = arith.constant 1 : i32
    %swap3A_66 = arith.index_cast %swap3A_65 : i32 to index
    %swap3A_67 = arith.constant 0 : index
    %swap3A_68 = tpu.vector_load %arg9[%swap3A_66, %swap3A_67] {strides = array<i32>} : memref<16x128xf32, #tpu.memory_space<vmem>>, vector<1x16xf32>,
    %swap3A_69 = vector.shape_cast %swap3A_68 : vector<1x16xf32> to vector<16xf32>
    %swap3A_70 = vector.shape_cast %broadcast_in_dim3A_64 : vector<16xf32> to vector<1x16xf32>
    tpu.vector_store %arg9[%swap3A_66, %swap3A_67], %swap3A_70 {strides = array<i32>} : memref<16x128xf32, #tpu.memory_space<vmem>>, vector<1x16xf32>,
    %broadcast_in_dim3A_71 = arith.constant 0.000000e+00 : f32
    %broadcast_in_dim3A_72 = vector.broadcast %broadcast_in_dim3A_71 : f32 to vector<16xf32>
    %swap3A_73 = arith.constant 1 : i32
    %swap3A_74 = arith.index_cast %swap3A_73 : i32 to index
    %swap3A_75 = arith.constant 16 : index
    %swap3A_76 = tpu.vector_load %arg9[%swap3A_74, %swap3A_75] {strides = array<i32>} : memref<16x128xf32, #tpu.memory_space<vmem>>, vector<1x16xf32>,
    %swap3A_77 = vector.shape_cast %swap3A_76 : vector<1x16xf32> to vector<16xf32>
    %swap3A_78 = vector.shape_cast %broadcast_in_dim3A_72 : vector<16xf32> to vector<1x16xf32>
    tpu.vector_store %arg9[%swap3A_74, %swap3A_75], %swap3A_78 {strides = array<i32>} : memref<16x128xf32, #tpu.memory_space<vmem>>, vector<1x16xf32>,
    %broadcast_in_dim3A_79 = arith.constant 0.000000e+00 : f32
    %broadcast_in_dim3A_80 = vector.broadcast %broadcast_in_dim3A_79 : f32 to vector<16xf32>
    %swap3A_81 = arith.constant 1 : i32
    %swap3A_82 = arith.index_cast %swap3A_81 : i32 to index
    %swap3A_83 = arith.constant 32 : index
    %swap3A_84 = tpu.vector_load %arg9[%swap3A_82, %swap3A_83] {strides = array<i32>} : memref<16x128xf32, #tpu.memory_space<vmem>>, vector<1x16xf32>,
    %swap3A_85 = vector.shape_cast %swap3A_84 : vector<1x16xf32> to vector<16xf32>
    %swap3A_86 = vector.shape_cast %broadcast_in_dim3A_80 : vector<16xf32> to vector<1x16xf32>
    tpu.vector_store %arg9[%swap3A_82, %swap3A_83], %swap3A_86 {strides = array<i32>} : memref<16x128xf32, #tpu.memory_space<vmem>>, vector<1x16xf32>,
    %broadcast_in_dim3A_87 = arith.constant 0.000000e+00 : f32
    %broadcast_in_dim3A_88 = vector.broadcast %broadcast_in_dim3A_87 : f32 to vector<16xf32>
    %swap3A_89 = arith.constant 1 : i32
    %swap3A_90 = arith.index_cast %swap3A_89 : i32 to index
    %swap3A_91 = arith.constant 48 : index
    %swap3A_92 = tpu.vector_load %arg9[%swap3A_90, %swap3A_91] {strides = array<i32>} : memref<16x128xf32, #tpu.memory_space<vmem>>, vector<1x16xf32>,
    %swap3A_93 = vector.shape_cast %swap3A_92 : vector<1x16xf32> to vector<16xf32>
    %swap3A_94 = vector.shape_cast %broadcast_in_dim3A_88 : vector<16xf32> to vector<1x16xf32>
    tpu.vector_store %arg9[%swap3A_90, %swap3A_91], %swap3A_94 {strides = array<i32>} : memref<16x128xf32, #tpu.memory_space<vmem>>, vector<1x16xf32>,
    %broadcast_in_dim3A_95 = arith.constant 0.000000e+00 : f32
    %broadcast_in_dim3A_96 = vector.broadcast %broadcast_in_dim3A_95 : f32 to vector<16xf32>
    %swap3A_97 = arith.constant 1 : i32
    %swap3A_98 = arith.index_cast %swap3A_97 : i32 to index
    %swap3A_99 = arith.constant 64 : index
    %swap3A_100 = tpu.vector_load %arg9[%swap3A_98, %swap3A_99] {strides = array<i32>} : memref<16x128xf32, #tpu.memory_space<vmem>>, vector<1x16xf32>,
    %swap3A_101 = vector.shape_cast %swap3A_100 : vector<1x16xf32> to vector<16xf32>
    %swap3A_102 = vector.shape_cast %broadcast_in_dim3A_96 : vector<16xf32> to vector<1x16xf32>
    tpu.vector_store %arg9[%swap3A_98, %swap3A_99], %swap3A_102 {strides = array<i32>} : memref<16x128xf32, #tpu.memory_space<vmem>>, vector<1x16xf32>,
    %broadcast_in_dim3A_103 = arith.constant 0.000000e+00 : f32
    %broadcast_in_dim3A_104 = vector.broadcast %broadcast_in_dim3A_103 : f32 to vector<16xf32>
    %swap3A_105 = arith.constant 1 : i32
    %swap3A_106 = arith.index_cast %swap3A_105 : i32 to index
    %swap3A_107 = arith.constant 80 : index
    %swap3A_108 = tpu.vector_load %arg9[%swap3A_106, %swap3A_107] {strides = array<i32>} : memref<16x128xf32, #tpu.memory_space<vmem>>, vector<1x16xf32>,
    %swap3A_109 = vector.shape_cast %swap3A_108 : vector<1x16xf32> to vector<16xf32>
    %swap3A_110 = vector.shape_cast %broadcast_in_dim3A_104 : vector<16xf32> to vector<1x16xf32>
    tpu.vector_store %arg9[%swap3A_106, %swap3A_107], %swap3A_110 {strides = array<i32>} : memref<16x128xf32, #tpu.memory_space<vmem>>, vector<1x16xf32>,
    %broadcast_in_dim3A_111 = arith.constant 0.000000e+00 : f32
    %broadcast_in_dim3A_112 = vector.broadcast %broadcast_in_dim3A_111 : f32 to vector<16xf32>
    %swap3A_113 = arith.constant 1 : i32
    %swap3A_114 = arith.index_cast %swap3A_113 : i32 to index
    %swap3A_115 = arith.constant 96 : index
    %swap3A_116 = tpu.vector_load %arg9[%swap3A_114, %swap3A_115] {strides = array<i32>} : memref<16x128xf32, #tpu.memory_space<vmem>>, vector<1x16xf32>,
    %swap3A_117 = vector.shape_cast %swap3A_116 : vector<1x16xf32> to vector<16xf32>
    %swap3A_118 = vector.shape_cast %broadcast_in_dim3A_112 : vector<16xf32> to vector<1x16xf32>
    tpu.vector_store %arg9[%swap3A_114, %swap3A_115], %swap3A_118 {strides = array<i32>} : memref<16x128xf32, #tpu.memory_space<vmem>>, vector<1x16xf32>,
    %broadcast_in_dim3A_119 = arith.constant 0.000000e+00 : f32
    %broadcast_in_dim3A_120 = vector.broadcast %broadcast_in_dim3A_119 : f32 to vector<16xf32>
    %swap3A_121 = arith.constant 1 : i32
    %swap3A_122 = arith.index_cast %swap3A_121 : i32 to index
    %swap3A_123 = arith.constant 112 : index
    %swap3A_124 = tpu.vector_load %arg9[%swap3A_122, %swap3A_123] {strides = array<i32>} : memref<16x128xf32, #tpu.memory_space<vmem>>, vector<1x16xf32>,
    %swap3A_125 = vector.shape_cast %swap3A_124 : vector<1x16xf32> to vector<16xf32>
    %swap3A_126 = vector.shape_cast %broadcast_in_dim3A_120 : vector<16xf32> to vector<1x16xf32>
    tpu.vector_store %arg9[%swap3A_122, %swap3A_123], %swap3A_126 {strides = array<i32>} : memref<16x128xf32, #tpu.memory_space<vmem>>, vector<1x16xf32>,
    %broadcast_in_dim3A_127 = arith.constant 0.000000e+00 : f32
    %broadcast_in_dim3A_128 = vector.broadcast %broadcast_in_dim3A_127 : f32 to vector<16xf32>
    %swap3A_129 = arith.constant 2 : i32
    %swap3A_130 = arith.index_cast %swap3A_129 : i32 to index
    %swap3A_131 = arith.constant 0 : index
    %swap3A_132 = tpu.vector_load %arg9[%swap3A_130, %swap3A_131] {strides = array<i32>} : memref<16x128xf32, #tpu.memory_space<vmem>>, vector<1x16xf32>,
    %swap3A_133 = vector.shape_cast %swap3A_132 : vector<1x16xf32> to vector<16xf32>
    %swap3A_134 = vector.shape_cast %broadcast_in_dim3A_128 : vector<16xf32> to vector<1x16xf32>
    tpu.vector_store %arg9[%swap3A_130, %swap3A_131], %swap3A_134 {strides = array<i32>} : memref<16x128xf32, #tpu.memory_space<vmem>>, vector<1x16xf32>,
    %broadcast_in_dim3A_135 = arith.constant 0.000000e+00 : f32
    %broadcast_in_dim3A_136 = vector.broadcast %broadcast_in_dim3A_135 : f32 to vector<16xf32>
    %swap3A_137 = arith.constant 2 : i32
    %swap3A_138 = arith.index_cast %swap3A_137 : i32 to index
    %swap3A_139 = arith.constant 16 : index
    %swap3A_140 = tpu.vector_load %arg9[%swap3A_138, %swap3A_139] {strides = array<i32>} : memref<16x128xf32, #tpu.memory_space<vmem>>, vector<1x16xf32>,
    %swap3A_141 = vector.shape_cast %swap3A_140 : vector<1x16xf32> to vector<16xf32>
    %swap3A_142 = vector.shape_cast %broadcast_in_dim3A_136 : vector<16xf32> to vector<1x16xf32>
    tpu.vector_store %arg9[%swap3A_138, %swap3A_139], %swap3A_142 {strides = array<i32>} : memref<16x128xf32, #tpu.memory_space<vmem>>, vector<1x16xf32>,
    %broadcast_in_dim3A_143 = arith.constant 0.000000e+00 : f32
    %broadcast_in_dim3A_144 = vector.broadcast %broadcast_in_dim3A_143 : f32 to vector<16xf32>
    %swap3A_145 = arith.constant 2 : i32
    %swap3A_146 = arith.index_cast %swap3A_145 : i32 to index
    %swap3A_147 = arith.constant 32 : index
    %swap3A_148 = tpu.vector_load %arg9[%swap3A_146, %swap3A_147] {strides = array<i32>} : memref<16x128xf32, #tpu.memory_space<vmem>>, vector<1x16xf32>,
    %swap3A_149 = vector.shape_cast %swap3A_148 : vector<1x16xf32> to vector<16xf32>
    %swap3A_150 = vector.shape_cast %broadcast_in_dim3A_144 : vector<16xf32> to vector<1x16xf32>
    tpu.vector_store %arg9[%swap3A_146, %swap3A_147], %swap3A_150 {strides = array<i32>} : memref<16x128xf32, #tpu.memory_space<vmem>>, vector<1x16xf32>,
    %broadcast_in_dim3A_151 = arith.constant 0.000000e+00 : f32
    %broadcast_in_dim3A_152 = vector.broadcast %broadcast_in_dim3A_151 : f32 to vector<16xf32>
    %swap3A_153 = arith.constant 2 : i32
    %swap3A_154 = arith.index_cast %swap3A_153 : i32 to index
    %swap3A_155 = arith.constant 48 : index
    %swap3A_156 = tpu.vector_load %arg9[%swap3A_154, %swap3A_155] {strides = array<i32>} : memref<16x128xf32, #tpu.memory_space<vmem>>, vector<1x16xf32>,
    %swap3A_157 = vector.shape_cast %swap3A_156 : vector<1x16xf32> to vector<16xf32>
    %swap3A_158 = vector.shape_cast %broadcast_in_dim3A_152 : vector<16xf32> to vector<1x16xf32>
    tpu.vector_store %arg9[%swap3A_154, %swap3A_155], %swap3A_158 {strides = array<i32>} : memref<16x128xf32, #tpu.memory_space<vmem>>, vector<1x16xf32>,
    %broadcast_in_dim3A_159 = arith.constant 0.000000e+00 : f32
    %broadcast_in_dim3A_160 = vector.broadcast %broadcast_in_dim3A_159 : f32 to vector<16xf32>
    %swap3A_161 = arith.constant 2 : i32
    %swap3A_162 = arith.index_cast %swap3A_161 : i32 to index
    %swap3A_163 = arith.constant 64 : index
    %swap3A_164 = tpu.vector_load %arg9[%swap3A_162, %swap3A_163] {strides = array<i32>} : memref<16x128xf32, #tpu.memory_space<vmem>>, vector<1x16xf32>,
    %swap3A_165 = vector.shape_cast %swap3A_164 : vector<1x16xf32> to vector<16xf32>
    %swap3A_166 = vector.shape_cast %broadcast_in_dim3A_160 : vector<16xf32> to vector<1x16xf32>
    tpu.vector_store %arg9[%swap3A_162, %swap3A_163], %swap3A_166 {strides = array<i32>} : memref<16x128xf32, #tpu.memory_space<vmem>>, vector<1x16xf32>,
    %broadcast_in_dim3A_167 = arith.constant 0.000000e+00 : f32
    %broadcast_in_dim3A_168 = vector.broadcast %broadcast_in_dim3A_167 : f32 to vector<16xf32>
    %swap3A_169 = arith.constant 2 : i32
    %swap3A_170 = arith.index_cast %swap3A_169 : i32 to index
    %swap3A_171 = arith.constant 80 : index
    %swap3A_172 = tpu.vector_load %arg9[%swap3A_170, %swap3A_171] {strides = array<i32>} : memref<16x128xf32, #tpu.memory_space<vmem>>, vector<1x16xf32>,
    %swap3A_173 = vector.shape_cast %swap3A_172 : vector<1x16xf32> to vector<16xf32>
    %swap3A_174 = vector.shape_cast %broadcast_in_dim3A_168 : vector<16xf32> to vector<1x16xf32>
    tpu.vector_store %arg9[%swap3A_170, %swap3A_171], %swap3A_174 {strides = array<i32>} : memref<16x128xf32, #tpu.memory_space<vmem>>, vector<1x16xf32>,
    %broadcast_in_dim3A_175 = arith.constant 0.000000e+00 : f32
    %broadcast_in_dim3A_176 = vector.broadcast %broadcast_in_dim3A_175 : f32 to vector<16xf32>
    %swap3A_177 = arith.constant 2 : i32
    %swap3A_178 = arith.index_cast %swap3A_177 : i32 to index
    %swap3A_179 = arith.constant 96 : index
    %swap3A_180 = tpu.vector_load %arg9[%swap3A_178, %swap3A_179] {strides = array<i32>} : memref<16x128xf32, #tpu.memory_space<vmem>>, vector<1x16xf32>,
    %swap3A_181 = vector.shape_cast %swap3A_180 : vector<1x16xf32> to vector<16xf32>
    %swap3A_182 = vector.shape_cast %broadcast_in_dim3A_176 : vector<16xf32> to vector<1x16xf32>
    tpu.vector_store %arg9[%swap3A_178, %swap3A_179], %swap3A_182 {strides = array<i32>} : memref<16x128xf32, #tpu.memory_space<vmem>>, vector<1x16xf32>,
    %broadcast_in_dim3A_183 = arith.constant 0.000000e+00 : f32
    %broadcast_in_dim3A_184 = vector.broadcast %broadcast_in_dim3A_183 : f32 to vector<16xf32>
    %swap3A_185 = arith.constant 2 : i32
    %swap3A_186 = arith.index_cast %swap3A_185 : i32 to index
    %swap3A_187 = arith.constant 112 : index
    %swap3A_188 = tpu.vector_load %arg9[%swap3A_186, %swap3A_187] {strides = array<i32>} : memref<16x128xf32, #tpu.memory_space<vmem>>, vector<1x16xf32>,
    %swap3A_189 = vector.shape_cast %swap3A_188 : vector<1x16xf32> to vector<16xf32>
    %swap3A_190 = vector.shape_cast %broadcast_in_dim3A_184 : vector<16xf32> to vector<1x16xf32>
    tpu.vector_store %arg9[%swap3A_186, %swap3A_187], %swap3A_190 {strides = array<i32>} : memref<16x128xf32, #tpu.memory_space<vmem>>, vector<1x16xf32>,
    %broadcast_in_dim3A_191 = arith.constant 0.000000e+00 : f32
    %broadcast_in_dim3A_192 = vector.broadcast %broadcast_in_dim3A_191 : f32 to vector<16xf32>
    %swap3A_193 = arith.constant 3 : i32
    %swap3A_194 = arith.index_cast %swap3A_193 : i32 to index
    %swap3A_195 = arith.constant 0 : index
    %swap3A_196 = tpu.vector_load %arg9[%swap3A_194, %swap3A_195] {strides = array<i32>} : memref<16x128xf32, #tpu.memory_space<vmem>>, vector<1x16xf32>,
    %swap3A_197 = vector.shape_cast %swap3A_196 : vector<1x16xf32> to vector<16xf32>
    %swap3A_198 = vector.shape_cast %broadcast_in_dim3A_192 : vector<16xf32> to vector<1x16xf32>
    tpu.vector_store %arg9[%swap3A_194, %swap3A_195], %swap3A_198 {strides = array<i32>} : memref<16x128xf32, #tpu.memory_space<vmem>>, vector<1x16xf32>,
    %broadcast_in_dim3A_199 = arith.constant 0.000000e+00 : f32
    %broadcast_in_dim3A_200 = vector.broadcast %broadcast_in_dim3A_199 : f32 to vector<16xf32>
    %swap3A_201 = arith.constant 3 : i32
    %swap3A_202 = arith.index_cast %swap3A_201 : i32 to index
    %swap3A_203 = arith.constant 16 : index
    %swap3A_204 = tpu.vector_load %arg9[%swap3A_202, %swap3A_203] {strides = array<i32>} : memref<16x128xf32, #tpu.memory_space<vmem>>, vector<1x16xf32>,
    %swap3A_205 = vector.shape_cast %swap3A_204 : vector<1x16xf32> to vector<16xf32>
    %swap3A_206 = vector.shape_cast %broadcast_in_dim3A_200 : vector<16xf32> to vector<1x16xf32>
    tpu.vector_store %arg9[%swap3A_202, %swap3A_203], %swap3A_206 {strides = array<i32>} : memref<16x128xf32, #tpu.memory_space<vmem>>, vector<1x16xf32>,
    %broadcast_in_dim3A_207 = arith.constant 0.000000e+00 : f32
    %broadcast_in_dim3A_208 = vector.broadcast %broadcast_in_dim3A_207 : f32 to vector<16xf32>
    %swap3A_209 = arith.constant 3 : i32
    %swap3A_210 = arith.index_cast %swap3A_209 : i32 to index
    %swap3A_211 = arith.constant 32 : index
    %swap3A_212 = tpu.vector_load %arg9[%swap3A_210, %swap3A_211] {strides = array<i32>} : memref<16x128xf32, #tpu.memory_space<vmem>>, vector<1x16xf32>,
    %swap3A_213 = vector.shape_cast %swap3A_212 : vector<1x16xf32> to vector<16xf32>
    %swap3A_214 = vector.shape_cast %broadcast_in_dim3A_208 : vector<16xf32> to vector<1x16xf32>
    tpu.vector_store %arg9[%swap3A_210, %swap3A_211], %swap3A_214 {strides = array<i32>} : memref<16x128xf32, #tpu.memory_space<vmem>>, vector<1x16xf32>,
    %broadcast_in_dim3A_215 = arith.constant 0.000000e+00 : f32
    %broadcast_in_dim3A_216 = vector.broadcast %broadcast_in_dim3A_215 : f32 to vector<16xf32>
    %swap3A_217 = arith.constant 3 : i32
    %swap3A_218 = arith.index_cast %swap3A_217 : i32 to index
    %swap3A_219 = arith.constant 48 : index
    %swap3A_220 = tpu.vector_load %arg9[%swap3A_218, %swap3A_219] {strides = array<i32>} : memref<16x128xf32, #tpu.memory_space<vmem>>, vector<1x16xf32>,
    %swap3A_221 = vector.shape_cast %swap3A_220 : vector<1x16xf32> to vector<16xf32>
    %swap3A_222 = vector.shape_cast %broadcast_in_dim3A_216 : vector<16xf32> to vector<1x16xf32>
    tpu.vector_store %arg9[%swap3A_218, %swap3A_219], %swap3A_222 {strides = array<i32>} : memref<16x128xf32, #tpu.memory_space<vmem>>, vector<1x16xf32>,
    %broadcast_in_dim3A_223 = arith.constant 0.000000e+00 : f32
    %broadcast_in_dim3A_224 = vector.broadcast %broadcast_in_dim3A_223 : f32 to vector<16xf32>
    %swap3A_225 = arith.constant 3 : i32
    %swap3A_226 = arith.index_cast %swap3A_225 : i32 to index
    %swap3A_227 = arith.constant 64 : index
    %swap3A_228 = tpu.vector_load %arg9[%swap3A_226, %swap3A_227] {strides = array<i32>} : memref<16x128xf32, #tpu.memory_space<vmem>>, vector<1x16xf32>,
    %swap3A_229 = vector.shape_cast %swap3A_228 : vector<1x16xf32> to vector<16xf32>
    %swap3A_230 = vector.shape_cast %broadcast_in_dim3A_224 : vector<16xf32> to vector<1x16xf32>
    tpu.vector_store %arg9[%swap3A_226, %swap3A_227], %swap3A_230 {strides = array<i32>} : memref<16x128xf32, #tpu.memory_space<vmem>>, vector<1x16xf32>,
    %broadcast_in_dim3A_231 = arith.constant 0.000000e+00 : f32
    %broadcast_in_dim3A_232 = vector.broadcast %broadcast_in_dim3A_231 : f32 to vector<16xf32>
    %swap3A_233 = arith.constant 3 : i32
    %swap3A_234 = arith.index_cast %swap3A_233 : i32 to index
    %swap3A_235 = arith.constant 80 : index
    %swap3A_236 = tpu.vector_load %arg9[%swap3A_234, %swap3A_235] {strides = array<i32>} : memref<16x128xf32, #tpu.memory_space<vmem>>, vector<1x16xf32>,
    %swap3A_237 = vector.shape_cast %swap3A_236 : vector<1x16xf32> to vector<16xf32>
    %swap3A_238 = vector.shape_cast %broadcast_in_dim3A_232 : vector<16xf32> to vector<1x16xf32>
    tpu.vector_store %arg9[%swap3A_234, %swap3A_235], %swap3A_238 {strides = array<i32>} : memref<16x128xf32, #tpu.memory_space<vmem>>, vector<1x16xf32>,
    %broadcast_in_dim3A_239 = arith.constant 0.000000e+00 : f32
    %broadcast_in_dim3A_240 = vector.broadcast %broadcast_in_dim3A_239 : f32 to vector<16xf32>
    %swap3A_241 = arith.constant 3 : i32
    %swap3A_242 = arith.index_cast %swap3A_241 : i32 to index
    %swap3A_243 = arith.constant 96 : index
    %swap3A_244 = tpu.vector_load %arg9[%swap3A_242, %swap3A_243] {strides = array<i32>} : memref<16x128xf32, #tpu.memory_space<vmem>>, vector<1x16xf32>,
    %swap3A_245 = vector.shape_cast %swap3A_244 : vector<1x16xf32> to vector<16xf32>
    %swap3A_246 = vector.shape_cast %broadcast_in_dim3A_240 : vector<16xf32> to vector<1x16xf32>
    tpu.vector_store %arg9[%swap3A_242, %swap3A_243], %swap3A_246 {strides = array<i32>} : memref<16x128xf32, #tpu.memory_space<vmem>>, vector<1x16xf32>,
    %broadcast_in_dim3A_247 = arith.constant 0.000000e+00 : f32
    %broadcast_in_dim3A_248 = vector.broadcast %broadcast_in_dim3A_247 : f32 to vector<16xf32>
    %swap3A_249 = arith.constant 3 : i32
    %swap3A_250 = arith.index_cast %swap3A_249 : i32 to index
    %swap3A_251 = arith.constant 112 : index
    %swap3A_252 = tpu.vector_load %arg9[%swap3A_250, %swap3A_251] {strides = array<i32>} : memref<16x128xf32, #tpu.memory_space<vmem>>, vector<1x16xf32>,
    %swap3A_253 = vector.shape_cast %swap3A_252 : vector<1x16xf32> to vector<16xf32>
    %swap3A_254 = vector.shape_cast %broadcast_in_dim3A_248 : vector<16xf32> to vector<1x16xf32>
    tpu.vector_store %arg9[%swap3A_250, %swap3A_251], %swap3A_254 {strides = array<i32>} : memref<16x128xf32, #tpu.memory_space<vmem>>, vector<1x16xf32>,
    %broadcast_in_dim3A_255 = arith.constant 0.000000e+00 : f32
    %broadcast_in_dim3A_256 = vector.broadcast %broadcast_in_dim3A_255 : f32 to vector<16xf32>
    %swap3A_257 = arith.constant 4 : i32
    %swap3A_258 = arith.index_cast %swap3A_257 : i32 to index
    %swap3A_259 = arith.constant 0 : index
    %swap3A_260 = tpu.vector_load %arg9[%swap3A_258, %swap3A_259] {strides = array<i32>} : memref<16x128xf32, #tpu.memory_space<vmem>>, vector<1x16xf32>,
    %swap3A_261 = vector.shape_cast %swap3A_260 : vector<1x16xf32> to vector<16xf32>
    %swap3A_262 = vector.shape_cast %broadcast_in_dim3A_256 : vector<16xf32> to vector<1x16xf32>
    tpu.vector_store %arg9[%swap3A_258, %swap3A_259], %swap3A_262 {strides = array<i32>} : memref<16x128xf32, #tpu.memory_space<vmem>>, vector<1x16xf32>,
    %broadcast_in_dim3A_263 = arith.constant 0.000000e+00 : f32
    %broadcast_in_dim3A_264 = vector.broadcast %broadcast_in_dim3A_263 : f32 to vector<16xf32>
    %swap3A_265 = arith.constant 4 : i32
    %swap3A_266 = arith.index_cast %swap3A_265 : i32 to index
    %swap3A_267 = arith.constant 16 : index
    %swap3A_268 = tpu.vector_load %arg9[%swap3A_266, %swap3A_267] {strides = array<i32>} : memref<16x128xf32, #tpu.memory_space<vmem>>, vector<1x16xf32>,
    %swap3A_269 = vector.shape_cast %swap3A_268 : vector<1x16xf32> to vector<16xf32>
    %swap3A_270 = vector.shape_cast %broadcast_in_dim3A_264 : vector<16xf32> to vector<1x16xf32>
    tpu.vector_store %arg9[%swap3A_266, %swap3A_267], %swap3A_270 {strides = array<i32>} : memref<16x128xf32, #tpu.memory_space<vmem>>, vector<1x16xf32>,
    %broadcast_in_dim3A_271 = arith.constant 0.000000e+00 : f32
    %broadcast_in_dim3A_272 = vector.broadcast %broadcast_in_dim3A_271 : f32 to vector<16xf32>
    %swap3A_273 = arith.constant 4 : i32
    %swap3A_274 = arith.index_cast %swap3A_273 : i32 to index
    %swap3A_275 = arith.constant 32 : index
    %swap3A_276 = tpu.vector_load %arg9[%swap3A_274, %swap3A_275] {strides = array<i32>} : memref<16x128xf32, #tpu.memory_space<vmem>>, vector<1x16xf32>,
    %swap3A_277 = vector.shape_cast %swap3A_276 : vector<1x16xf32> to vector<16xf32>
    %swap3A_278 = vector.shape_cast %broadcast_in_dim3A_272 : vector<16xf32> to vector<1x16xf32>
    tpu.vector_store %arg9[%swap3A_274, %swap3A_275], %swap3A_278 {strides = array<i32>} : memref<16x128xf32, #tpu.memory_space<vmem>>, vector<1x16xf32>,
    %broadcast_in_dim3A_279 = arith.constant 0.000000e+00 : f32
    %broadcast_in_dim3A_280 = vector.broadcast %broadcast_in_dim3A_279 : f32 to vector<16xf32>
    %swap3A_281 = arith.constant 4 : i32
    %swap3A_282 = arith.index_cast %swap3A_281 : i32 to index
    %swap3A_283 = arith.constant 48 : index
    %swap3A_284 = tpu.vector_load %arg9[%swap3A_282, %swap3A_283] {strides = array<i32>} : memref<16x128xf32, #tpu.memory_space<vmem>>, vector<1x16xf32>,
    %swap3A_285 = vector.shape_cast %swap3A_284 : vector<1x16xf32> to vector<16xf32>
    %swap3A_286 = vector.shape_cast %broadcast_in_dim3A_280 : vector<16xf32> to vector<1x16xf32>
    tpu.vector_store %arg9[%swap3A_282, %swap3A_283], %swap3A_286 {strides = array<i32>} : memref<16x128xf32, #tpu.memory_space<vmem>>, vector<1x16xf32>,
    %broadcast_in_dim3A_287 = arith.constant 0.000000e+00 : f32
    %broadcast_in_dim3A_288 = vector.broadcast %broadcast_in_dim3A_287 : f32 to vector<16xf32>
    %swap3A_289 = arith.constant 4 : i32
    %swap3A_290 = arith.index_cast %swap3A_289 : i32 to index
    %swap3A_291 = arith.constant 64 : index
    %swap3A_292 = tpu.vector_load %arg9[%swap3A_290, %swap3A_291] {strides = array<i32>} : memref<16x128xf32, #tpu.memory_space<vmem>>, vector<1x16xf32>,
    %swap3A_293 = vector.shape_cast %swap3A_292 : vector<1x16xf32> to vector<16xf32>
    %swap3A_294 = vector.shape_cast %broadcast_in_dim3A_288 : vector<16xf32> to vector<1x16xf32>
    tpu.vector_store %arg9[%swap3A_290, %swap3A_291], %swap3A_294 {strides = array<i32>} : memref<16x128xf32, #tpu.memory_space<vmem>>, vector<1x16xf32>,
    %broadcast_in_dim3A_295 = arith.constant 0.000000e+00 : f32
    %broadcast_in_dim3A_296 = vector.broadcast %broadcast_in_dim3A_295 : f32 to vector<16xf32>
    %swap3A_297 = arith.constant 4 : i32
    %swap3A_298 = arith.index_cast %swap3A_297 : i32 to index
    %swap3A_299 = arith.constant 80 : index
    %swap3A_300 = tpu.vector_load %arg9[%swap3A_298, %swap3A_299] {strides = array<i32>} : memref<16x128xf32, #tpu.memory_space<vmem>>, vector<1x16xf32>,
    %swap3A_301 = vector.shape_cast %swap3A_300 : vector<1x16xf32> to vector<16xf32>
    %swap3A_302 = vector.shape_cast %broadcast_in_dim3A_296 : vector<16xf32> to vector<1x16xf32>
    tpu.vector_store %arg9[%swap3A_298, %swap3A_299], %swap3A_302 {strides = array<i32>} : memref<16x128xf32, #tpu.memory_space<vmem>>, vector<1x16xf32>,
    %broadcast_in_dim3A_303 = arith.constant 0.000000e+00 : f32
    %broadcast_in_dim3A_304 = vector.broadcast %broadcast_in_dim3A_303 : f32 to vector<16xf32>
    %swap3A_305 = arith.constant 4 : i32
    %swap3A_306 = arith.index_cast %swap3A_305 : i32 to index
    %swap3A_307 = arith.constant 96 : index
    %swap3A_308 = tpu.vector_load %arg9[%swap3A_306, %swap3A_307] {strides = array<i32>} : memref<16x128xf32, #tpu.memory_space<vmem>>, vector<1x16xf32>,
    %swap3A_309 = vector.shape_cast %swap3A_308 : vector<1x16xf32> to vector<16xf32>
    %swap3A_310 = vector.shape_cast %broadcast_in_dim3A_304 : vector<16xf32> to vector<1x16xf32>
    tpu.vector_store %arg9[%swap3A_306, %swap3A_307], %swap3A_310 {strides = array<i32>} : memref<16x128xf32, #tpu.memory_space<vmem>>, vector<1x16xf32>,
    %broadcast_in_dim3A_311 = arith.constant 0.000000e+00 : f32
    %broadcast_in_dim3A_312 = vector.broadcast %broadcast_in_dim3A_311 : f32 to vector<16xf32>
    %swap3A_313 = arith.constant 4 : i32
    %swap3A_314 = arith.index_cast %swap3A_313 : i32 to index
    %swap3A_315 = arith.constant 112 : index
    %swap3A_316 = tpu.vector_load %arg9[%swap3A_314, %swap3A_315] {strides = array<i32>} : memref<16x128xf32, #tpu.memory_space<vmem>>, vector<1x16xf32>,
    %swap3A_317 = vector.shape_cast %swap3A_316 : vector<1x16xf32> to vector<16xf32>
    %swap3A_318 = vector.shape_cast %broadcast_in_dim3A_312 : vector<16xf32> to vector<1x16xf32>
    tpu.vector_store %arg9[%swap3A_314, %swap3A_315], %swap3A_318 {strides = array<i32>} : memref<16x128xf32, #tpu.memory_space<vmem>>, vector<1x16xf32>,
    %broadcast_in_dim3A_319 = arith.constant 0.000000e+00 : f32
    %broadcast_in_dim3A_320 = vector.broadcast %broadcast_in_dim3A_319 : f32 to vector<16xf32>
    %swap3A_321 = arith.constant 5 : i32
    %swap3A_322 = arith.index_cast %swap3A_321 : i32 to index
    %swap3A_323 = arith.constant 0 : index
    %swap3A_324 = tpu.vector_load %arg9[%swap3A_322, %swap3A_323] {strides = array<i32>} : memref<16x128xf32, #tpu.memory_space<vmem>>, vector<1x16xf32>,
    %swap3A_325 = vector.shape_cast %swap3A_324 : vector<1x16xf32> to vector<16xf32>
    %swap3A_326 = vector.shape_cast %broadcast_in_dim3A_320 : vector<16xf32> to vector<1x16xf32>
    tpu.vector_store %arg9[%swap3A_322, %swap3A_323], %swap3A_326 {strides = array<i32>} : memref<16x128xf32, #tpu.memory_space<vmem>>, vector<1x16xf32>,
    %broadcast_in_dim3A_327 = arith.constant 0.000000e+00 : f32
    %broadcast_in_dim3A_328 = vector.broadcast %broadcast_in_dim3A_327 : f32 to vector<16xf32>
    %swap3A_329 = arith.constant 5 : i32
    %swap3A_330 = arith.index_cast %swap3A_329 : i32 to index
    %swap3A_331 = arith.constant 16 : index
    %swap3A_332 = tpu.vector_load %arg9[%swap3A_330, %swap3A_331] {strides = array<i32>} : memref<16x128xf32, #tpu.memory_space<vmem>>, vector<1x16xf32>,
    %swap3A_333 = vector.shape_cast %swap3A_332 : vector<1x16xf32> to vector<16xf32>
    %swap3A_334 = vector.shape_cast %broadcast_in_dim3A_328 : vector<16xf32> to vector<1x16xf32>
    tpu.vector_store %arg9[%swap3A_330, %swap3A_331], %swap3A_334 {strides = array<i32>} : memref<16x128xf32, #tpu.memory_space<vmem>>, vector<1x16xf32>,
    %broadcast_in_dim3A_335 = arith.constant 0.000000e+00 : f32
    %broadcast_in_dim3A_336 = vector.broadcast %broadcast_in_dim3A_335 : f32 to vector<16xf32>
    %swap3A_337 = arith.constant 5 : i32
    %swap3A_338 = arith.index_cast %swap3A_337 : i32 to index
    %swap3A_339 = arith.constant 32 : index
    %swap3A_340 = tpu.vector_load %arg9[%swap3A_338, %swap3A_339] {strides = array<i32>} : memref<16x128xf32, #tpu.memory_space<vmem>>, vector<1x16xf32>,
    %swap3A_341 = vector.shape_cast %swap3A_340 : vector<1x16xf32> to vector<16xf32>
    %swap3A_342 = vector.shape_cast %broadcast_in_dim3A_336 : vector<16xf32> to vector<1x16xf32>
    tpu.vector_store %arg9[%swap3A_338, %swap3A_339], %swap3A_342 {strides = array<i32>} : memref<16x128xf32, #tpu.memory_space<vmem>>, vector<1x16xf32>,
    %broadcast_in_dim3A_343 = arith.constant 0.000000e+00 : f32
    %broadcast_in_dim3A_344 = vector.broadcast %broadcast_in_dim3A_343 : f32 to vector<16xf32>
    %swap3A_345 = arith.constant 5 : i32
    %swap3A_346 = arith.index_cast %swap3A_345 : i32 to index
    %swap3A_347 = arith.constant 48 : index
    %swap3A_348 = tpu.vector_load %arg9[%swap3A_346, %swap3A_347] {strides = array<i32>} : memref<16x128xf32, #tpu.memory_space<vmem>>, vector<1x16xf32>,
    %swap3A_349 = vector.shape_cast %swap3A_348 : vector<1x16xf32> to vector<16xf32>
    %swap3A_350 = vector.shape_cast %broadcast_in_dim3A_344 : vector<16xf32> to vector<1x16xf32>
    tpu.vector_store %arg9[%swap3A_346, %swap3A_347], %swap3A_350 {strides = array<i32>} : memref<16x128xf32, #tpu.memory_space<vmem>>, vector<1x16xf32>,
    %broadcast_in_dim3A_351 = arith.constant 0.000000e+00 : f32
    %broadcast_in_dim3A_352 = vector.broadcast %broadcast_in_dim3A_351 : f32 to vector<16xf32>
    %swap3A_353 = arith.constant 5 : i32
    %swap3A_354 = arith.index_cast %swap3A_353 : i32 to index
    %swap3A_355 = arith.constant 64 : index
    %swap3A_356 = tpu.vector_load %arg9[%swap3A_354, %swap3A_355] {strides = array<i32>} : memref<16x128xf32, #tpu.memory_space<vmem>>, vector<1x16xf32>,
    %swap3A_357 = vector.shape_cast %swap3A_356 : vector<1x16xf32> to vector<16xf32>
    %swap3A_358 = vector.shape_cast %broadcast_in_dim3A_352 : vector<16xf32> to vector<1x16xf32>
    tpu.vector_store %arg9[%swap3A_354, %swap3A_355], %swap3A_358 {strides = array<i32>} : memref<16x128xf32, #tpu.memory_space<vmem>>, vector<1x16xf32>,
    %broadcast_in_dim3A_359 = arith.constant 0.000000e+00 : f32
    %broadcast_in_dim3A_360 = vector.broadcast %broadcast_in_dim3A_359 : f32 to vector<16xf32>
    %swap3A_361 = arith.constant 5 : i32
    %swap3A_362 = arith.index_cast %swap3A_361 : i32 to index
    %swap3A_363 = arith.constant 80 : index
    %swap3A_364 = tpu.vector_load %arg9[%swap3A_362, %swap3A_363] {strides = array<i32>} : memref<16x128xf32, #tpu.memory_space<vmem>>, vector<1x16xf32>,
    %swap3A_365 = vector.shape_cast %swap3A_364 : vector<1x16xf32> to vector<16xf32>
    %swap3A_366 = vector.shape_cast %broadcast_in_dim3A_360 : vector<16xf32> to vector<1x16xf32>
    tpu.vector_store %arg9[%swap3A_362, %swap3A_363], %swap3A_366 {strides = array<i32>} : memref<16x128xf32, #tpu.memory_space<vmem>>, vector<1x16xf32>,
    %broadcast_in_dim3A_367 = arith.constant 0.000000e+00 : f32
    %broadcast_in_dim3A_368 = vector.broadcast %broadcast_in_dim3A_367 : f32 to vector<16xf32>
    %swap3A_369 = arith.constant 5 : i32
    %swap3A_370 = arith.index_cast %swap3A_369 : i32 to index
    %swap3A_371 = arith.constant 96 : index
    %swap3A_372 = tpu.vector_load %arg9[%swap3A_370, %swap3A_371] {strides = array<i32>} : memref<16x128xf32, #tpu.memory_space<vmem>>, vector<1x16xf32>,
    %swap3A_373 = vector.shape_cast %swap3A_372 : vector<1x16xf32> to vector<16xf32>
    %swap3A_374 = vector.shape_cast %broadcast_in_dim3A_368 : vector<16xf32> to vector<1x16xf32>
    tpu.vector_store %arg9[%swap3A_370, %swap3A_371], %swap3A_374 {strides = array<i32>} : memref<16x128xf32, #tpu.memory_space<vmem>>, vector<1x16xf32>,
    %broadcast_in_dim3A_375 = arith.constant 0.000000e+00 : f32
    %broadcast_in_dim3A_376 = vector.broadcast %broadcast_in_dim3A_375 : f32 to vector<16xf32>
    %swap3A_377 = arith.constant 5 : i32
    %swap3A_378 = arith.index_cast %swap3A_377 : i32 to index
    %swap3A_379 = arith.constant 112 : index
    %swap3A_380 = tpu.vector_load %arg9[%swap3A_378, %swap3A_379] {strides = array<i32>} : memref<16x128xf32, #tpu.memory_space<vmem>>, vector<1x16xf32>,
    %swap3A_381 = vector.shape_cast %swap3A_380 : vector<1x16xf32> to vector<16xf32>
    %swap3A_382 = vector.shape_cast %broadcast_in_dim3A_376 : vector<16xf32> to vector<1x16xf32>
    tpu.vector_store %arg9[%swap3A_378, %swap3A_379], %swap3A_382 {strides = array<i32>} : memref<16x128xf32, #tpu.memory_space<vmem>>, vector<1x16xf32>,
    %broadcast_in_dim3A_383 = arith.constant 0.000000e+00 : f32
    %broadcast_in_dim3A_384 = vector.broadcast %broadcast_in_dim3A_383 : f32 to vector<16xf32>
    %swap3A_385 = arith.constant 6 : i32
    %swap3A_386 = arith.index_cast %swap3A_385 : i32 to index
    %swap3A_387 = arith.constant 0 : index
    %swap3A_388 = tpu.vector_load %arg9[%swap3A_386, %swap3A_387] {strides = array<i32>} : memref<16x128xf32, #tpu.memory_space<vmem>>, vector<1x16xf32>,
    %swap3A_389 = vector.shape_cast %swap3A_388 : vector<1x16xf32> to vector<16xf32>
    %swap3A_390 = vector.shape_cast %broadcast_in_dim3A_384 : vector<16xf32> to vector<1x16xf32>
    tpu.vector_store %arg9[%swap3A_386, %swap3A_387], %swap3A_390 {strides = array<i32>} : memref<16x128xf32, #tpu.memory_space<vmem>>, vector<1x16xf32>,
    %broadcast_in_dim3A_391 = arith.constant 0.000000e+00 : f32
    %broadcast_in_dim3A_392 = vector.broadcast %broadcast_in_dim3A_391 : f32 to vector<16xf32>
    %swap3A_393 = arith.constant 6 : i32
    %swap3A_394 = arith.index_cast %swap3A_393 : i32 to index
    %swap3A_395 = arith.constant 16 : index
    %swap3A_396 = tpu.vector_load %arg9[%swap3A_394, %swap3A_395] {strides = array<i32>} : memref<16x128xf32, #tpu.memory_space<vmem>>, vector<1x16xf32>,
    %swap3A_397 = vector.shape_cast %swap3A_396 : vector<1x16xf32> to vector<16xf32>
    %swap3A_398 = vector.shape_cast %broadcast_in_dim3A_392 : vector<16xf32> to vector<1x16xf32>
    tpu.vector_store %arg9[%swap3A_394, %swap3A_395], %swap3A_398 {strides = array<i32>} : memref<16x128xf32, #tpu.memory_space<vmem>>, vector<1x16xf32>,
    %broadcast_in_dim3A_399 = arith.constant 0.000000e+00 : f32
    %broadcast_in_dim3A_400 = vector.broadcast %broadcast_in_dim3A_399 : f32 to vector<16xf32>
    %swap3A_401 = arith.constant 6 : i32
    %swap3A_402 = arith.index_cast %swap3A_401 : i32 to index
    %swap3A_403 = arith.constant 32 : index
    %swap3A_404 = tpu.vector_load %arg9[%swap3A_402, %swap3A_403] {strides = array<i32>} : memref<16x128xf32, #tpu.memory_space<vmem>>, vector<1x16xf32>,
    %swap3A_405 = vector.shape_cast %swap3A_404 : vector<1x16xf32> to vector<16xf32>
    %swap3A_406 = vector.shape_cast %broadcast_in_dim3A_400 : vector<16xf32> to vector<1x16xf32>
    tpu.vector_store %arg9[%swap3A_402, %swap3A_403], %swap3A_406 {strides = array<i32>} : memref<16x128xf32, #tpu.memory_space<vmem>>, vector<1x16xf32>,
    %broadcast_in_dim3A_407 = arith.constant 0.000000e+00 : f32
    %broadcast_in_dim3A_408 = vector.broadcast %broadcast_in_dim3A_407 : f32 to vector<16xf32>
    %swap3A_409 = arith.constant 6 : i32
    %swap3A_410 = arith.index_cast %swap3A_409 : i32 to index
    %swap3A_411 = arith.constant 48 : index
    %swap3A_412 = tpu.vector_load %arg9[%swap3A_410, %swap3A_411] {strides = array<i32>} : memref<16x128xf32, #tpu.memory_space<vmem>>, vector<1x16xf32>,
    %swap3A_413 = vector.shape_cast %swap3A_412 : vector<1x16xf32> to vector<16xf32>
    %swap3A_414 = vector.shape_cast %broadcast_in_dim3A_408 : vector<16xf32> to vector<1x16xf32>
    tpu.vector_store %arg9[%swap3A_410, %swap3A_411], %swap3A_414 {strides = array<i32>} : memref<16x128xf32, #tpu.memory_space<vmem>>, vector<1x16xf32>,
    %broadcast_in_dim3A_415 = arith.constant 0.000000e+00 : f32
    %broadcast_in_dim3A_416 = vector.broadcast %broadcast_in_dim3A_415 : f32 to vector<16xf32>
    %swap3A_417 = arith.constant 6 : i32
    %swap3A_418 = arith.index_cast %swap3A_417 : i32 to index
    %swap3A_419 = arith.constant 64 : index
    %swap3A_420 = tpu.vector_load %arg9[%swap3A_418, %swap3A_419] {strides = array<i32>} : memref<16x128xf32, #tpu.memory_space<vmem>>, vector<1x16xf32>,
    %swap3A_421 = vector.shape_cast %swap3A_420 : vector<1x16xf32> to vector<16xf32>
    %swap3A_422 = vector.shape_cast %broadcast_in_dim3A_416 : vector<16xf32> to vector<1x16xf32>
    tpu.vector_store %arg9[%swap3A_418, %swap3A_419], %swap3A_422 {strides = array<i32>} : memref<16x128xf32, #tpu.memory_space<vmem>>, vector<1x16xf32>,
    %broadcast_in_dim3A_423 = arith.constant 0.000000e+00 : f32
    %broadcast_in_dim3A_424 = vector.broadcast %broadcast_in_dim3A_423 : f32 to vector<16xf32>
    %swap3A_425 = arith.constant 6 : i32
    %swap3A_426 = arith.index_cast %swap3A_425 : i32 to index
    %swap3A_427 = arith.constant 80 : index
    %swap3A_428 = tpu.vector_load %arg9[%swap3A_426, %swap3A_427] {strides = array<i32>} : memref<16x128xf32, #tpu.memory_space<vmem>>, vector<1x16xf32>,
    %swap3A_429 = vector.shape_cast %swap3A_428 : vector<1x16xf32> to vector<16xf32>
    %swap3A_430 = vector.shape_cast %broadcast_in_dim3A_424 : vector<16xf32> to vector<1x16xf32>
    tpu.vector_store %arg9[%swap3A_426, %swap3A_427], %swap3A_430 {strides = array<i32>} : memref<16x128xf32, #tpu.memory_space<vmem>>, vector<1x16xf32>,
    %broadcast_in_dim3A_431 = arith.constant 0.000000e+00 : f32
    %broadcast_in_dim3A_432 = vector.broadcast %broadcast_in_dim3A_431 : f32 to vector<16xf32>
    %swap3A_433 = arith.constant 6 : i32
    %swap3A_434 = arith.index_cast %swap3A_433 : i32 to index
    %swap3A_435 = arith.constant 96 : index
    %swap3A_436 = tpu.vector_load %arg9[%swap3A_434, %swap3A_435] {strides = array<i32>} : memref<16x128xf32, #tpu.memory_space<vmem>>, vector<1x16xf32>,
    %swap3A_437 = vector.shape_cast %swap3A_436 : vector<1x16xf32> to vector<16xf32>
    %swap3A_438 = vector.shape_cast %broadcast_in_dim3A_432 : vector<16xf32> to vector<1x16xf32>
    tpu.vector_store %arg9[%swap3A_434, %swap3A_435], %swap3A_438 {strides = array<i32>} : memref<16x128xf32, #tpu.memory_space<vmem>>, vector<1x16xf32>,
    %broadcast_in_dim3A_439 = arith.constant 0.000000e+00 : f32
    %broadcast_in_dim3A_440 = vector.broadcast %broadcast_in_dim3A_439 : f32 to vector<16xf32>
    %swap3A_441 = arith.constant 6 : i32
    %swap3A_442 = arith.index_cast %swap3A_441 : i32 to index
    %swap3A_443 = arith.constant 112 : index
    %swap3A_444 = tpu.vector_load %arg9[%swap3A_442, %swap3A_443] {strides = array<i32>} : memref<16x128xf32, #tpu.memory_space<vmem>>, vector<1x16xf32>,
    %swap3A_445 = vector.shape_cast %swap3A_444 : vector<1x16xf32> to vector<16xf32>
    %swap3A_446 = vector.shape_cast %broadcast_in_dim3A_440 : vector<16xf32> to vector<1x16xf32>
    tpu.vector_store %arg9[%swap3A_442, %swap3A_443], %swap3A_446 {strides = array<i32>} : memref<16x128xf32, #tpu.memory_space<vmem>>, vector<1x16xf32>,
    %broadcast_in_dim3A_447 = arith.constant 0.000000e+00 : f32
    %broadcast_in_dim3A_448 = vector.broadcast %broadcast_in_dim3A_447 : f32 to vector<16xf32>
    %swap3A_449 = arith.constant 7 : i32
    %swap3A_450 = arith.index_cast %swap3A_449 : i32 to index
    %swap3A_451 = arith.constant 0 : index
    %swap3A_452 = tpu.vector_load %arg9[%swap3A_450, %swap3A_451] {strides = array<i32>} : memref<16x128xf32, #tpu.memory_space<vmem>>, vector<1x16xf32>,
    %swap3A_453 = vector.shape_cast %swap3A_452 : vector<1x16xf32> to vector<16xf32>
    %swap3A_454 = vector.shape_cast %broadcast_in_dim3A_448 : vector<16xf32> to vector<1x16xf32>
    tpu.vector_store %arg9[%swap3A_450, %swap3A_451], %swap3A_454 {strides = array<i32>} : memref<16x128xf32, #tpu.memory_space<vmem>>, vector<1x16xf32>,
    %broadcast_in_dim3A_455 = arith.constant 0.000000e+00 : f32
    %broadcast_in_dim3A_456 = vector.broadcast %broadcast_in_dim3A_455 : f32 to vector<16xf32>
    %swap3A_457 = arith.constant 7 : i32
    %swap3A_458 = arith.index_cast %swap3A_457 : i32 to index
    %swap3A_459 = arith.constant 16 : index
    %swap3A_460 = tpu.vector_load %arg9[%swap3A_458, %swap3A_459] {strides = array<i32>} : memref<16x128xf32, #tpu.memory_space<vmem>>, vector<1x16xf32>,
    %swap3A_461 = vector.shape_cast %swap3A_460 : vector<1x16xf32> to vector<16xf32>
    %swap3A_462 = vector.shape_cast %broadcast_in_dim3A_456 : vector<16xf32> to vector<1x16xf32>
    tpu.vector_store %arg9[%swap3A_458, %swap3A_459], %swap3A_462 {strides = array<i32>} : memref<16x128xf32, #tpu.memory_space<vmem>>, vector<1x16xf32>,
    %broadcast_in_dim3A_463 = arith.constant 0.000000e+00 : f32
    %broadcast_in_dim3A_464 = vector.broadcast %broadcast_in_dim3A_463 : f32 to vector<16xf32>
    %swap3A_465 = arith.constant 7 : i32
    %swap3A_466 = arith.index_cast %swap3A_465 : i32 to index
    %swap3A_467 = arith.constant 32 : index
    %swap3A_468 = tpu.vector_load %arg9[%swap3A_466, %swap3A_467] {strides = array<i32>} : memref<16x128xf32, #tpu.memory_space<vmem>>, vector<1x16xf32>,
    %swap3A_469 = vector.shape_cast %swap3A_468 : vector<1x16xf32> to vector<16xf32>
    %swap3A_470 = vector.shape_cast %broadcast_in_dim3A_464 : vector<16xf32> to vector<1x16xf32>
    tpu.vector_store %arg9[%swap3A_466, %swap3A_467], %swap3A_470 {strides = array<i32>} : memref<16x128xf32, #tpu.memory_space<vmem>>, vector<1x16xf32>,
    %broadcast_in_dim3A_471 = arith.constant 0.000000e+00 : f32
    %broadcast_in_dim3A_472 = vector.broadcast %broadcast_in_dim3A_471 : f32 to vector<16xf32>
    %swap3A_473 = arith.constant 7 : i32
    %swap3A_474 = arith.index_cast %swap3A_473 : i32 to index
    %swap3A_475 = arith.constant 48 : index
    %swap3A_476 = tpu.vector_load %arg9[%swap3A_474, %swap3A_475] {strides = array<i32>} : memref<16x128xf32, #tpu.memory_space<vmem>>, vector<1x16xf32>,
    %swap3A_477 = vector.shape_cast %swap3A_476 : vector<1x16xf32> to vector<16xf32>
    %swap3A_478 = vector.shape_cast %broadcast_in_dim3A_472 : vector<16xf32> to vector<1x16xf32>
    tpu.vector_store %arg9[%swap3A_474, %swap3A_475], %swap3A_478 {strides = array<i32>} : memref<16x128xf32, #tpu.memory_space<vmem>>, vector<1x16xf32>,
    %broadcast_in_dim3A_479 = arith.constant 0.000000e+00 : f32
    %broadcast_in_dim3A_480 = vector.broadcast %broadcast_in_dim3A_479 : f32 to vector<16xf32>
    %swap3A_481 = arith.constant 7 : i32
    %swap3A_482 = arith.index_cast %swap3A_481 : i32 to index
    %swap3A_483 = arith.constant 64 : index
    %swap3A_484 = tpu.vector_load %arg9[%swap3A_482, %swap3A_483] {strides = array<i32>} : memref<16x128xf32, #tpu.memory_space<vmem>>, vector<1x16xf32>,
    %swap3A_485 = vector.shape_cast %swap3A_484 : vector<1x16xf32> to vector<16xf32>
    %swap3A_486 = vector.shape_cast %broadcast_in_dim3A_480 : vector<16xf32> to vector<1x16xf32>
    tpu.vector_store %arg9[%swap3A_482, %swap3A_483], %swap3A_486 {strides = array<i32>} : memref<16x128xf32, #tpu.memory_space<vmem>>, vector<1x16xf32>,
    %broadcast_in_dim3A_487 = arith.constant 0.000000e+00 : f32
    %broadcast_in_dim3A_488 = vector.broadcast %broadcast_in_dim3A_487 : f32 to vector<16xf32>
    %swap3A_489 = arith.constant 7 : i32
    %swap3A_490 = arith.index_cast %swap3A_489 : i32 to index
    %swap3A_491 = arith.constant 80 : index
    %swap3A_492 = tpu.vector_load %arg9[%swap3A_490, %swap3A_491] {strides = array<i32>} : memref<16x128xf32, #tpu.memory_space<vmem>>, vector<1x16xf32>,
    %swap3A_493 = vector.shape_cast %swap3A_492 : vector<1x16xf32> to vector<16xf32>
    %swap3A_494 = vector.shape_cast %broadcast_in_dim3A_488 : vector<16xf32> to vector<1x16xf32>
    tpu.vector_store %arg9[%swap3A_490, %swap3A_491], %swap3A_494 {strides = array<i32>} : memref<16x128xf32, #tpu.memory_space<vmem>>, vector<1x16xf32>,
    %broadcast_in_dim3A_495 = arith.constant 0.000000e+00 : f32
    %broadcast_in_dim3A_496 = vector.broadcast %broadcast_in_dim3A_495 : f32 to vector<16xf32>
    %swap3A_497 = arith.constant 7 : i32
    %swap3A_498 = arith.index_cast %swap3A_497 : i32 to index
    %swap3A_499 = arith.constant 96 : index
    %swap3A_500 = tpu.vector_load %arg9[%swap3A_498, %swap3A_499] {strides = array<i32>} : memref<16x128xf32, #tpu.memory_space<vmem>>, vector<1x16xf32>,
    %swap3A_501 = vector.shape_cast %swap3A_500 : vector<1x16xf32> to vector<16xf32>
    %swap3A_502 = vector.shape_cast %broadcast_in_dim3A_496 : vector<16xf32> to vector<1x16xf32>
    tpu.vector_store %arg9[%swap3A_498, %swap3A_499], %swap3A_502 {strides = array<i32>} : memref<16x128xf32, #tpu.memory_space<vmem>>, vector<1x16xf32>,
    %broadcast_in_dim3A_503 = arith.constant 0.000000e+00 : f32
    %broadcast_in_dim3A_504 = vector.broadcast %broadcast_in_dim3A_503 : f32 to vector<16xf32>
    %swap3A_505 = arith.constant 7 : i32
    %swap3A_506 = arith.index_cast %swap3A_505 : i32 to index
    %swap3A_507 = arith.constant 112 : index
    %swap3A_508 = tpu.vector_load %arg9[%swap3A_506, %swap3A_507] {strides = array<i32>} : memref<16x128xf32, #tpu.memory_space<vmem>>, vector<1x16xf32>,
    %swap3A_509 = vector.shape_cast %swap3A_508 : vector<1x16xf32> to vector<16xf32>
    %swap3A_510 = vector.shape_cast %broadcast_in_dim3A_504 : vector<16xf32> to vector<1x16xf32>
    tpu.vector_store %arg9[%swap3A_506, %swap3A_507], %swap3A_510 {strides = array<i32>} : memref<16x128xf32, #tpu.memory_space<vmem>>, vector<1x16xf32>,
    %broadcast_in_dim3A_511 = arith.constant 0.000000e+00 : f32
    %broadcast_in_dim3A_512 = vector.broadcast %broadcast_in_dim3A_511 : f32 to vector<16xf32>
    %swap3A_513 = arith.constant 8 : i32
    %swap3A_514 = arith.index_cast %swap3A_513 : i32 to index
    %swap3A_515 = arith.constant 0 : index
    %swap3A_516 = tpu.vector_load %arg9[%swap3A_514, %swap3A_515] {strides = array<i32>} : memref<16x128xf32, #tpu.memory_space<vmem>>, vector<1x16xf32>,
    %swap3A_517 = vector.shape_cast %swap3A_516 : vector<1x16xf32> to vector<16xf32>
    %swap3A_518 = vector.shape_cast %broadcast_in_dim3A_512 : vector<16xf32> to vector<1x16xf32>
    tpu.vector_store %arg9[%swap3A_514, %swap3A_515], %swap3A_518 {strides = array<i32>} : memref<16x128xf32, #tpu.memory_space<vmem>>, vector<1x16xf32>,
    %broadcast_in_dim3A_519 = arith.constant 0.000000e+00 : f32
    %broadcast_in_dim3A_520 = vector.broadcast %broadcast_in_dim3A_519 : f32 to vector<16xf32>
    %swap3A_521 = arith.constant 8 : i32
    %swap3A_522 = arith.index_cast %swap3A_521 : i32 to index
    %swap3A_523 = arith.constant 16 : index
    %swap3A_524 = tpu.vector_load %arg9[%swap3A_522, %swap3A_523] {strides = array<i32>} : memref<16x128xf32, #tpu.memory_space<vmem>>, vector<1x16xf32>,
    %swap3A_525 = vector.shape_cast %swap3A_524 : vector<1x16xf32> to vector<16xf32>
    %swap3A_526 = vector.shape_cast %broadcast_in_dim3A_520 : vector<16xf32> to vector<1x16xf32>
    tpu.vector_store %arg9[%swap3A_522, %swap3A_523], %swap3A_526 {strides = array<i32>} : memref<16x128xf32, #tpu.memory_space<vmem>>, vector<1x16xf32>,
    %broadcast_in_dim3A_527 = arith.constant 0.000000e+00 : f32
    %broadcast_in_dim3A_528 = vector.broadcast %broadcast_in_dim3A_527 : f32 to vector<16xf32>
    %swap3A_529 = arith.constant 8 : i32
    %swap3A_530 = arith.index_cast %swap3A_529 : i32 to index
    %swap3A_531 = arith.constant 32 : index
    %swap3A_532 = tpu.vector_load %arg9[%swap3A_530, %swap3A_531] {strides = array<i32>} : memref<16x128xf32, #tpu.memory_space<vmem>>, vector<1x16xf32>,
    %swap3A_533 = vector.shape_cast %swap3A_532 : vector<1x16xf32> to vector<16xf32>
    %swap3A_534 = vector.shape_cast %broadcast_in_dim3A_528 : vector<16xf32> to vector<1x16xf32>
    tpu.vector_store %arg9[%swap3A_530, %swap3A_531], %swap3A_534 {strides = array<i32>} : memref<16x128xf32, #tpu.memory_space<vmem>>, vector<1x16xf32>,
    %broadcast_in_dim3A_535 = arith.constant 0.000000e+00 : f32
    %broadcast_in_dim3A_536 = vector.broadcast %broadcast_in_dim3A_535 : f32 to vector<16xf32>
    %swap3A_537 = arith.constant 8 : i32
    %swap3A_538 = arith.index_cast %swap3A_537 : i32 to index
    %swap3A_539 = arith.constant 48 : index
    %swap3A_540 = tpu.vector_load %arg9[%swap3A_538, %swap3A_539] {strides = array<i32>} : memref<16x128xf32, #tpu.memory_space<vmem>>, vector<1x16xf32>,
    %swap3A_541 = vector.shape_cast %swap3A_540 : vector<1x16xf32> to vector<16xf32>
    %swap3A_542 = vector.shape_cast %broadcast_in_dim3A_536 : vector<16xf32> to vector<1x16xf32>
    tpu.vector_store %arg9[%swap3A_538, %swap3A_539], %swap3A_542 {strides = array<i32>} : memref<16x128xf32, #tpu.memory_space<vmem>>, vector<1x16xf32>,
    %broadcast_in_dim3A_543 = arith.constant 0.000000e+00 : f32
    %broadcast_in_dim3A_544 = vector.broadcast %broadcast_in_dim3A_543 : f32 to vector<16xf32>
    %swap3A_545 = arith.constant 8 : i32
    %swap3A_546 = arith.index_cast %swap3A_545 : i32 to index
    %swap3A_547 = arith.constant 64 : index
    %swap3A_548 = tpu.vector_load %arg9[%swap3A_546, %swap3A_547] {strides = array<i32>} : memref<16x128xf32, #tpu.memory_space<vmem>>, vector<1x16xf32>,
    %swap3A_549 = vector.shape_cast %swap3A_548 : vector<1x16xf32> to vector<16xf32>
    %swap3A_550 = vector.shape_cast %broadcast_in_dim3A_544 : vector<16xf32> to vector<1x16xf32>
    tpu.vector_store %arg9[%swap3A_546, %swap3A_547], %swap3A_550 {strides = array<i32>} : memref<16x128xf32, #tpu.memory_space<vmem>>, vector<1x16xf32>,
    %broadcast_in_dim3A_551 = arith.constant 0.000000e+00 : f32
    %broadcast_in_dim3A_552 = vector.broadcast %broadcast_in_dim3A_551 : f32 to vector<16xf32>
    %swap3A_553 = arith.constant 8 : i32
    %swap3A_554 = arith.index_cast %swap3A_553 : i32 to index
    %swap3A_555 = arith.constant 80 : index
    %swap3A_556 = tpu.vector_load %arg9[%swap3A_554, %swap3A_555] {strides = array<i32>} : memref<16x128xf32, #tpu.memory_space<vmem>>, vector<1x16xf32>,
    %swap3A_557 = vector.shape_cast %swap3A_556 : vector<1x16xf32> to vector<16xf32>
    %swap3A_558 = vector.shape_cast %broadcast_in_dim3A_552 : vector<16xf32> to vector<1x16xf32>
    tpu.vector_store %arg9[%swap3A_554, %swap3A_555], %swap3A_558 {strides = array<i32>} : memref<16x128xf32, #tpu.memory_space<vmem>>, vector<1x16xf32>,
    %broadcast_in_dim3A_559 = arith.constant 0.000000e+00 : f32
    %broadcast_in_dim3A_560 = vector.broadcast %broadcast_in_dim3A_559 : f32 to vector<16xf32>
    %swap3A_561 = arith.constant 8 : i32
    %swap3A_562 = arith.index_cast %swap3A_561 : i32 to index
    %swap3A_563 = arith.constant 96 : index
    %swap3A_564 = tpu.vector_load %arg9[%swap3A_562, %swap3A_563] {strides = array<i32>} : memref<16x128xf32, #tpu.memory_space<vmem>>, vector<1x16xf32>,
    %swap3A_565 = vector.shape_cast %swap3A_564 : vector<1x16xf32> to vector<16xf32>
    %swap3A_566 = vector.shape_cast %broadcast_in_dim3A_560 : vector<16xf32> to vector<1x16xf32>
    tpu.vector_store %arg9[%swap3A_562, %swap3A_563], %swap3A_566 {strides = array<i32>} : memref<16x128xf32, #tpu.memory_space<vmem>>, vector<1x16xf32>,
    %broadcast_in_dim3A_567 = arith.constant 0.000000e+00 : f32
    %broadcast_in_dim3A_568 = vector.broadcast %broadcast_in_dim3A_567 : f32 to vector<16xf32>
    %swap3A_569 = arith.constant 8 : i32
    %swap3A_570 = arith.index_cast %swap3A_569 : i32 to index
    %swap3A_571 = arith.constant 112 : index
    %swap3A_572 = tpu.vector_load %arg9[%swap3A_570, %swap3A_571] {strides = array<i32>} : memref<16x128xf32, #tpu.memory_space<vmem>>, vector<1x16xf32>,
    %swap3A_573 = vector.shape_cast %swap3A_572 : vector<1x16xf32> to vector<16xf32>
    %swap3A_574 = vector.shape_cast %broadcast_in_dim3A_568 : vector<16xf32> to vector<1x16xf32>
    tpu.vector_store %arg9[%swap3A_570, %swap3A_571], %swap3A_574 {strides = array<i32>} : memref<16x128xf32, #tpu.memory_space<vmem>>, vector<1x16xf32>,
    %broadcast_in_dim3A_575 = arith.constant 0.000000e+00 : f32
    %broadcast_in_dim3A_576 = vector.broadcast %broadcast_in_dim3A_575 : f32 to vector<16xf32>
    %swap3A_577 = arith.constant 9 : i32
    %swap3A_578 = arith.index_cast %swap3A_577 : i32 to index
    %swap3A_579 = arith.constant 0 : index
    %swap3A_580 = tpu.vector_load %arg9[%swap3A_578, %swap3A_579] {strides = array<i32>} : memref<16x128xf32, #tpu.memory_space<vmem>>, vector<1x16xf32>,
    %swap3A_581 = vector.shape_cast %swap3A_580 : vector<1x16xf32> to vector<16xf32>
    %swap3A_582 = vector.shape_cast %broadcast_in_dim3A_576 : vector<16xf32> to vector<1x16xf32>
    tpu.vector_store %arg9[%swap3A_578, %swap3A_579], %swap3A_582 {strides = array<i32>} : memref<16x128xf32, #tpu.memory_space<vmem>>, vector<1x16xf32>,
    %broadcast_in_dim3A_583 = arith.constant 0.000000e+00 : f32
    %broadcast_in_dim3A_584 = vector.broadcast %broadcast_in_dim3A_583 : f32 to vector<16xf32>
    %swap3A_585 = arith.constant 9 : i32
    %swap3A_586 = arith.index_cast %swap3A_585 : i32 to index
    %swap3A_587 = arith.constant 16 : index
    %swap3A_588 = tpu.vector_load %arg9[%swap3A_586, %swap3A_587] {strides = array<i32>} : memref<16x128xf32, #tpu.memory_space<vmem>>, vector<1x16xf32>,
    %swap3A_589 = vector.shape_cast %swap3A_588 : vector<1x16xf32> to vector<16xf32>
    %swap3A_590 = vector.shape_cast %broadcast_in_dim3A_584 : vector<16xf32> to vector<1x16xf32>
    tpu.vector_store %arg9[%swap3A_586, %swap3A_587], %swap3A_590 {strides = array<i32>} : memref<16x128xf32, #tpu.memory_space<vmem>>, vector<1x16xf32>,
    %broadcast_in_dim3A_591 = arith.constant 0.000000e+00 : f32
    %broadcast_in_dim3A_592 = vector.broadcast %broadcast_in_dim3A_591 : f32 to vector<16xf32>
    %swap3A_593 = arith.constant 9 : i32
    %swap3A_594 = arith.index_cast %swap3A_593 : i32 to index
    %swap3A_595 = arith.constant 32 : index
    %swap3A_596 = tpu.vector_load %arg9[%swap3A_594, %swap3A_595] {strides = array<i32>} : memref<16x128xf32, #tpu.memory_space<vmem>>, vector<1x16xf32>,
    %swap3A_597 = vector.shape_cast %swap3A_596 : vector<1x16xf32> to vector<16xf32>
    %swap3A_598 = vector.shape_cast %broadcast_in_dim3A_592 : vector<16xf32> to vector<1x16xf32>
    tpu.vector_store %arg9[%swap3A_594, %swap3A_595], %swap3A_598 {strides = array<i32>} : memref<16x128xf32, #tpu.memory_space<vmem>>, vector<1x16xf32>,
    %broadcast_in_dim3A_599 = arith.constant 0.000000e+00 : f32
    %broadcast_in_dim3A_600 = vector.broadcast %broadcast_in_dim3A_599 : f32 to vector<16xf32>
    %swap3A_601 = arith.constant 9 : i32
    %swap3A_602 = arith.index_cast %swap3A_601 : i32 to index
    %swap3A_603 = arith.constant 48 : index
    %swap3A_604 = tpu.vector_load %arg9[%swap3A_602, %swap3A_603] {strides = array<i32>} : memref<16x128xf32, #tpu.memory_space<vmem>>, vector<1x16xf32>,
    %swap3A_605 = vector.shape_cast %swap3A_604 : vector<1x16xf32> to vector<16xf32>
    %swap3A_606 = vector.shape_cast %broadcast_in_dim3A_600 : vector<16xf32> to vector<1x16xf32>
    tpu.vector_store %arg9[%swap3A_602, %swap3A_603], %swap3A_606 {strides = array<i32>} : memref<16x128xf32, #tpu.memory_space<vmem>>, vector<1x16xf32>,
    %broadcast_in_dim3A_607 = arith.constant 0.000000e+00 : f32
    %broadcast_in_dim3A_608 = vector.broadcast %broadcast_in_dim3A_607 : f32 to vector<16xf32>
    %swap3A_609 = arith.constant 9 : i32
    %swap3A_610 = arith.index_cast %swap3A_609 : i32 to index
    %swap3A_611 = arith.constant 64 : index
    %swap3A_612 = tpu.vector_load %arg9[%swap3A_610, %swap3A_611] {strides = array<i32>} : memref<16x128xf32, #tpu.memory_space<vmem>>, vector<1x16xf32>,
    %swap3A_613 = vector.shape_cast %swap3A_612 : vector<1x16xf32> to vector<16xf32>
    %swap3A_614 = vector.shape_cast %broadcast_in_dim3A_608 : vector<16xf32> to vector<1x16xf32>
    tpu.vector_store %arg9[%swap3A_610, %swap3A_611], %swap3A_614 {strides = array<i32>} : memref<16x128xf32, #tpu.memory_space<vmem>>, vector<1x16xf32>,
    %broadcast_in_dim3A_615 = arith.constant 0.000000e+00 : f32
    %broadcast_in_dim3A_616 = vector.broadcast %broadcast_in_dim3A_615 : f32 to vector<16xf32>
    %swap3A_617 = arith.constant 9 : i32
    %swap3A_618 = arith.index_cast %swap3A_617 : i32 to index
    %swap3A_619 = arith.constant 80 : index
    %swap3A_620 = tpu.vector_load %arg9[%swap3A_618, %swap3A_619] {strides = array<i32>} : memref<16x128xf32, #tpu.memory_space<vmem>>, vector<1x16xf32>,
    %swap3A_621 = vector.shape_cast %swap3A_620 : vector<1x16xf32> to vector<16xf32>
    %swap3A_622 = vector.shape_cast %broadcast_in_dim3A_616 : vector<16xf32> to vector<1x16xf32>
    tpu.vector_store %arg9[%swap3A_618, %swap3A_619], %swap3A_622 {strides = array<i32>} : memref<16x128xf32, #tpu.memory_space<vmem>>, vector<1x16xf32>,
    %broadcast_in_dim3A_623 = arith.constant 0.000000e+00 : f32
    %broadcast_in_dim3A_624 = vector.broadcast %broadcast_in_dim3A_623 : f32 to vector<16xf32>
    %swap3A_625 = arith.constant 9 : i32
    %swap3A_626 = arith.index_cast %swap3A_625 : i32 to index
    %swap3A_627 = arith.constant 96 : index
    %swap3A_628 = tpu.vector_load %arg9[%swap3A_626, %swap3A_627] {strides = array<i32>} : memref<16x128xf32, #tpu.memory_space<vmem>>, vector<1x16xf32>,
    %swap3A_629 = vector.shape_cast %swap3A_628 : vector<1x16xf32> to vector<16xf32>
    %swap3A_630 = vector.shape_cast %broadcast_in_dim3A_624 : vector<16xf32> to vector<1x16xf32>
    tpu.vector_store %arg9[%swap3A_626, %swap3A_627], %swap3A_630 {strides = array<i32>} : memref<16x128xf32, #tpu.memory_space<vmem>>, vector<1x16xf32>,
    %broadcast_in_dim3A_631 = arith.constant 0.000000e+00 : f32
    %broadcast_in_dim3A_632 = vector.broadcast %broadcast_in_dim3A_631 : f32 to vector<16xf32>
    %swap3A_633 = arith.constant 9 : i32
    %swap3A_634 = arith.index_cast %swap3A_633 : i32 to index
    %swap3A_635 = arith.constant 112 : index
    %swap3A_636 = tpu.vector_load %arg9[%swap3A_634, %swap3A_635] {strides = array<i32>} : memref<16x128xf32, #tpu.memory_space<vmem>>, vector<1x16xf32>,
    %swap3A_637 = vector.shape_cast %swap3A_636 : vector<1x16xf32> to vector<16xf32>
    %swap3A_638 = vector.shape_cast %broadcast_in_dim3A_632 : vector<16xf32> to vector<1x16xf32>
    tpu.vector_store %arg9[%swap3A_634, %swap3A_635], %swap3A_638 {strides = array<i32>} : memref<16x128xf32, #tpu.memory_space<vmem>>, vector<1x16xf32>,
    %broadcast_in_dim3A_639 = arith.constant 0.000000e+00 : f32
    %broadcast_in_dim3A_640 = vector.broadcast %broadcast_in_dim3A_639 : f32 to vector<16xf32>
    %swap3A_641 = arith.constant 10 : i32
    %swap3A_642 = arith.index_cast %swap3A_641 : i32 to index
    %swap3A_643 = arith.constant 0 : index
    %swap3A_644 = tpu.vector_load %arg9[%swap3A_642, %swap3A_643] {strides = array<i32>} : memref<16x128xf32, #tpu.memory_space<vmem>>, vector<1x16xf32>,
    %swap3A_645 = vector.shape_cast %swap3A_644 : vector<1x16xf32> to vector<16xf32>
    %swap3A_646 = vector.shape_cast %broadcast_in_dim3A_640 : vector<16xf32> to vector<1x16xf32>
    tpu.vector_store %arg9[%swap3A_642, %swap3A_643], %swap3A_646 {strides = array<i32>} : memref<16x128xf32, #tpu.memory_space<vmem>>, vector<1x16xf32>,
    %broadcast_in_dim3A_647 = arith.constant 0.000000e+00 : f32
    %broadcast_in_dim3A_648 = vector.broadcast %broadcast_in_dim3A_647 : f32 to vector<16xf32>
    %swap3A_649 = arith.constant 10 : i32
    %swap3A_650 = arith.index_cast %swap3A_649 : i32 to index
    %swap3A_651 = arith.constant 16 : index
    %swap3A_652 = tpu.vector_load %arg9[%swap3A_650, %swap3A_651] {strides = array<i32>} : memref<16x128xf32, #tpu.memory_space<vmem>>, vector<1x16xf32>,
    %swap3A_653 = vector.shape_cast %swap3A_652 : vector<1x16xf32> to vector<16xf32>
    %swap3A_654 = vector.shape_cast %broadcast_in_dim3A_648 : vector<16xf32> to vector<1x16xf32>
    tpu.vector_store %arg9[%swap3A_650, %swap3A_651], %swap3A_654 {strides = array<i32>} : memref<16x128xf32, #tpu.memory_space<vmem>>, vector<1x16xf32>,
    %broadcast_in_dim3A_655 = arith.constant 0.000000e+00 : f32
    %broadcast_in_dim3A_656 = vector.broadcast %broadcast_in_dim3A_655 : f32 to vector<16xf32>
    %swap3A_657 = arith.constant 10 : i32
    %swap3A_658 = arith.index_cast %swap3A_657 : i32 to index
    %swap3A_659 = arith.constant 32 : index
    %swap3A_660 = tpu.vector_load %arg9[%swap3A_658, %swap3A_659] {strides = array<i32>} : memref<16x128xf32, #tpu.memory_space<vmem>>, vector<1x16xf32>,
    %swap3A_661 = vector.shape_cast %swap3A_660 : vector<1x16xf32> to vector<16xf32>
    %swap3A_662 = vector.shape_cast %broadcast_in_dim3A_656 : vector<16xf32> to vector<1x16xf32>
    tpu.vector_store %arg9[%swap3A_658, %swap3A_659], %swap3A_662 {strides = array<i32>} : memref<16x128xf32, #tpu.memory_space<vmem>>, vector<1x16xf32>,
    %broadcast_in_dim3A_663 = arith.constant 0.000000e+00 : f32
    %broadcast_in_dim3A_664 = vector.broadcast %broadcast_in_dim3A_663 : f32 to vector<16xf32>
    %swap3A_665 = arith.constant 10 : i32
    %swap3A_666 = arith.index_cast %swap3A_665 : i32 to index
    %swap3A_667 = arith.constant 48 : index
    %swap3A_668 = tpu.vector_load %arg9[%swap3A_666, %swap3A_667] {strides = array<i32>} : memref<16x128xf32, #tpu.memory_space<vmem>>, vector<1x16xf32>,
    %swap3A_669 = vector.shape_cast %swap3A_668 : vector<1x16xf32> to vector<16xf32>
    %swap3A_670 = vector.shape_cast %broadcast_in_dim3A_664 : vector<16xf32> to vector<1x16xf32>
    tpu.vector_store %arg9[%swap3A_666, %swap3A_667], %swap3A_670 {strides = array<i32>} : memref<16x128xf32, #tpu.memory_space<vmem>>, vector<1x16xf32>,
    %broadcast_in_dim3A_671 = arith.constant 0.000000e+00 : f32
    %broadcast_in_dim3A_672 = vector.broadcast %broadcast_in_dim3A_671 : f32 to vector<16xf32>
    %swap3A_673 = arith.constant 10 : i32
    %swap3A_674 = arith.index_cast %swap3A_673 : i32 to index
    %swap3A_675 = arith.constant 64 : index
    %swap3A_676 = tpu.vector_load %arg9[%swap3A_674, %swap3A_675] {strides = array<i32>} : memref<16x128xf32, #tpu.memory_space<vmem>>, vector<1x16xf32>,
    %swap3A_677 = vector.shape_cast %swap3A_676 : vector<1x16xf32> to vector<16xf32>
    %swap3A_678 = vector.shape_cast %broadcast_in_dim3A_672 : vector<16xf32> to vector<1x16xf32>
    tpu.vector_store %arg9[%swap3A_674, %swap3A_675], %swap3A_678 {strides = array<i32>} : memref<16x128xf32, #tpu.memory_space<vmem>>, vector<1x16xf32>,
    %broadcast_in_dim3A_679 = arith.constant 0.000000e+00 : f32
    %broadcast_in_dim3A_680 = vector.broadcast %broadcast_in_dim3A_679 : f32 to vector<16xf32>
    %swap3A_681 = arith.constant 10 : i32
    %swap3A_682 = arith.index_cast %swap3A_681 : i32 to index
    %swap3A_683 = arith.constant 80 : index
    %swap3A_684 = tpu.vector_load %arg9[%swap3A_682, %swap3A_683] {strides = array<i32>} : memref<16x128xf32, #tpu.memory_space<vmem>>, vector<1x16xf32>,
    %swap3A_685 = vector.shape_cast %swap3A_684 : vector<1x16xf32> to vector<16xf32>
    %swap3A_686 = vector.shape_cast %broadcast_in_dim3A_680 : vector<16xf32> to vector<1x16xf32>
    tpu.vector_store %arg9[%swap3A_682, %swap3A_683], %swap3A_686 {strides = array<i32>} : memref<16x128xf32, #tpu.memory_space<vmem>>, vector<1x16xf32>,
    %broadcast_in_dim3A_687 = arith.constant 0.000000e+00 : f32
    %broadcast_in_dim3A_688 = vector.broadcast %broadcast_in_dim3A_687 : f32 to vector<16xf32>
    %swap3A_689 = arith.constant 10 : i32
    %swap3A_690 = arith.index_cast %swap3A_689 : i32 to index
    %swap3A_691 = arith.constant 96 : index
    %swap3A_692 = tpu.vector_load %arg9[%swap3A_690, %swap3A_691] {strides = array<i32>} : memref<16x128xf32, #tpu.memory_space<vmem>>, vector<1x16xf32>,
    %swap3A_693 = vector.shape_cast %swap3A_692 : vector<1x16xf32> to vector<16xf32>
    %swap3A_694 = vector.shape_cast %broadcast_in_dim3A_688 : vector<16xf32> to vector<1x16xf32>
    tpu.vector_store %arg9[%swap3A_690, %swap3A_691], %swap3A_694 {strides = array<i32>} : memref<16x128xf32, #tpu.memory_space<vmem>>, vector<1x16xf32>,
    %broadcast_in_dim3A_695 = arith.constant 0.000000e+00 : f32
    %broadcast_in_dim3A_696 = vector.broadcast %broadcast_in_dim3A_695 : f32 to vector<16xf32>
    %swap3A_697 = arith.constant 10 : i32
    %swap3A_698 = arith.index_cast %swap3A_697 : i32 to index
    %swap3A_699 = arith.constant 112 : index
    %swap3A_700 = tpu.vector_load %arg9[%swap3A_698, %swap3A_699] {strides = array<i32>} : memref<16x128xf32, #tpu.memory_space<vmem>>, vector<1x16xf32>,
    %swap3A_701 = vector.shape_cast %swap3A_700 : vector<1x16xf32> to vector<16xf32>
    %swap3A_702 = vector.shape_cast %broadcast_in_dim3A_696 : vector<16xf32> to vector<1x16xf32>
    tpu.vector_store %arg9[%swap3A_698, %swap3A_699], %swap3A_702 {strides = array<i32>} : memref<16x128xf32, #tpu.memory_space<vmem>>, vector<1x16xf32>,
    %broadcast_in_dim3A_703 = arith.constant 0.000000e+00 : f32
    %broadcast_in_dim3A_704 = vector.broadcast %broadcast_in_dim3A_703 : f32 to vector<16xf32>
    %swap3A_705 = arith.constant 11 : i32
    %swap3A_706 = arith.index_cast %swap3A_705 : i32 to index
    %swap3A_707 = arith.constant 0 : index
    %swap3A_708 = tpu.vector_load %arg9[%swap3A_706, %swap3A_707] {strides = array<i32>} : memref<16x128xf32, #tpu.memory_space<vmem>>, vector<1x16xf32>,
    %swap3A_709 = vector.shape_cast %swap3A_708 : vector<1x16xf32> to vector<16xf32>
    %swap3A_710 = vector.shape_cast %broadcast_in_dim3A_704 : vector<16xf32> to vector<1x16xf32>
    tpu.vector_store %arg9[%swap3A_706, %swap3A_707], %swap3A_710 {strides = array<i32>} : memref<16x128xf32, #tpu.memory_space<vmem>>, vector<1x16xf32>,
    %broadcast_in_dim3A_711 = arith.constant 0.000000e+00 : f32
    %broadcast_in_dim3A_712 = vector.broadcast %broadcast_in_dim3A_711 : f32 to vector<16xf32>
    %swap3A_713 = arith.constant 11 : i32
    %swap3A_714 = arith.index_cast %swap3A_713 : i32 to index
    %swap3A_715 = arith.constant 16 : index
    %swap3A_716 = tpu.vector_load %arg9[%swap3A_714, %swap3A_715] {strides = array<i32>} : memref<16x128xf32, #tpu.memory_space<vmem>>, vector<1x16xf32>,
    %swap3A_717 = vector.shape_cast %swap3A_716 : vector<1x16xf32> to vector<16xf32>
    %swap3A_718 = vector.shape_cast %broadcast_in_dim3A_712 : vector<16xf32> to vector<1x16xf32>
    tpu.vector_store %arg9[%swap3A_714, %swap3A_715], %swap3A_718 {strides = array<i32>} : memref<16x128xf32, #tpu.memory_space<vmem>>, vector<1x16xf32>,
    %broadcast_in_dim3A_719 = arith.constant 0.000000e+00 : f32
    %broadcast_in_dim3A_720 = vector.broadcast %broadcast_in_dim3A_719 : f32 to vector<16xf32>
    %swap3A_721 = arith.constant 11 : i32
    %swap3A_722 = arith.index_cast %swap3A_721 : i32 to index
    %swap3A_723 = arith.constant 32 : index
    %swap3A_724 = tpu.vector_load %arg9[%swap3A_722, %swap3A_723] {strides = array<i32>} : memref<16x128xf32, #tpu.memory_space<vmem>>, vector<1x16xf32>,
    %swap3A_725 = vector.shape_cast %swap3A_724 : vector<1x16xf32> to vector<16xf32>
    %swap3A_726 = vector.shape_cast %broadcast_in_dim3A_720 : vector<16xf32> to vector<1x16xf32>
    tpu.vector_store %arg9[%swap3A_722, %swap3A_723], %swap3A_726 {strides = array<i32>} : memref<16x128xf32, #tpu.memory_space<vmem>>, vector<1x16xf32>,
    %broadcast_in_dim3A_727 = arith.constant 0.000000e+00 : f32
    %broadcast_in_dim3A_728 = vector.broadcast %broadcast_in_dim3A_727 : f32 to vector<16xf32>
    %swap3A_729 = arith.constant 11 : i32
    %swap3A_730 = arith.index_cast %swap3A_729 : i32 to index
    %swap3A_731 = arith.constant 48 : index
    %swap3A_732 = tpu.vector_load %arg9[%swap3A_730, %swap3A_731] {strides = array<i32>} : memref<16x128xf32, #tpu.memory_space<vmem>>, vector<1x16xf32>,
    %swap3A_733 = vector.shape_cast %swap3A_732 : vector<1x16xf32> to vector<16xf32>
    %swap3A_734 = vector.shape_cast %broadcast_in_dim3A_728 : vector<16xf32> to vector<1x16xf32>
    tpu.vector_store %arg9[%swap3A_730, %swap3A_731], %swap3A_734 {strides = array<i32>} : memref<16x128xf32, #tpu.memory_space<vmem>>, vector<1x16xf32>,
    %broadcast_in_dim3A_735 = arith.constant 0.000000e+00 : f32
    %broadcast_in_dim3A_736 = vector.broadcast %broadcast_in_dim3A_735 : f32 to vector<16xf32>
    %swap3A_737 = arith.constant 11 : i32
    %swap3A_738 = arith.index_cast %swap3A_737 : i32 to index
    %swap3A_739 = arith.constant 64 : index
    %swap3A_740 = tpu.vector_load %arg9[%swap3A_738, %swap3A_739] {strides = array<i32>} : memref<16x128xf32, #tpu.memory_space<vmem>>, vector<1x16xf32>,
    %swap3A_741 = vector.shape_cast %swap3A_740 : vector<1x16xf32> to vector<16xf32>
    %swap3A_742 = vector.shape_cast %broadcast_in_dim3A_736 : vector<16xf32> to vector<1x16xf32>
    tpu.vector_store %arg9[%swap3A_738, %swap3A_739], %swap3A_742 {strides = array<i32>} : memref<16x128xf32, #tpu.memory_space<vmem>>, vector<1x16xf32>,
    %broadcast_in_dim3A_743 = arith.constant 0.000000e+00 : f32
    %broadcast_in_dim3A_744 = vector.broadcast %broadcast_in_dim3A_743 : f32 to vector<16xf32>
    %swap3A_745 = arith.constant 11 : i32
    %swap3A_746 = arith.index_cast %swap3A_745 : i32 to index
    %swap3A_747 = arith.constant 80 : index
    %swap3A_748 = tpu.vector_load %arg9[%swap3A_746, %swap3A_747] {strides = array<i32>} : memref<16x128xf32, #tpu.memory_space<vmem>>, vector<1x16xf32>,
    %swap3A_749 = vector.shape_cast %swap3A_748 : vector<1x16xf32> to vector<16xf32>
    %swap3A_750 = vector.shape_cast %broadcast_in_dim3A_744 : vector<16xf32> to vector<1x16xf32>
    tpu.vector_store %arg9[%swap3A_746, %swap3A_747], %swap3A_750 {strides = array<i32>} : memref<16x128xf32, #tpu.memory_space<vmem>>, vector<1x16xf32>,
    %broadcast_in_dim3A_751 = arith.constant 0.000000e+00 : f32
    %broadcast_in_dim3A_752 = vector.broadcast %broadcast_in_dim3A_751 : f32 to vector<16xf32>
    %swap3A_753 = arith.constant 11 : i32
    %swap3A_754 = arith.index_cast %swap3A_753 : i32 to index
    %swap3A_755 = arith.constant 96 : index
    %swap3A_756 = tpu.vector_load %arg9[%swap3A_754, %swap3A_755] {strides = array<i32>} : memref<16x128xf32, #tpu.memory_space<vmem>>, vector<1x16xf32>,
    %swap3A_757 = vector.shape_cast %swap3A_756 : vector<1x16xf32> to vector<16xf32>
    %swap3A_758 = vector.shape_cast %broadcast_in_dim3A_752 : vector<16xf32> to vector<1x16xf32>
    tpu.vector_store %arg9[%swap3A_754, %swap3A_755], %swap3A_758 {strides = array<i32>} : memref<16x128xf32, #tpu.memory_space<vmem>>, vector<1x16xf32>,
    %broadcast_in_dim3A_759 = arith.constant 0.000000e+00 : f32
    %broadcast_in_dim3A_760 = vector.broadcast %broadcast_in_dim3A_759 : f32 to vector<16xf32>
    %swap3A_761 = arith.constant 11 : i32
    %swap3A_762 = arith.index_cast %swap3A_761 : i32 to index
    %swap3A_763 = arith.constant 112 : index
    %swap3A_764 = tpu.vector_load %arg9[%swap3A_762, %swap3A_763] {strides = array<i32>} : memref<16x128xf32, #tpu.memory_space<vmem>>, vector<1x16xf32>,
    %swap3A_765 = vector.shape_cast %swap3A_764 : vector<1x16xf32> to vector<16xf32>
    %swap3A_766 = vector.shape_cast %broadcast_in_dim3A_760 : vector<16xf32> to vector<1x16xf32>
    tpu.vector_store %arg9[%swap3A_762, %swap3A_763], %swap3A_766 {strides = array<i32>} : memref<16x128xf32, #tpu.memory_space<vmem>>, vector<1x16xf32>,
    %broadcast_in_dim3A_767 = arith.constant 0.000000e+00 : f32
    %broadcast_in_dim3A_768 = vector.broadcast %broadcast_in_dim3A_767 : f32 to vector<16xf32>
    %swap3A_769 = arith.constant 12 : i32
    %swap3A_770 = arith.index_cast %swap3A_769 : i32 to index
    %swap3A_771 = arith.constant 0 : index
    %swap3A_772 = tpu.vector_load %arg9[%swap3A_770, %swap3A_771] {strides = array<i32>} : memref<16x128xf32, #tpu.memory_space<vmem>>, vector<1x16xf32>,
    %swap3A_773 = vector.shape_cast %swap3A_772 : vector<1x16xf32> to vector<16xf32>
    %swap3A_774 = vector.shape_cast %broadcast_in_dim3A_768 : vector<16xf32> to vector<1x16xf32>
    tpu.vector_store %arg9[%swap3A_770, %swap3A_771], %swap3A_774 {strides = array<i32>} : memref<16x128xf32, #tpu.memory_space<vmem>>, vector<1x16xf32>,
    %broadcast_in_dim3A_775 = arith.constant 0.000000e+00 : f32
    %broadcast_in_dim3A_776 = vector.broadcast %broadcast_in_dim3A_775 : f32 to vector<16xf32>
    %swap3A_777 = arith.constant 12 : i32
    %swap3A_778 = arith.index_cast %swap3A_777 : i32 to index
    %swap3A_779 = arith.constant 16 : index
    %swap3A_780 = tpu.vector_load %arg9[%swap3A_778, %swap3A_779] {strides = array<i32>} : memref<16x128xf32, #tpu.memory_space<vmem>>, vector<1x16xf32>,
    %swap3A_781 = vector.shape_cast %swap3A_780 : vector<1x16xf32> to vector<16xf32>
    %swap3A_782 = vector.shape_cast %broadcast_in_dim3A_776 : vector<16xf32> to vector<1x16xf32>
    tpu.vector_store %arg9[%swap3A_778, %swap3A_779], %swap3A_782 {strides = array<i32>} : memref<16x128xf32, #tpu.memory_space<vmem>>, vector<1x16xf32>,
    %broadcast_in_dim3A_783 = arith.constant 0.000000e+00 : f32
    %broadcast_in_dim3A_784 = vector.broadcast %broadcast_in_dim3A_783 : f32 to vector<16xf32>
    %swap3A_785 = arith.constant 12 : i32
    %swap3A_786 = arith.index_cast %swap3A_785 : i32 to index
    %swap3A_787 = arith.constant 32 : index
    %swap3A_788 = tpu.vector_load %arg9[%swap3A_786, %swap3A_787] {strides = array<i32>} : memref<16x128xf32, #tpu.memory_space<vmem>>, vector<1x16xf32>,
    %swap3A_789 = vector.shape_cast %swap3A_788 : vector<1x16xf32> to vector<16xf32>
    %swap3A_790 = vector.shape_cast %broadcast_in_dim3A_784 : vector<16xf32> to vector<1x16xf32>
    tpu.vector_store %arg9[%swap3A_786, %swap3A_787], %swap3A_790 {strides = array<i32>} : memref<16x128xf32, #tpu.memory_space<vmem>>, vector<1x16xf32>,
    %broadcast_in_dim3A_791 = arith.constant 0.000000e+00 : f32
    %broadcast_in_dim3A_792 = vector.broadcast %broadcast_in_dim3A_791 : f32 to vector<16xf32>
    %swap3A_793 = arith.constant 12 : i32
    %swap3A_794 = arith.index_cast %swap3A_793 : i32 to index
    %swap3A_795 = arith.constant 48 : index
    %swap3A_796 = tpu.vector_load %arg9[%swap3A_794, %swap3A_795] {strides = array<i32>} : memref<16x128xf32, #tpu.memory_space<vmem>>, vector<1x16xf32>,
    %swap3A_797 = vector.shape_cast %swap3A_796 : vector<1x16xf32> to vector<16xf32>
    %swap3A_798 = vector.shape_cast %broadcast_in_dim3A_792 : vector<16xf32> to vector<1x16xf32>
    tpu.vector_store %arg9[%swap3A_794, %swap3A_795], %swap3A_798 {strides = array<i32>} : memref<16x128xf32, #tpu.memory_space<vmem>>, vector<1x16xf32>,
    %broadcast_in_dim3A_799 = arith.constant 0.000000e+00 : f32
    %broadcast_in_dim3A_800 = vector.broadcast %broadcast_in_dim3A_799 : f32 to vector<16xf32>
    %swap3A_801 = arith.constant 12 : i32
    %swap3A_802 = arith.index_cast %swap3A_801 : i32 to index
    %swap3A_803 = arith.constant 64 : index
    %swap3A_804 = tpu.vector_load %arg9[%swap3A_802, %swap3A_803] {strides = array<i32>} : memref<16x128xf32, #tpu.memory_space<vmem>>, vector<1x16xf32>,
    %swap3A_805 = vector.shape_cast %swap3A_804 : vector<1x16xf32> to vector<16xf32>
    %swap3A_806 = vector.shape_cast %broadcast_in_dim3A_800 : vector<16xf32> to vector<1x16xf32>
    tpu.vector_store %arg9[%swap3A_802, %swap3A_803], %swap3A_806 {strides = array<i32>} : memref<16x128xf32, #tpu.memory_space<vmem>>, vector<1x16xf32>,
    %broadcast_in_dim3A_807 = arith.constant 0.000000e+00 : f32
    %broadcast_in_dim3A_808 = vector.broadcast %broadcast_in_dim3A_807 : f32 to vector<16xf32>
    %swap3A_809 = arith.constant 12 : i32
    %swap3A_810 = arith.index_cast %swap3A_809 : i32 to index
    %swap3A_811 = arith.constant 80 : index
    %swap3A_812 = tpu.vector_load %arg9[%swap3A_810, %swap3A_811] {strides = array<i32>} : memref<16x128xf32, #tpu.memory_space<vmem>>, vector<1x16xf32>,
    %swap3A_813 = vector.shape_cast %swap3A_812 : vector<1x16xf32> to vector<16xf32>
    %swap3A_814 = vector.shape_cast %broadcast_in_dim3A_808 : vector<16xf32> to vector<1x16xf32>
    tpu.vector_store %arg9[%swap3A_810, %swap3A_811], %swap3A_814 {strides = array<i32>} : memref<16x128xf32, #tpu.memory_space<vmem>>, vector<1x16xf32>,
    %broadcast_in_dim3A_815 = arith.constant 0.000000e+00 : f32
    %broadcast_in_dim3A_816 = vector.broadcast %broadcast_in_dim3A_815 : f32 to vector<16xf32>
    %swap3A_817 = arith.constant 12 : i32
    %swap3A_818 = arith.index_cast %swap3A_817 : i32 to index
    %swap3A_819 = arith.constant 96 : index
    %swap3A_820 = tpu.vector_load %arg9[%swap3A_818, %swap3A_819] {strides = array<i32>} : memref<16x128xf32, #tpu.memory_space<vmem>>, vector<1x16xf32>,
    %swap3A_821 = vector.shape_cast %swap3A_820 : vector<1x16xf32> to vector<16xf32>
    %swap3A_822 = vector.shape_cast %broadcast_in_dim3A_816 : vector<16xf32> to vector<1x16xf32>
    tpu.vector_store %arg9[%swap3A_818, %swap3A_819], %swap3A_822 {strides = array<i32>} : memref<16x128xf32, #tpu.memory_space<vmem>>, vector<1x16xf32>,
    %broadcast_in_dim3A_823 = arith.constant 0.000000e+00 : f32
    %broadcast_in_dim3A_824 = vector.broadcast %broadcast_in_dim3A_823 : f32 to vector<16xf32>
    %swap3A_825 = arith.constant 12 : i32
    %swap3A_826 = arith.index_cast %swap3A_825 : i32 to index
    %swap3A_827 = arith.constant 112 : index
    %swap3A_828 = tpu.vector_load %arg9[%swap3A_826, %swap3A_827] {strides = array<i32>} : memref<16x128xf32, #tpu.memory_space<vmem>>, vector<1x16xf32>,
    %swap3A_829 = vector.shape_cast %swap3A_828 : vector<1x16xf32> to vector<16xf32>
    %swap3A_830 = vector.shape_cast %broadcast_in_dim3A_824 : vector<16xf32> to vector<1x16xf32>
    tpu.vector_store %arg9[%swap3A_826, %swap3A_827], %swap3A_830 {strides = array<i32>} : memref<16x128xf32, #tpu.memory_space<vmem>>, vector<1x16xf32>,
    %broadcast_in_dim3A_831 = arith.constant 0.000000e+00 : f32
    %broadcast_in_dim3A_832 = vector.broadcast %broadcast_in_dim3A_831 : f32 to vector<16xf32>
    %swap3A_833 = arith.constant 13 : i32
    %swap3A_834 = arith.index_cast %swap3A_833 : i32 to index
    %swap3A_835 = arith.constant 0 : index
    %swap3A_836 = tpu.vector_load %arg9[%swap3A_834, %swap3A_835] {strides = array<i32>} : memref<16x128xf32, #tpu.memory_space<vmem>>, vector<1x16xf32>,
    %swap3A_837 = vector.shape_cast %swap3A_836 : vector<1x16xf32> to vector<16xf32>
    %swap3A_838 = vector.shape_cast %broadcast_in_dim3A_832 : vector<16xf32> to vector<1x16xf32>
    tpu.vector_store %arg9[%swap3A_834, %swap3A_835], %swap3A_838 {strides = array<i32>} : memref<16x128xf32, #tpu.memory_space<vmem>>, vector<1x16xf32>,
    %broadcast_in_dim3A_839 = arith.constant 0.000000e+00 : f32
    %broadcast_in_dim3A_840 = vector.broadcast %broadcast_in_dim3A_839 : f32 to vector<16xf32>
    %swap3A_841 = arith.constant 13 : i32
    %swap3A_842 = arith.index_cast %swap3A_841 : i32 to index
    %swap3A_843 = arith.constant 16 : index
    %swap3A_844 = tpu.vector_load %arg9[%swap3A_842, %swap3A_843] {strides = array<i32>} : memref<16x128xf32, #tpu.memory_space<vmem>>, vector<1x16xf32>,
    %swap3A_845 = vector.shape_cast %swap3A_844 : vector<1x16xf32> to vector<16xf32>
    %swap3A_846 = vector.shape_cast %broadcast_in_dim3A_840 : vector<16xf32> to vector<1x16xf32>
    tpu.vector_store %arg9[%swap3A_842, %swap3A_843], %swap3A_846 {strides = array<i32>} : memref<16x128xf32, #tpu.memory_space<vmem>>, vector<1x16xf32>,
    %broadcast_in_dim3A_847 = arith.constant 0.000000e+00 : f32
    %broadcast_in_dim3A_848 = vector.broadcast %broadcast_in_dim3A_847 : f32 to vector<16xf32>
    %swap3A_849 = arith.constant 13 : i32
    %swap3A_850 = arith.index_cast %swap3A_849 : i32 to index
    %swap3A_851 = arith.constant 32 : index
    %swap3A_852 = tpu.vector_load %arg9[%swap3A_850, %swap3A_851] {strides = array<i32>} : memref<16x128xf32, #tpu.memory_space<vmem>>, vector<1x16xf32>,
    %swap3A_853 = vector.shape_cast %swap3A_852 : vector<1x16xf32> to vector<16xf32>
    %swap3A_854 = vector.shape_cast %broadcast_in_dim3A_848 : vector<16xf32> to vector<1x16xf32>
    tpu.vector_store %arg9[%swap3A_850, %swap3A_851], %swap3A_854 {strides = array<i32>} : memref<16x128xf32, #tpu.memory_space<vmem>>, vector<1x16xf32>,
    %broadcast_in_dim3A_855 = arith.constant 0.000000e+00 : f32
    %broadcast_in_dim3A_856 = vector.broadcast %broadcast_in_dim3A_855 : f32 to vector<16xf32>
    %swap3A_857 = arith.constant 13 : i32
    %swap3A_858 = arith.index_cast %swap3A_857 : i32 to index
    %swap3A_859 = arith.constant 48 : index
    %swap3A_860 = tpu.vector_load %arg9[%swap3A_858, %swap3A_859] {strides = array<i32>} : memref<16x128xf32, #tpu.memory_space<vmem>>, vector<1x16xf32>,
    %swap3A_861 = vector.shape_cast %swap3A_860 : vector<1x16xf32> to vector<16xf32>
    %swap3A_862 = vector.shape_cast %broadcast_in_dim3A_856 : vector<16xf32> to vector<1x16xf32>
    tpu.vector_store %arg9[%swap3A_858, %swap3A_859], %swap3A_862 {strides = array<i32>} : memref<16x128xf32, #tpu.memory_space<vmem>>, vector<1x16xf32>,
    %broadcast_in_dim3A_863 = arith.constant 0.000000e+00 : f32
    %broadcast_in_dim3A_864 = vector.broadcast %broadcast_in_dim3A_863 : f32 to vector<16xf32>
    %swap3A_865 = arith.constant 13 : i32
    %swap3A_866 = arith.index_cast %swap3A_865 : i32 to index
    %swap3A_867 = arith.constant 64 : index
    %swap3A_868 = tpu.vector_load %arg9[%swap3A_866, %swap3A_867] {strides = array<i32>} : memref<16x128xf32, #tpu.memory_space<vmem>>, vector<1x16xf32>,
    %swap3A_869 = vector.shape_cast %swap3A_868 : vector<1x16xf32> to vector<16xf32>
    %swap3A_870 = vector.shape_cast %broadcast_in_dim3A_864 : vector<16xf32> to vector<1x16xf32>
    tpu.vector_store %arg9[%swap3A_866, %swap3A_867], %swap3A_870 {strides = array<i32>} : memref<16x128xf32, #tpu.memory_space<vmem>>, vector<1x16xf32>,
    %broadcast_in_dim3A_871 = arith.constant 0.000000e+00 : f32
    %broadcast_in_dim3A_872 = vector.broadcast %broadcast_in_dim3A_871 : f32 to vector<16xf32>
    %swap3A_873 = arith.constant 13 : i32
    %swap3A_874 = arith.index_cast %swap3A_873 : i32 to index
    %swap3A_875 = arith.constant 80 : index
    %swap3A_876 = tpu.vector_load %arg9[%swap3A_874, %swap3A_875] {strides = array<i32>} : memref<16x128xf32, #tpu.memory_space<vmem>>, vector<1x16xf32>,
    %swap3A_877 = vector.shape_cast %swap3A_876 : vector<1x16xf32> to vector<16xf32>
    %swap3A_878 = vector.shape_cast %broadcast_in_dim3A_872 : vector<16xf32> to vector<1x16xf32>
    tpu.vector_store %arg9[%swap3A_874, %swap3A_875], %swap3A_878 {strides = array<i32>} : memref<16x128xf32, #tpu.memory_space<vmem>>, vector<1x16xf32>,
    %broadcast_in_dim3A_879 = arith.constant 0.000000e+00 : f32
    %broadcast_in_dim3A_880 = vector.broadcast %broadcast_in_dim3A_879 : f32 to vector<16xf32>
    %swap3A_881 = arith.constant 13 : i32
    %swap3A_882 = arith.index_cast %swap3A_881 : i32 to index
    %swap3A_883 = arith.constant 96 : index
    %swap3A_884 = tpu.vector_load %arg9[%swap3A_882, %swap3A_883] {strides = array<i32>} : memref<16x128xf32, #tpu.memory_space<vmem>>, vector<1x16xf32>,
    %swap3A_885 = vector.shape_cast %swap3A_884 : vector<1x16xf32> to vector<16xf32>
    %swap3A_886 = vector.shape_cast %broadcast_in_dim3A_880 : vector<16xf32> to vector<1x16xf32>
    tpu.vector_store %arg9[%swap3A_882, %swap3A_883], %swap3A_886 {strides = array<i32>} : memref<16x128xf32, #tpu.memory_space<vmem>>, vector<1x16xf32>,
    %broadcast_in_dim3A_887 = arith.constant 0.000000e+00 : f32
    %broadcast_in_dim3A_888 = vector.broadcast %broadcast_in_dim3A_887 : f32 to vector<16xf32>
    %swap3A_889 = arith.constant 13 : i32
    %swap3A_890 = arith.index_cast %swap3A_889 : i32 to index
    %swap3A_891 = arith.constant 112 : index
    %swap3A_892 = tpu.vector_load %arg9[%swap3A_890, %swap3A_891] {strides = array<i32>} : memref<16x128xf32, #tpu.memory_space<vmem>>, vector<1x16xf32>,
    %swap3A_893 = vector.shape_cast %swap3A_892 : vector<1x16xf32> to vector<16xf32>
    %swap3A_894 = vector.shape_cast %broadcast_in_dim3A_888 : vector<16xf32> to vector<1x16xf32>
    tpu.vector_store %arg9[%swap3A_890, %swap3A_891], %swap3A_894 {strides = array<i32>} : memref<16x128xf32, #tpu.memory_space<vmem>>, vector<1x16xf32>,
    %broadcast_in_dim3A_895 = arith.constant 0.000000e+00 : f32
    %broadcast_in_dim3A_896 = vector.broadcast %broadcast_in_dim3A_895 : f32 to vector<16xf32>
    %swap3A_897 = arith.constant 14 : i32
    %swap3A_898 = arith.index_cast %swap3A_897 : i32 to index
    %swap3A_899 = arith.constant 0 : index
    %swap3A_900 = tpu.vector_load %arg9[%swap3A_898, %swap3A_899] {strides = array<i32>} : memref<16x128xf32, #tpu.memory_space<vmem>>, vector<1x16xf32>,
    %swap3A_901 = vector.shape_cast %swap3A_900 : vector<1x16xf32> to vector<16xf32>
    %swap3A_902 = vector.shape_cast %broadcast_in_dim3A_896 : vector<16xf32> to vector<1x16xf32>
    tpu.vector_store %arg9[%swap3A_898, %swap3A_899], %swap3A_902 {strides = array<i32>} : memref<16x128xf32, #tpu.memory_space<vmem>>, vector<1x16xf32>,
    %broadcast_in_dim3A_903 = arith.constant 0.000000e+00 : f32
    %broadcast_in_dim3A_904 = vector.broadcast %broadcast_in_dim3A_903 : f32 to vector<16xf32>
    %swap3A_905 = arith.constant 14 : i32
    %swap3A_906 = arith.index_cast %swap3A_905 : i32 to index
    %swap3A_907 = arith.constant 16 : index
    %swap3A_908 = tpu.vector_load %arg9[%swap3A_906, %swap3A_907] {strides = array<i32>} : memref<16x128xf32, #tpu.memory_space<vmem>>, vector<1x16xf32>,
    %swap3A_909 = vector.shape_cast %swap3A_908 : vector<1x16xf32> to vector<16xf32>
    %swap3A_910 = vector.shape_cast %broadcast_in_dim3A_904 : vector<16xf32> to vector<1x16xf32>
    tpu.vector_store %arg9[%swap3A_906, %swap3A_907], %swap3A_910 {strides = array<i32>} : memref<16x128xf32, #tpu.memory_space<vmem>>, vector<1x16xf32>,
    %broadcast_in_dim3A_911 = arith.constant 0.000000e+00 : f32
    %broadcast_in_dim3A_912 = vector.broadcast %broadcast_in_dim3A_911 : f32 to vector<16xf32>
    %swap3A_913 = arith.constant 14 : i32
    %swap3A_914 = arith.index_cast %swap3A_913 : i32 to index
    %swap3A_915 = arith.constant 32 : index
    %swap3A_916 = tpu.vector_load %arg9[%swap3A_914, %swap3A_915] {strides = array<i32>} : memref<16x128xf32, #tpu.memory_space<vmem>>, vector<1x16xf32>,
    %swap3A_917 = vector.shape_cast %swap3A_916 : vector<1x16xf32> to vector<16xf32>
    %swap3A_918 = vector.shape_cast %broadcast_in_dim3A_912 : vector<16xf32> to vector<1x16xf32>
    tpu.vector_store %arg9[%swap3A_914, %swap3A_915], %swap3A_918 {strides = array<i32>} : memref<16x128xf32, #tpu.memory_space<vmem>>, vector<1x16xf32>,
    %broadcast_in_dim3A_919 = arith.constant 0.000000e+00 : f32
    %broadcast_in_dim3A_920 = vector.broadcast %broadcast_in_dim3A_919 : f32 to vector<16xf32>
    %swap3A_921 = arith.constant 14 : i32
    %swap3A_922 = arith.index_cast %swap3A_921 : i32 to index
    %swap3A_923 = arith.constant 48 : index
    %swap3A_924 = tpu.vector_load %arg9[%swap3A_922, %swap3A_923] {strides = array<i32>} : memref<16x128xf32, #tpu.memory_space<vmem>>, vector<1x16xf32>,
    %swap3A_925 = vector.shape_cast %swap3A_924 : vector<1x16xf32> to vector<16xf32>
    %swap3A_926 = vector.shape_cast %broadcast_in_dim3A_920 : vector<16xf32> to vector<1x16xf32>
    tpu.vector_store %arg9[%swap3A_922, %swap3A_923], %swap3A_926 {strides = array<i32>} : memref<16x128xf32, #tpu.memory_space<vmem>>, vector<1x16xf32>,
    %broadcast_in_dim3A_927 = arith.constant 0.000000e+00 : f32
    %broadcast_in_dim3A_928 = vector.broadcast %broadcast_in_dim3A_927 : f32 to vector<16xf32>
    %swap3A_929 = arith.constant 14 : i32
    %swap3A_930 = arith.index_cast %swap3A_929 : i32 to index
    %swap3A_931 = arith.constant 64 : index
    %swap3A_932 = tpu.vector_load %arg9[%swap3A_930, %swap3A_931] {strides = array<i32>} : memref<16x128xf32, #tpu.memory_space<vmem>>, vector<1x16xf32>,
    %swap3A_933 = vector.shape_cast %swap3A_932 : vector<1x16xf32> to vector<16xf32>
    %swap3A_934 = vector.shape_cast %broadcast_in_dim3A_928 : vector<16xf32> to vector<1x16xf32>
    tpu.vector_store %arg9[%swap3A_930, %swap3A_931], %swap3A_934 {strides = array<i32>} : memref<16x128xf32, #tpu.memory_space<vmem>>, vector<1x16xf32>,
    %broadcast_in_dim3A_935 = arith.constant 0.000000e+00 : f32
    %broadcast_in_dim3A_936 = vector.broadcast %broadcast_in_dim3A_935 : f32 to vector<16xf32>
    %swap3A_937 = arith.constant 14 : i32
    %swap3A_938 = arith.index_cast %swap3A_937 : i32 to index
    %swap3A_939 = arith.constant 80 : index
    %swap3A_940 = tpu.vector_load %arg9[%swap3A_938, %swap3A_939] {strides = array<i32>} : memref<16x128xf32, #tpu.memory_space<vmem>>, vector<1x16xf32>,
    %swap3A_941 = vector.shape_cast %swap3A_940 : vector<1x16xf32> to vector<16xf32>
    %swap3A_942 = vector.shape_cast %broadcast_in_dim3A_936 : vector<16xf32> to vector<1x16xf32>
    tpu.vector_store %arg9[%swap3A_938, %swap3A_939], %swap3A_942 {strides = array<i32>} : memref<16x128xf32, #tpu.memory_space<vmem>>, vector<1x16xf32>,
    %broadcast_in_dim3A_943 = arith.constant 0.000000e+00 : f32
    %broadcast_in_dim3A_944 = vector.broadcast %broadcast_in_dim3A_943 : f32 to vector<16xf32>
    %swap3A_945 = arith.constant 14 : i32
    %swap3A_946 = arith.index_cast %swap3A_945 : i32 to index
    %swap3A_947 = arith.constant 96 : index
    %swap3A_948 = tpu.vector_load %arg9[%swap3A_946, %swap3A_947] {strides = array<i32>} : memref<16x128xf32, #tpu.memory_space<vmem>>, vector<1x16xf32>,
    %swap3A_949 = vector.shape_cast %swap3A_948 : vector<1x16xf32> to vector<16xf32>
    %swap3A_950 = vector.shape_cast %broadcast_in_dim3A_944 : vector<16xf32> to vector<1x16xf32>
    tpu.vector_store %arg9[%swap3A_946, %swap3A_947], %swap3A_950 {strides = array<i32>} : memref<16x128xf32, #tpu.memory_space<vmem>>, vector<1x16xf32>,
    %broadcast_in_dim3A_951 = arith.constant 0.000000e+00 : f32
    %broadcast_in_dim3A_952 = vector.broadcast %broadcast_in_dim3A_951 : f32 to vector<16xf32>
    %swap3A_953 = arith.constant 14 : i32
    %swap3A_954 = arith.index_cast %swap3A_953 : i32 to index
    %swap3A_955 = arith.constant 112 : index
    %swap3A_956 = tpu.vector_load %arg9[%swap3A_954, %swap3A_955] {strides = array<i32>} : memref<16x128xf32, #tpu.memory_space<vmem>>, vector<1x16xf32>,
    %swap3A_957 = vector.shape_cast %swap3A_956 : vector<1x16xf32> to vector<16xf32>
    %swap3A_958 = vector.shape_cast %broadcast_in_dim3A_952 : vector<16xf32> to vector<1x16xf32>
    tpu.vector_store %arg9[%swap3A_954, %swap3A_955], %swap3A_958 {strides = array<i32>} : memref<16x128xf32, #tpu.memory_space<vmem>>, vector<1x16xf32>,
    %broadcast_in_dim3A_959 = arith.constant 0.000000e+00 : f32
    %broadcast_in_dim3A_960 = vector.broadcast %broadcast_in_dim3A_959 : f32 to vector<16xf32>
    %swap3A_961 = arith.constant 15 : i32
    %swap3A_962 = arith.index_cast %swap3A_961 : i32 to index
    %swap3A_963 = arith.constant 0 : index
    %swap3A_964 = tpu.vector_load %arg9[%swap3A_962, %swap3A_963] {strides = array<i32>} : memref<16x128xf32, #tpu.memory_space<vmem>>, vector<1x16xf32>,
    %swap3A_965 = vector.shape_cast %swap3A_964 : vector<1x16xf32> to vector<16xf32>
    %swap3A_966 = vector.shape_cast %broadcast_in_dim3A_960 : vector<16xf32> to vector<1x16xf32>
    tpu.vector_store %arg9[%swap3A_962, %swap3A_963], %swap3A_966 {strides = array<i32>} : memref<16x128xf32, #tpu.memory_space<vmem>>, vector<1x16xf32>,
    %broadcast_in_dim3A_967 = arith.constant 0.000000e+00 : f32
    %broadcast_in_dim3A_968 = vector.broadcast %broadcast_in_dim3A_967 : f32 to vector<16xf32>
    %swap3A_969 = arith.constant 15 : i32
    %swap3A_970 = arith.index_cast %swap3A_969 : i32 to index
    %swap3A_971 = arith.constant 16 : index
    %swap3A_972 = tpu.vector_load %arg9[%swap3A_970, %swap3A_971] {strides = array<i32>} : memref<16x128xf32, #tpu.memory_space<vmem>>, vector<1x16xf32>,
    %swap3A_973 = vector.shape_cast %swap3A_972 : vector<1x16xf32> to vector<16xf32>
    %swap3A_974 = vector.shape_cast %broadcast_in_dim3A_968 : vector<16xf32> to vector<1x16xf32>
    tpu.vector_store %arg9[%swap3A_970, %swap3A_971], %swap3A_974 {strides = array<i32>} : memref<16x128xf32, #tpu.memory_space<vmem>>, vector<1x16xf32>,
    %broadcast_in_dim3A_975 = arith.constant 0.000000e+00 : f32
    %broadcast_in_dim3A_976 = vector.broadcast %broadcast_in_dim3A_975 : f32 to vector<16xf32>
    %swap3A_977 = arith.constant 15 : i32
    %swap3A_978 = arith.index_cast %swap3A_977 : i32 to index
    %swap3A_979 = arith.constant 32 : index
    %swap3A_980 = tpu.vector_load %arg9[%swap3A_978, %swap3A_979] {strides = array<i32>} : memref<16x128xf32, #tpu.memory_space<vmem>>, vector<1x16xf32>,
    %swap3A_981 = vector.shape_cast %swap3A_980 : vector<1x16xf32> to vector<16xf32>
    %swap3A_982 = vector.shape_cast %broadcast_in_dim3A_976 : vector<16xf32> to vector<1x16xf32>
    tpu.vector_store %arg9[%swap3A_978, %swap3A_979], %swap3A_982 {strides = array<i32>} : memref<16x128xf32, #tpu.memory_space<vmem>>, vector<1x16xf32>,
    %broadcast_in_dim3A_983 = arith.constant 0.000000e+00 : f32
    %broadcast_in_dim3A_984 = vector.broadcast %broadcast_in_dim3A_983 : f32 to vector<16xf32>
    %swap3A_985 = arith.constant 15 : i32
    %swap3A_986 = arith.index_cast %swap3A_985 : i32 to index
    %swap3A_987 = arith.constant 48 : index
    %swap3A_988 = tpu.vector_load %arg9[%swap3A_986, %swap3A_987] {strides = array<i32>} : memref<16x128xf32, #tpu.memory_space<vmem>>, vector<1x16xf32>,
    %swap3A_989 = vector.shape_cast %swap3A_988 : vector<1x16xf32> to vector<16xf32>
    %swap3A_990 = vector.shape_cast %broadcast_in_dim3A_984 : vector<16xf32> to vector<1x16xf32>
    tpu.vector_store %arg9[%swap3A_986, %swap3A_987], %swap3A_990 {strides = array<i32>} : memref<16x128xf32, #tpu.memory_space<vmem>>, vector<1x16xf32>,
    %broadcast_in_dim3A_991 = arith.constant 0.000000e+00 : f32
    %broadcast_in_dim3A_992 = vector.broadcast %broadcast_in_dim3A_991 : f32 to vector<16xf32>
    %swap3A_993 = arith.constant 15 : i32
    %swap3A_994 = arith.index_cast %swap3A_993 : i32 to index
    %swap3A_995 = arith.constant 64 : index
    %swap3A_996 = tpu.vector_load %arg9[%swap3A_994, %swap3A_995] {strides = array<i32>} : memref<16x128xf32, #tpu.memory_space<vmem>>, vector<1x16xf32>,
    %swap3A_997 = vector.shape_cast %swap3A_996 : vector<1x16xf32> to vector<16xf32>
    %swap3A_998 = vector.shape_cast %broadcast_in_dim3A_992 : vector<16xf32> to vector<1x16xf32>
    tpu.vector_store %arg9[%swap3A_994, %swap3A_995], %swap3A_998 {strides = array<i32>} : memref<16x128xf32, #tpu.memory_space<vmem>>, vector<1x16xf32>,
    %broadcast_in_dim3A_999 = arith.constant 0.000000e+00 : f32
    %broadcast_in_dim3A_1000 = vector.broadcast %broadcast_in_dim3A_999 : f32 to vector<16xf32>
    %swap3A_1001 = arith.constant 15 : i32
    %swap3A_1002 = arith.index_cast %swap3A_1001 : i32 to index
    %swap3A_1003 = arith.constant 80 : index
    %swap3A_1004 = tpu.vector_load %arg9[%swap3A_1002, %swap3A_1003] {strides = array<i32>} : memref<16x128xf32, #tpu.memory_space<vmem>>, vector<1x16xf32>,
    %swap3A_1005 = vector.shape_cast %swap3A_1004 : vector<1x16xf32> to vector<16xf32>
    %swap3A_1006 = vector.shape_cast %broadcast_in_dim3A_1000 : vector<16xf32> to vector<1x16xf32>
    tpu.vector_store %arg9[%swap3A_1002, %swap3A_1003], %swap3A_1006 {strides = array<i32>} : memref<16x128xf32, #tpu.memory_space<vmem>>, vector<1x16xf32>,
    %broadcast_in_dim3A_1007 = arith.constant 0.000000e+00 : f32
    %broadcast_in_dim3A_1008 = vector.broadcast %broadcast_in_dim3A_1007 : f32 to vector<16xf32>
    %swap3A_1009 = arith.constant 15 : i32
    %swap3A_1010 = arith.index_cast %swap3A_1009 : i32 to index
    %swap3A_1011 = arith.constant 96 : index
    %swap3A_1012 = tpu.vector_load %arg9[%swap3A_1010, %swap3A_1011] {strides = array<i32>} : memref<16x128xf32, #tpu.memory_space<vmem>>, vector<1x16xf32>,
    %swap3A_1013 = vector.shape_cast %swap3A_1012 : vector<1x16xf32> to vector<16xf32>
    %swap3A_1014 = vector.shape_cast %broadcast_in_dim3A_1008 : vector<16xf32> to vector<1x16xf32>
    tpu.vector_store %arg9[%swap3A_1010, %swap3A_1011], %swap3A_1014 {strides = array<i32>} : memref<16x128xf32, #tpu.memory_space<vmem>>, vector<1x16xf32>,
    %broadcast_in_dim3A_1015 = arith.constant 0.000000e+00 : f32
    %broadcast_in_dim3A_1016 = vector.broadcast %broadcast_in_dim3A_1015 : f32 to vector<16xf32>
    %swap3A_1017 = arith.constant 15 : i32
    %swap3A_1018 = arith.index_cast %swap3A_1017 : i32 to index
    %swap3A_1019 = arith.constant 112 : index
    %swap3A_1020 = tpu.vector_load %arg9[%swap3A_1018, %swap3A_1019] {strides = array<i32>} : memref<16x128xf32, #tpu.memory_space<vmem>>, vector<1x16xf32>,
    %swap3A_1021 = vector.shape_cast %swap3A_1020 : vector<1x16xf32> to vector<16xf32>
    %swap3A_1022 = vector.shape_cast %broadcast_in_dim3A_1016 : vector<16xf32> to vector<1x16xf32>
    tpu.vector_store %arg9[%swap3A_1018, %swap3A_1019], %swap3A_1022 {strides = array<i32>} : memref<16x128xf32, #tpu.memory_space<vmem>>, vector<1x16xf32>,
    %scan3A = arith.constant 0 : i32
    %scan3A_1023 = arith.constant 0 : i32
    %scan3A_1024 = arith.constant 40 : i32
    %scan3A_1025 = arith.addi %scan3A_1023, %scan3A_1024 : i32
    %scan3A_1026 = arith.constant 1 : i32
    %scan3A_1027 = scf.for %scan3A_1041 = %scan3A_1023 to %scan3A_1025 step %scan3A_1026 iter_args(%scan3A_1042 = %scan3A) -> (i32)  : i32 {
      %mul3A_1043 = arith.constant 640 : i32
      %mul3A_1044 = arith.muli %arg1, %mul3A_1043 : i32
      %mul3A_1045 = arith.constant 16 : i32
      %mul3A_1046 = arith.muli %scan3A_1041, %mul3A_1045 : i32
      %add3A_1047 = arith.addi %mul3A_1044, %mul3A_1046 : i32
      "tpu.region"() ({
        %run_scoped3A = tpu.sem_alloc : memref<!tpu.dma_semaphore, #tpu.memory_space<semaphore_mem>>
        %dma_start3A = arith.constant 0 : i32
        %dma_start3A_1049 = tpu.memref_slice %arg11[%add3A_1047, %dma_start3A] : memref<10240x128xf32, #tpu.memory_space<vmem_shared>> -> memref<16x128xf32, #tpu.memory_space<vmem_shared>>
        %dma_start3A_1050 = arith.constant 0 : i32
        %dma_start3A_1051 = tpu.memref_slice %arg11[%add3A_1047, %dma_start3A_1050] : memref<10240x128xf32, #tpu.memory_space<vmem_shared>> -> memref<16x128xf32, #tpu.memory_space<vmem_shared>>
        tpu.enqueue_dma source(%arg9 : memref<16x128xf32, #tpu.memory_space<vmem>>) target(%dma_start3A_1051 : memref<16x128xf32, #tpu.memory_space<vmem_shared>>) target_semaphore(%run_scoped3A : memref<!tpu.dma_semaphore, #tpu.memory_space<semaphore_mem>>)
        %dma_wait3A = arith.constant 0 : i32
        %dma_wait3A_1052 = tpu.memref_slice %arg11[%add3A_1047, %dma_wait3A] : memref<10240x128xf32, #tpu.memory_space<vmem_shared>> -> memref<16x128xf32, #tpu.memory_space<vmem_shared>>
        %dma_wait3A_1053 = arith.constant 0 : i32
        %dma_wait3A_1054 = tpu.memref_slice %arg11[%add3A_1047, %dma_wait3A_1053] : memref<10240x128xf32, #tpu.memory_space<vmem_shared>> -> memref<16x128xf32, #tpu.memory_space<vmem_shared>>
        tpu.wait_dma2 semaphore(%run_scoped3A : memref<!tpu.dma_semaphore, #tpu.memory_space<semaphore_mem>>) src(%arg9 : memref<16x128xf32, #tpu.memory_space<vmem>>) dst(%dma_wait3A_1054 : memref<16x128xf32, #tpu.memory_space<vmem_shared>>)
        tpu.yield
      }) : () -> ()
      %scan3A_1048 = arith.constant 0 : i32
      scf.yield %scan3A_1048 : i32
    }
    %scan3A_1028 = arith.constant 40 : i32
    %barrier3A = arith.constant 0 : index
    tpu.barrier barrier_id(%barrier3A)
    %scan3A_1029 = arith.constant 0 : i32
    %scan3A_1030 = arith.constant 0 : i32
    %scan3A_1031 = arith.constant 79 : i32
    %scan3A_1032 = arith.addi %scan3A_1030, %scan3A_1031 : i32
    %scan3A_1033 = arith.constant 1 : i32
    %scan3A_1034 = scf.for %scan3A_1041 = %scan3A_1030 to %scan3A_1032 step %scan3A_1033 iter_args(%scan3A_1042 = %scan3A_1029) -> (i32)  : i32 {
      %mul3A_1043 = arith.constant 79 : i32
      %mul3A_1044 = arith.muli %add3A, %mul3A_1043 : i32
      %add3A_1045 = arith.addi %mul3A_1044, %scan3A_1041 : i32
      %mul3A_1046 = arith.constant 128 : i32
      %mul3A_1047 = arith.muli %add3A_1045, %mul3A_1046 : i32
      "tpu.region"() ({
        %run_scoped3A = tpu.sem_alloc : memref<!tpu.dma_semaphore, #tpu.memory_space<semaphore_mem>>
        %dma_start3A_1053 = tpu.memref_slice %arg3[%mul3A_1047] : memref<323584xi32, #tpu.memory_space<hbm>> -> memref<128xi32, #tpu.memory_space<hbm>>
        %dma_start3A_1054 = tpu.memref_slice %arg3[%mul3A_1047] : memref<323584xi32, #tpu.memory_space<hbm>> -> memref<128xi32, #tpu.memory_space<hbm>>
        tpu.enqueue_dma source(%dma_start3A_1054 : memref<128xi32, #tpu.memory_space<hbm>>) target(%arg6 : memref<128xi32, #tpu.memory_space<vmem>>) target_semaphore(%run_scoped3A : memref<!tpu.dma_semaphore, #tpu.memory_space<semaphore_mem>>)
        %dma_wait3A_1055 = tpu.memref_slice %arg3[%mul3A_1047] : memref<323584xi32, #tpu.memory_space<hbm>> -> memref<128xi32, #tpu.memory_space<hbm>>
        %dma_wait3A_1056 = tpu.memref_slice %arg3[%mul3A_1047] : memref<323584xi32, #tpu.memory_space<hbm>> -> memref<128xi32, #tpu.memory_space<hbm>>
        tpu.wait_dma2 semaphore(%run_scoped3A : memref<!tpu.dma_semaphore, #tpu.memory_space<semaphore_mem>>) src(%dma_wait3A_1056 : memref<128xi32, #tpu.memory_space<hbm>>) dst(%arg6 : memref<128xi32, #tpu.memory_space<vmem>>)
        tpu.yield
      }) : () -> ()
      "tpu.region"() ({
        %run_scoped3A = tpu.sem_alloc : memref<!tpu.dma_semaphore, #tpu.memory_space<semaphore_mem>>
        %dma_start3A_1053 = tpu.memref_slice %arg4[%mul3A_1047] : memref<323584xi32, #tpu.memory_space<hbm>> -> memref<128xi32, #tpu.memory_space<hbm>>
        %dma_start3A_1054 = tpu.memref_slice %arg4[%mul3A_1047] : memref<323584xi32, #tpu.memory_space<hbm>> -> memref<128xi32, #tpu.memory_space<hbm>>
        tpu.enqueue_dma source(%dma_start3A_1054 : memref<128xi32, #tpu.memory_space<hbm>>) target(%arg7 : memref<128xi32, #tpu.memory_space<vmem>>) target_semaphore(%run_scoped3A : memref<!tpu.dma_semaphore, #tpu.memory_space<semaphore_mem>>)
        %dma_wait3A_1055 = tpu.memref_slice %arg4[%mul3A_1047] : memref<323584xi32, #tpu.memory_space<hbm>> -> memref<128xi32, #tpu.memory_space<hbm>>
        %dma_wait3A_1056 = tpu.memref_slice %arg4[%mul3A_1047] : memref<323584xi32, #tpu.memory_space<hbm>> -> memref<128xi32, #tpu.memory_space<hbm>>
        tpu.wait_dma2 semaphore(%run_scoped3A : memref<!tpu.dma_semaphore, #tpu.memory_space<semaphore_mem>>) src(%dma_wait3A_1056 : memref<128xi32, #tpu.memory_space<hbm>>) dst(%arg7 : memref<128xi32, #tpu.memory_space<vmem>>)
        tpu.yield
      }) : () -> ()
      %dma_start3A = arith.constant 0 : i32
      %dma_start3A_1048 = arith.constant 0 : i32
      %dma_start3A_1049 = tpu.memref_slice %arg2[%dma_start3A, %dma_start3A_1048] : memref<10240x128xf32, #tpu.memory_space<hbm>> -> memref<10240x128xf32, #tpu.memory_space<hbm>>
      tpu.enqueue_indirect_dma source(%dma_start3A_1049 : memref<10240x128xf32, #tpu.memory_space<hbm>>) target(%arg8 : memref<128x128xf32, #tpu.memory_space<vmem>>) offsets(%arg6 : memref<128xi32, #tpu.memory_space<vmem>>) semaphore(%arg10 : memref<!tpu.dma_semaphore, #tpu.memory_space<semaphore_mem>>)
      %dma_wait3A = arith.constant 0 : i32
      %dma_wait3A_1050 = arith.constant 0 : i32
      %dma_wait3A_1051 = tpu.memref_slice %arg2[%dma_wait3A, %dma_wait3A_1050] : memref<10240x128xf32, #tpu.memory_space<hbm>> -> memref<10240x128xf32, #tpu.memory_space<hbm>>
      tpu.wait_indirect_dma semaphore(%arg10 : memref<!tpu.dma_semaphore, #tpu.memory_space<semaphore_mem>>) src(%dma_wait3A_1051 : memref<10240x128xf32, #tpu.memory_space<hbm>>) dst(%arg8 : memref<128x128xf32, #tpu.memory_space<vmem>>)
      "tpu.region"() ({
        %run_scoped3A = tpu.sem_alloc : memref<!tpu.dma_semaphore, #tpu.memory_space<semaphore_mem>>
        %dma_start3A_1053 = arith.constant 0 : i32
        %dma_start3A_1054 = arith.constant 0 : i32
        %dma_start3A_1055 = tpu.memref_slice %arg11[%dma_start3A_1053, %dma_start3A_1054] : memref<10240x128xf32, #tpu.memory_space<vmem_shared>> -> memref<10240x128xf32, #tpu.memory_space<vmem_shared>>
        tpu.enqueue_indirect_dma source(%arg8 : memref<128x128xf32, #tpu.memory_space<vmem>>) target(%dma_start3A_1055 : memref<10240x128xf32, #tpu.memory_space<vmem_shared>>) offsets(%arg7 : memref<128xi32, #tpu.memory_space<vmem>>) semaphore(%run_scoped3A : memref<!tpu.dma_semaphore, #tpu.memory_space<semaphore_mem>>) {add = true}
        %dma_wait3A_1056 = arith.constant 0 : i32
        %dma_wait3A_1057 = arith.constant 0 : i32
        %dma_wait3A_1058 = tpu.memref_slice %arg11[%dma_wait3A_1056, %dma_wait3A_1057] : memref<10240x128xf32, #tpu.memory_space<vmem_shared>> -> memref<10240x128xf32, #tpu.memory_space<vmem_shared>>
        tpu.wait_indirect_dma semaphore(%run_scoped3A : memref<!tpu.dma_semaphore, #tpu.memory_space<semaphore_mem>>) src(%arg8 : memref<128x128xf32, #tpu.memory_space<vmem>>) dst(%dma_wait3A_1058 : memref<10240x128xf32, #tpu.memory_space<vmem_shared>>)
        tpu.yield
      }) : () -> ()
      %scan3A_1052 = arith.constant 0 : i32
      scf.yield %scan3A_1052 : i32
    }
    %scan3A_1035 = arith.constant 79 : i32
    %barrier3A_1036 = arith.constant 0 : index
    tpu.barrier barrier_id(%barrier3A_1036)
    %mul3A_1037 = arith.constant 640 : i32
    %mul3A_1038 = arith.muli %arg1, %mul3A_1037 : i32
    %mul3A_1039 = arith.constant 640 : i32
    %mul3A_1040 = arith.muli %arg1, %mul3A_1039 : i32
    "tpu.region"() ({
      %run_scoped3A = tpu.sem_alloc : memref<!tpu.dma_semaphore, #tpu.memory_space<semaphore_mem>>
      %dma_start3A = arith.constant 0 : i32
      %dma_start3A_1041 = tpu.memref_slice %arg5[%arg0, %mul3A_1040, %dma_start3A] : memref<2x10240x128xf32, #tpu.memory_space<hbm>> -> memref<1x640x128xf32, #tpu.memory_space<hbm>>
      %dma_start3A_1042 = tpu.memref_squeeze %dma_start3A_1041 : memref<1x640x128xf32, #tpu.memory_space<hbm>> -> memref<640x128xf32, #tpu.memory_space<hbm>>
      %dma_start3A_1043 = arith.constant 0 : i32
      %dma_start3A_1044 = tpu.memref_slice %arg11[%mul3A_1038, %dma_start3A_1043] : memref<10240x128xf32, #tpu.memory_space<vmem_shared>> -> memref<640x128xf32, #tpu.memory_space<vmem_shared>>
      tpu.enqueue_dma source(%dma_start3A_1044 : memref<640x128xf32, #tpu.memory_space<vmem_shared>>) target(%dma_start3A_1042 : memref<640x128xf32, #tpu.memory_space<hbm>>) target_semaphore(%run_scoped3A : memref<!tpu.dma_semaphore, #tpu.memory_space<semaphore_mem>>)
      %dma_wait3A = arith.constant 0 : i32
      %dma_wait3A_1045 = tpu.memref_slice %arg5[%arg0, %mul3A_1040, %dma_wait3A] : memref<2x10240x128xf32, #tpu.memory_space<hbm>> -> memref<1x640x128xf32, #tpu.memory_space<hbm>>
      %dma_wait3A_1046 = tpu.memref_squeeze %dma_wait3A_1045 : memref<1x640x128xf32, #tpu.memory_space<hbm>> -> memref<640x128xf32, #tpu.memory_space<hbm>>
      %dma_wait3A_1047 = arith.constant 0 : i32
      %dma_wait3A_1048 = tpu.memref_slice %arg11[%mul3A_1038, %dma_wait3A_1047] : memref<10240x128xf32, #tpu.memory_space<vmem_shared>> -> memref<640x128xf32, #tpu.memory_space<vmem_shared>>
      tpu.wait_dma2 semaphore(%run_scoped3A : memref<!tpu.dma_semaphore, #tpu.memory_space<semaphore_mem>>) src(%dma_wait3A_1048 : memref<640x128xf32, #tpu.memory_space<vmem_shared>>) dst(%dma_wait3A_1046 : memref<640x128xf32, #tpu.memory_space<hbm>>)
      tpu.yield
    }) : () -> ()
    return
  }
}

module attributes {stable_mosaic.version = 14 : i64} {
  func.func @_mm_body(%arg0: i32, %arg1: memref<1024x128xf32, #tpu.memory_space<vmem>>, %arg2: memref<128x128xf32, #tpu.memory_space<vmem>>, %arg3: memref<2x1024xf32, #tpu.memory_space<vmem>>, %arg4: memref<1024x128xf32, #tpu.memory_space<vmem>>, %arg5: memref<1024x128xf32, #tpu.memory_space<vmem>>) attributes {dimension_semantics = [#tpu.dimension_semantics<arbitrary>], iteration_bounds = array<i64: 10>, scalar_prefetch = 0 : i64, scratch_operands = 0 : i64, tpu.core_type = #tpu.core_type<tc>, window_params = [{transform_indices = @transform_0, window_bounds = array<i64: 1024, 128>}, {pipeline_mode = #tpu.pipeline_mode<synchronous>, transform_indices = @transform_1, window_bounds = array<i64: 128, 128>}, {transform_indices = @transform_2, window_bounds = array<i64: 2, 1024>}, {transform_indices = @transform_3, window_bounds = array<i64: 1024, 128>}, {transform_indices = @transform_4, window_bounds = array<i64: 1024, 128>}]} {
    %get3A = arith.constant 0 : index
    %get3A_0 = arith.constant 0 : index
    %get3A_1 = vector.load %arg3[%get3A, %get3A_0] : memref<2x1024xf32, #tpu.memory_space<vmem>>, vector<1x1024xf32>
    %get3A_2 = vector.shape_cast %get3A_1 : vector<1x1024xf32> to vector<1024xf32>
    %get3A_3 = arith.constant 1 : index
    %get3A_4 = arith.constant 0 : index
    %get3A_5 = vector.load %arg3[%get3A_3, %get3A_4] : memref<2x1024xf32, #tpu.memory_space<vmem>>, vector<1x1024xf32>
    %get3A_6 = vector.shape_cast %get3A_5 : vector<1x1024xf32> to vector<1024xf32>
    %add3A = arith.addf %get3A_2, %get3A_6 : vector<1024xf32>
    %add3A_7 = arith.constant 1.000000e+00 : f32
    %add3A_8 = vector.broadcast %add3A_7 : f32 to vector<1024xf32>
    %add3A_9 = arith.addf %add3A, %add3A_8 : vector<1024xf32>
    %rsqrt3A = math.rsqrt %add3A_9 : vector<1024xf32>
    %get3A_10 = arith.constant 0 : index
    %get3A_11 = arith.constant 0 : index
    %get3A_12 = vector.load %arg1[%get3A_10, %get3A_11] : memref<1024x128xf32, #tpu.memory_space<vmem>>, vector<1024x128xf32>
    %get3A_13 = arith.constant 0 : index
    %get3A_14 = arith.constant 0 : index
    %get3A_15 = vector.load %arg2[%get3A_13, %get3A_14] : memref<128x128xf32, #tpu.memory_space<vmem>>, vector<128x128xf32>
    %dot_general3A = arith.constant dense<0.000000e+00> : vector<1024x128xf32>
    %dot_general3A_16 = tpu.matmul %get3A_12, %get3A_15, %dot_general3A {dimension_numbers = #tpu.dot_dimension_numbers<[1], [0], [0], [1], [0, 0, 1, 1], [], []>, transpose_lhs_hint = false} : vector<1024x128xf32>, vector<128x128xf32>, vector<1024x128xf32> -> vector<1024x128xf32>
    %swap3A = arith.constant 0 : index
    %swap3A_17 = arith.constant 0 : index
    %swap3A_18 = vector.load %arg4[%swap3A, %swap3A_17] : memref<1024x128xf32, #tpu.memory_space<vmem>>, vector<1024x128xf32>
    tpu.vector_store %arg4[%swap3A, %swap3A_17], %dot_general3A_16 {strides = array<i32>} : memref<1024x128xf32, #tpu.memory_space<vmem>>, vector<1024x128xf32>,
    %broadcast_in_dim3A = vector.shape_cast %rsqrt3A : vector<1024xf32> to vector<1024x1xf32>
    %mul3A = vector.broadcast %broadcast_in_dim3A : vector<1024x1xf32> to vector<1024x128xf32>
    %mul3A_19 = arith.mulf %dot_general3A_16, %mul3A : vector<1024x128xf32>
    %swap3A_20 = arith.constant 0 : index
    %swap3A_21 = arith.constant 0 : index
    %swap3A_22 = vector.load %arg5[%swap3A_20, %swap3A_21] : memref<1024x128xf32, #tpu.memory_space<vmem>>, vector<1024x128xf32>
    tpu.vector_store %arg5[%swap3A_20, %swap3A_21], %mul3A_19 {strides = array<i32>} : memref<1024x128xf32, #tpu.memory_space<vmem>>, vector<1024x128xf32>,
    return
  }
  func.func @transform_0(%arg0: i32) -> (i32, i32) {
    %c0_i32 = arith.constant 0 : i32
    %c0_i32_0 = arith.constant 0 : i32
    return %arg0, %c0_i32 : i32, i32
  }
  func.func @transform_1(%arg0: i32) -> (i32, i32) {
    %c0_i32 = arith.constant 0 : i32
    %c0_i32_0 = arith.constant 0 : i32
    %c0_i32_1 = arith.constant 0 : i32
    return %c0_i32, %c0_i32_0 : i32, i32
  }
  func.func @transform_2(%arg0: i32) -> (i32, i32) {
    %c0_i32 = arith.constant 0 : i32
    %c0_i32_0 = arith.constant 0 : i32
    return %c0_i32, %arg0 : i32, i32
  }
  func.func @transform_3(%arg0: i32) -> (i32, i32) {
    %c0_i32 = arith.constant 0 : i32
    %c0_i32_0 = arith.constant 0 : i32
    return %arg0, %c0_i32 : i32, i32
  }
  func.func @transform_4(%arg0: i32) -> (i32, i32) {
    %c0_i32 = arith.constant 0 : i32
    %c0_i32_0 = arith.constant 0 : i32
    return %arg0, %c0_i32 : i32, i32
  }
}

module attributes {stable_mosaic.version = 14 : i64} {
  func.func @_fin_body(%arg0: i32, %arg1: memref<2x1024x128xf32, #tpu.memory_space<vmem>>, %arg2: memref<2x1024xf32, #tpu.memory_space<vmem>>, %arg3: memref<1024x128xf32, #tpu.memory_space<vmem>>, %arg4: memref<1x128xf32, #tpu.memory_space<vmem>>, %arg5: memref<1x128xf32, #tpu.memory_space<vmem>>, %arg6: memref<1024x128xf32, #tpu.memory_space<vmem>>) attributes {dimension_semantics = [#tpu.dimension_semantics<arbitrary>], iteration_bounds = array<i64: 10>, scalar_prefetch = 0 : i64, scratch_operands = 0 : i64, tpu.core_type = #tpu.core_type<tc>, window_params = [{transform_indices = @transform_0, window_bounds = array<i64: 2, 1024, 128>}, {transform_indices = @transform_1, window_bounds = array<i64: 2, 1024>}, {transform_indices = @transform_2, window_bounds = array<i64: 1024, 128>}, {pipeline_mode = #tpu.pipeline_mode<synchronous>, transform_indices = @transform_3, window_bounds = array<i64: 1, 128>}, {pipeline_mode = #tpu.pipeline_mode<synchronous>, transform_indices = @transform_4, window_bounds = array<i64: 1, 128>}, {transform_indices = @transform_5, window_bounds = array<i64: 1024, 128>}]} {
    %get3A = arith.constant 0 : index
    %get3A_0 = arith.constant 0 : index
    %get3A_1 = vector.load %arg2[%get3A, %get3A_0] : memref<2x1024xf32, #tpu.memory_space<vmem>>, vector<1x1024xf32>
    %get3A_2 = vector.shape_cast %get3A_1 : vector<1x1024xf32> to vector<1024xf32>
    %get3A_3 = arith.constant 1 : index
    %get3A_4 = arith.constant 0 : index
    %get3A_5 = vector.load %arg2[%get3A_3, %get3A_4] : memref<2x1024xf32, #tpu.memory_space<vmem>>, vector<1x1024xf32>
    %get3A_6 = vector.shape_cast %get3A_5 : vector<1x1024xf32> to vector<1024xf32>
    %add3A = arith.addf %get3A_2, %get3A_6 : vector<1024xf32>
    %add3A_7 = arith.constant 1.000000e+00 : f32
    %add3A_8 = vector.broadcast %add3A_7 : f32 to vector<1024xf32>
    %add3A_9 = arith.addf %add3A, %add3A_8 : vector<1024xf32>
    %rsqrt3A = math.rsqrt %add3A_9 : vector<1024xf32>
    %get3A_10 = arith.constant 0 : index
    %get3A_11 = arith.constant 0 : index
    %get3A_12 = arith.constant 0 : index
    %get3A_13 = vector.load %arg1[%get3A_10, %get3A_11, %get3A_12] : memref<2x1024x128xf32, #tpu.memory_space<vmem>>, vector<1x1024x128xf32>
    %get3A_14 = vector.shape_cast %get3A_13 : vector<1x1024x128xf32> to vector<1024x128xf32>
    %get3A_15 = arith.constant 1 : index
    %get3A_16 = arith.constant 0 : index
    %get3A_17 = arith.constant 0 : index
    %get3A_18 = vector.load %arg1[%get3A_15, %get3A_16, %get3A_17] : memref<2x1024x128xf32, #tpu.memory_space<vmem>>, vector<1x1024x128xf32>
    %get3A_19 = vector.shape_cast %get3A_18 : vector<1x1024x128xf32> to vector<1024x128xf32>
    %add3A_20 = arith.addf %get3A_14, %get3A_19 : vector<1024x128xf32>
    %broadcast_in_dim3A = vector.shape_cast %rsqrt3A : vector<1024xf32> to vector<1024x1xf32>
    %mul3A = vector.broadcast %broadcast_in_dim3A : vector<1024x1xf32> to vector<1024x128xf32>
    %mul3A_21 = arith.mulf %mul3A, %add3A_20 : vector<1024x128xf32>
    %mul3A_22 = arith.mulf %rsqrt3A, %rsqrt3A : vector<1024xf32>
    %broadcast_in_dim3A_23 = vector.shape_cast %mul3A_22 : vector<1024xf32> to vector<1024x1xf32>
    %get3A_24 = arith.constant 0 : index
    %get3A_25 = arith.constant 0 : index
    %get3A_26 = vector.load %arg3[%get3A_24, %get3A_25] : memref<1024x128xf32, #tpu.memory_space<vmem>>, vector<1024x128xf32>
    %mul3A_27 = vector.broadcast %broadcast_in_dim3A_23 : vector<1024x1xf32> to vector<1024x128xf32>
    %mul3A_28 = arith.mulf %mul3A_27, %get3A_26 : vector<1024x128xf32>
    %add3A_29 = arith.addf %mul3A_21, %mul3A_28 : vector<1024x128xf32>
    %get3A_30 = arith.constant 0 : index
    %get3A_31 = arith.constant 0 : index
    %get3A_32 = vector.load %arg4[%get3A_30, %get3A_31] : memref<1x128xf32, #tpu.memory_space<vmem>>, vector<1x128xf32>
    %add3A_33 = vector.broadcast %get3A_32 : vector<1x128xf32> to vector<1024x128xf32>
    %add3A_34 = arith.addf %add3A_29, %add3A_33 : vector<1024x128xf32>
    %ge3A = arith.constant 0.000000e+00 : f32
    %ge3A_35 = vector.broadcast %ge3A : f32 to vector<1024x128xf32>
    %ge3A_36 = arith.cmpf oge, %add3A_34, %ge3A_35 : vector<1024x128xf32>
    %get3A_37 = arith.constant 0 : index
    %get3A_38 = arith.constant 0 : index
    %get3A_39 = vector.load %arg5[%get3A_37, %get3A_38] : memref<1x128xf32, #tpu.memory_space<vmem>>, vector<1x128xf32>
    %mul3A_40 = vector.broadcast %get3A_39 : vector<1x128xf32> to vector<1024x128xf32>
    %mul3A_41 = arith.mulf %mul3A_40, %add3A_34 : vector<1024x128xf32>
    %select_n3A = arith.select %ge3A_36, %add3A_34, %mul3A_41 : vector<1024x128xi1>, vector<1024x128xf32>
    %swap3A = arith.constant 0 : index
    %swap3A_42 = arith.constant 0 : index
    %swap3A_43 = vector.load %arg6[%swap3A, %swap3A_42] : memref<1024x128xf32, #tpu.memory_space<vmem>>, vector<1024x128xf32>
    tpu.vector_store %arg6[%swap3A, %swap3A_42], %select_n3A {strides = array<i32>} : memref<1024x128xf32, #tpu.memory_space<vmem>>, vector<1024x128xf32>,
    return
  }
  func.func @transform_0(%arg0: i32) -> (i32, i32, i32) {
    %c0_i32 = arith.constant 0 : i32
    %c0_i32_0 = arith.constant 0 : i32
    %c0_i32_1 = arith.constant 0 : i32
    return %c0_i32, %arg0, %c0_i32_0 : i32, i32, i32
  }
  func.func @transform_1(%arg0: i32) -> (i32, i32) {
    %c0_i32 = arith.constant 0 : i32
    %c0_i32_0 = arith.constant 0 : i32
    return %c0_i32, %arg0 : i32, i32
  }
  func.func @transform_2(%arg0: i32) -> (i32, i32) {
    %c0_i32 = arith.constant 0 : i32
    %c0_i32_0 = arith.constant 0 : i32
    return %arg0, %c0_i32 : i32, i32
  }
  func.func @transform_3(%arg0: i32) -> (i32, i32) {
    %c0_i32 = arith.constant 0 : i32
    %c0_i32_0 = arith.constant 0 : i32
    %c0_i32_1 = arith.constant 0 : i32
    return %c0_i32, %c0_i32_0 : i32, i32
  }
  func.func @transform_4(%arg0: i32) -> (i32, i32) {
    %c0_i32 = arith.constant 0 : i32
    %c0_i32_0 = arith.constant 0 : i32
    %c0_i32_1 = arith.constant 0 : i32
    return %c0_i32, %c0_i32_0 : i32, i32
  }
  func.func @transform_5(%arg0: i32) -> (i32, i32) {
    %c0_i32 = arith.constant 0 : i32
    %c0_i32_0 = arith.constant 0 : i32
    return %arg0, %c0_i32 : i32, i32
  }
}

</mosaic_0001>

<sc_bundles>
// kernel: kernel.6.cloned.1.call-start
scs
__scs_entry_jumppad:
0x0: {  	(pc) =	sbr.rel $0x88, $3  }
0x1: {  	(tag) =	ssettag $0x0;
	lr =	simm.s32 $0x1  }
0x2: {  	[smem:$0x3F9C] =	sst lr;
	_ =	strace $0xD0000000  }
0x3: {  	_ = 	snop  }
0x4: {  	_ = 	snop  }
0x5: {  	_ = 	snop  }
0x6: {  	_ = 	snop  }
0x7: {  	_ = 	snop  }
__scs_overlays_trampoline_lowered:
0x8: {  	[smem:$0x3FAB] =	sst s0  }
0x9: {  	[smem:$0x3FAC] =	sst s1  }
0xa: {  	[smem:$0x3FAD] =	sst s2  }
0xb: {  	[smem:$0x3FAE] =	sst s3  }
0xc: {  	[smem:$0x3FAF] =	sst s4  }
0xd: {  	[smem:$0x3FB0] =	sst s5  }
0xe: {  	[smem:$0x3FB1] =	sst s6  }
0xf: {  	[smem:$0x3FB2] =	sst s7  }
0x10: {  	[smem:$0x3FB3] =	sst s8  }
0x11: {  	[smem:$0x3FB4] =	sst s9;
	s0 =	simm.s32 @!p0 $0x0  }
0x12: {  	s1 =	sld [smem:$0x3F9A];
	s0 =	simm.s32 @p0 $0x1  }
0x13: {  	[smem:$0x3FB5] =	sst s0;
	s0 =	simm.s32 @!p1 $0x0  }
0x14: {  	s2 =	sld [smem:$0x3F99];
	s0 =	simm.s32 @p1 $0x1  }
0x15: {  	[smem:$0x3FB6] =	sst s0;
	s0 =	simm.s32 @!p2 $0x0  }
0x16: {  	s3 =	sld [smem:$0x3FDB];
	s0 =	simm.s32 @p2 $0x1  }
0x17: {  	s4 =	simm.s32 $0x1BF5;
	[smem:$0x3FB8] =	sst s0  }
0x18: {  	s0 =	sld [smem:$0x3F9B];
	_ =	swait.ge [sflag:s4], $0x0  }
0x19: {  	s7 =	sld [smem:$0x3F9C]  }
0x1a: {  	s8 =	sadd.s32 $0xFFFFE003, lr  }
0x1b: {  	s9 =	sadd.s32 $0xFFFFFEF7, lr;
	s5 =	simm.s32 $0xFFFFFFFF;
	p2 =	slt.u32 s8, $0xFFFFF086  }
0x1c: {  	p1 =	slt.u32 s9, $0xF7A;
	s5 =	simm.s32 @!p2 $0x0  }
0x1d: {  	s5 =	simm.s32 @p1 $0x1;
	p0 =	seq.s32 s7, s2  }
0x1e: {  	s7 =	smul.u32 @!p0 $0xF7A, s2;
	p2 =	seq.s32 @!p0 s5, $0x0  }
0x1f: {  	s9 =	smul.u32 $0xF7A, s1;
	s8 =	simm.s32 @!p0 $0x1BF5;
	p2 =	por !p2, p0  }
0x20: {  	[sflag:s8] =	ssyncset.s32 @!p0 $0xFFFFF086;
	s6 =	sadd.s32 @!p0 s3, s7;
	s7 =	simm.s32 @!p0 $0x108  }
0x21: {  	s3 =	sadd.s32 s3, s9;
	s6 =	sadd.s32 @!p0 $0x88, s6;
	s7 =	simm.s32 @p2 $0x1082  }
0x22: {  	[simem:s7], [sflag:s8] =	dma.local @!p0 [hbm:s6], $0xF7A  }
0x23: {  	s9 =	sor.u32 $0xD0000000, s2;
	s6 =	simm.s32 $0x108;
	_ =	swait.ge @!p0 [sflag:s8], $0x0  }
0x24: {  	s3 =	sadd.s32 $0x88, s3;
	s6 =	simm.s32 @!p1 $0x1082;
	[sflag:s4] =	ssyncset.s32 $0xFFFFF086  }
0x25: {  	[simem:s6], [sflag:s4] =	dma.local [hbm:s3], $0xF7A  }
0x26: {  	[smem:$0x3F9C] =	sst s1;
	(tag) =	ssettag s2;
	_ =	strace s9  }
0x27: {  	s1 =	sld [smem:$0x3FAC]  }
0x28: {  	s2 =	sld [smem:$0x3FAD]  }
0x29: {  	s4 =	sld [smem:$0x3FAF]  }
0x2a: {  	p0 =	seq.s32 s5, $0x0;
	s5 =	sld [smem:$0x3FB0]  }
0x2b: {  	s6 =	sld [smem:$0x3FB1]  }
0x2c: {  	s7 =	sld [smem:$0x3FB2]  }
0x2d: {  	s3 =	simm.s32 $0x108;
	s8 =	sld [smem:$0x3FB3]  }
0x2e: {  	s3 =	simm.s32 @!p0 $0x1082;
	s9 =	sld [smem:$0x3FB4]  }
0x2f: {  	lr =	sadd.s32 s0, s3;
	s0 =	sld [smem:$0x3FAB]  }
0x30: {  	s3 =	sld [smem:$0x3FAE]  }
0x31: {  	[smem:$0x3FB7] =	sst s10  }
0x32: {  	s10 =	sld [smem:$0x3FB5];
	_ =	sdelay $0x3  }
0x33: {  	p0 =	seq.s32 s10, $0x1;
	s10 =	sld [smem:$0x3FB7];
	_ =	sdelay $0x3  }
0x34: {  	[smem:$0x3FB7] =	sst s10  }
0x35: {  	s10 =	sld [smem:$0x3FB6];
	_ =	sdelay $0x3  }
0x36: {  	p1 =	seq.s32 s10, $0x1;
	s10 =	sld [smem:$0x3FB7];
	_ =	sdelay $0x3  }
0x37: {  	[smem:$0x3FB7] =	sst s10  }
0x38: {  	s10 =	sld [smem:$0x3FB8]  }
0x39: {  	_ = 	snop;
	(pc) =	sbr.ind lr, $3  }
0x3a: {  	_ = 	snop  }
0x3b: {  	_ = 	snop  }
0x3c: {  	p2 =	seq.s32 s10, $0x1;
	s10 =	sld [smem:$0x3FB7]  }
0x3d: {  	_ =	shalt  }
0x3e: {  	_ =	shalt  }
0x3f: {  	_ =	shalt  }
0x40: {  	_ =	shalt  }
0x41: {  	_ =	shalt  }
0x42: {  	_ =	shalt  }
0x43: {  	_ =	shalt  }
0x44: {  	_ =	shalt  }
0x45: {  	_ =	shalt  }
0x46: {  	_ =	shalt  }
0x47: {  	_ =	shalt  }
0x48: {  	_ =	shalt  }
0x49: {  	_ =	shalt  }
0x4a: {  	_ =	shalt  }
0x4b: {  	_ =	shalt  }
0x4c: {  	_ =	shalt  }
0x4d: {  	_ =	shalt  }
0x4e: {  	_ =	shalt  }
0x4f: {  	_ =	shalt  }
0x50: {  	_ =	shalt  }
0x51: {  	_ =	shalt  }
0x52: {  	_ =	shalt  }
0x53: {  	_ =	shalt  }
0x54: {  	_ =	shalt  }
0x55: {  	_ =	shalt  }
0x56: {  	_ =	shalt  }
0x57: {  	_ =	shalt  }
0x58: {  	_ =	shalt  }
0x59: {  	_ =	shalt  }
0x5a: {  	_ =	shalt  }
0x5b: {  	_ =	shalt  }
0x5c: {  	_ =	shalt  }
0x5d: {  	_ =	shalt  }
0x5e: {  	_ =	shalt  }
0x5f: {  	_ =	shalt  }
0x60: {  	_ =	shalt  }
0x61: {  	_ =	shalt  }
0x62: {  	_ =	shalt  }
0x63: {  	_ =	shalt  }
0x64: {  	_ =	shalt  }
0x65: {  	_ =	shalt  }
0x66: {  	_ =	shalt  }
0x67: {  	_ =	shalt  }
0x68: {  	_ =	shalt  }
0x69: {  	_ =	shalt  }
0x6a: {  	_ =	shalt  }
0x6b: {  	_ =	shalt  }
0x6c: {  	_ =	shalt  }
0x6d: {  	_ =	shalt  }
0x6e: {  	_ =	shalt  }
0x6f: {  	_ =	shalt  }
0x70: {  	_ =	shalt  }
0x71: {  	_ =	shalt  }
0x72: {  	_ =	shalt  }
0x73: {  	_ =	shalt  }
0x74: {  	_ =	shalt  }
0x75: {  	_ =	shalt  }
0x76: {  	_ =	shalt  }
0x77: {  	_ =	shalt  }
0x78: {  	_ =	shalt  }
0x79: {  	_ =	shalt  }
0x7a: {  	_ =	shalt  }
0x7b: {  	_ =	shalt  }
0x7c: {  	_ =	shalt  }
0x7d: {  	_ =	shalt  }
0x7e: {  	_ =	shalt  }
0x7f: {  	_ =	shalt  }
0x80: {  	_ =	shalt  }
0x81: {  	_ =	shalt  }
0x82: {  	_ =	shalt  }
0x83: {  	_ =	shalt  }
0x84: {  	_ =	shalt  }
0x85: {  	_ =	shalt  }
0x86: {  	_ =	shalt  }
0x87: {  	_ =	shalt  }
.Lfunc_end0:
.L_simem_size_0:
called_computation_lowered:
.L_overlay_start_0:
0x88: {  	s2 =	sld [smem:$0x3FD9]  }
0x89: {  	s3 =	sld [smem:$0x3FFE];
	_ =	sdelay $0x1  }
0x8a: {  	s1 =	srdreg.scid  }
0x8b: {  	s0 =	sand.u32 $0x1, s1  }
0x8c: {  	s17 =	sshll.u32 s0, $0xA;
	s2 =	sadd.s32 s3, s2  }
0x8d: {  	s2 =	sadd.s32 s2, s17  }
0x8e: {  	[smem:$0x3FC3] =	sst s2  }
0x8f: {  	_ = 	snop  }
0x90: {  	s2 =	sld [smem:$0x3FD0];
	(tm) =	ssettm $0x1  }
0x91: {  	s18 =	sld [smem:$0x3FFB];
	_ =	sdelay $0x3  }
0x92: {  	_ =	strace s18  }
0x93: {  	s3 =	sld [smem:$0x3FFC];
	_ =	sdelay $0x3  }
0x94: {  	_ =	strace s3  }
0x95: {  	s3 =	sld [smem:$0x3FFD];
	_ =	sdelay $0x3  }
0x96: {  	_ =	strace s3  }
0x97: {  	_ =	strace $0x8FFFFFFF  }
0x98: {  	s19 =	sld [smem:$0x3FDB];
	_ =	sdelay $0x1  }
0x99: {  	s4 =	simm.s32 $_scs_section_size  }
0x9a: {  	s5 =	simm.s32 $_size__tile_overlayer_lowered;
	s6 =	simm.s32 $_tile_overlayer_lowered  }
0x9b: {  	s22 =	simm.s32 $0x1BFF;
	s21 =	sshll.u32 s6, $0x1;
	s3 =	sadd.s32 s4, s19  }
0x9c: {  	s7 =	simm.s32 $0x0;
	s20 =	sshll.u32 s5, $0x1;
	s5 =	sadd.s32 s21, s3  }
0x9d: {  	[timem:s7], [sflag:s22] =	dma.local [hbm:s5], s20  }
0x9e: {  	_ =	swait.ge [sflag:s22], s20  }
0x9f: {  	s4 =	ssub.s32 $0x0, s20;
	[sflag:s22] =	ssyncset.done $0x0  }
0xa0: {  	[sflag:s22] =	ssyncadd.s32 s4;
	_ =	sdelay $0x1  }
0xa1: {  	s23 =	simm.s32 $0x1B8B  }
0xa2: {  	_ =	swait.ge [sflag:s23], $0x1  }
0xa3: {  	[sflag:s23] =	ssyncset.done $0x0  }
0xa4: {  	s25 =	simm.s32 $0x1B8E;
	s24 =	sld [smem:$0x3FFE];
	[sflag:s23] =	ssyncadd.s32 $0xFFFFFFFF  }
0xa5: {  	s26 =	simm.s32 $execute0_lowered;
	[smem:$0x3FD2] =	sst s25  }
0xa6: {  	s5 =	sshll.u32 s26, $0x1;
	_ =	strace $0x80000046;
	[dreg:$0x1] =	wrdreg $0xFFFFFFFF  }
0xa7: {  	s28 =	simm.s32 $_size_execute0_lowered;
	s3 =	sadd.s32 s3, s5;
	[dreg:$0x0] =	wrdreg $0x0  }
0xa8: {  	s5 =	sshll.u32 s28, $0x1;
	[dreg:$0x2] =	wrdreg s3  }
0xa9: {  	[dreg:$0x3] =	wrdreg s5  }
0xaa: {  	[dreg:$0x4] =	wrdreg $0xC0  }
0xab: {  	_ =	task [dreg:s7], $0x5FFFF  }
0xac: {  	[dreg:$0x1] =	wrdreg $0xFFFFFFFF  }
0xad: {  	[dreg:$0x0] =	wrdreg $0x60  }
0xae: {  	[dreg:$0x2] =	wrdreg s2  }
0xaf: {  	[dreg:$0x3] =	wrdreg s24  }
0xb0: {  	[dreg:$0x4] =	wrdreg $0x7A000  }
0xb1: {  	[dreg:$0x5] =	wrdreg $0x9  }
0xb2: {  	_ =	task.clear_ibuf [dreg:s7], $0x6FFFF;
	_ =	strace $0x90000046  }
0xb3: {  	s29 =	simm.s32 $0x9;
	_ =	strace $0x80000048  }
0xb4: {  	_ =	swait.ge [sflag:s29], $0x1  }
0xb5: {  	[sflag:s29] =	ssyncadd.s32 $0xFFFFFFFF  }
0xb6: {  	_ =	strace $0x90000048  }
0xb7: {  	_ =	sfence  }
0xb8: {  	s30 =	sld [smem:$0x0];
	_ =	sdelay $0x2  }
0xb9: {  	s31 =	sshll.u32 s1, $0xD;
	s1 =	sshrl.u32 s1, $0x2  }
0xba: {  	s3 =	sand.u32 $0x4000, s31;
	s1 =	sadd.s32 s1, s30  }
0xbb: {  	s0 =	sor.u32 s3, s0;
	s1 =	sshll.u32 s1, $0x11  }
0xbc: {  	s0 =	sor.u32 s1, s0  }
0xbd: {  	s0 =	sadd.s32 $0x8F2B, s0  }
0xbe: {  	[sflag:s0] =	ssyncadd.remote.s32 $0x1  }
0xbf: {  	_ =	sfence.sel $0xFFFF  }
0xc0: {  	[dreg:$0x0] =	wrdreg $0xFFFFFFFF;
	(pc) =	sbr.abs _section_cstart, $3  }
0xc1: {  	[dreg:$0x1] =	wrdreg $0xFFFFFFFF  }
0xc2: {  	_ =	task.clear_ibuf [dreg:s7], $0x2FFFF;
	_ =	strace $0x9FFFFFFF  }
0xc3: {  	(tm) =	ssettm $0x7FFFFFFF  }
tec
execute0_lowered:
.L_overlay_start_1:
0x0: {  	(tag) =	ssettag $0x1  }
0x1: {  	s0 =	rddreg [dreg:$0x0]  }
0x2: {  	s1 =	rddreg [dreg:$0x1]  }
0x3: {  	s3 =	rddreg [dreg:$0x2]  }
0x4: {  	s2 =	simm.s32 $0x0;
	s4 =	srdreg.scid;
	s10 =	stileid.u32  }
0x5: {  	[smem:$0x7FF] =	sst s2;
	s4 =	sand.u32 $0x1, s4;
	s5 =	sshll.u32 s10, $0x1  }
0x6: {  	s8 =	sshrl.u32 s10, $0x3;
	s9 =	smul.u32 $0x5000, s10;
	s5 =	sor.u32 s4, s5  }
0x7: {  	s7 =	sshll.u32 s4, $0x7;
	s4 =	ssub.s32 $0x2, s4;
	s5 =	smul.u32 $0x4F0, s5  }
0x8: {  	s25 =	smul.u32 $0x50000, s8;
	s26 =	sshrl.u32 s4, $0x1;
	s12 =	sshrl.u32 s9, $0x2  }
0x9: {  	s8 =	ssub.s32 s4, s26;
	s4 =	sadd.s32 s12, s3;
	s0 =	sadd.s32 s0, s5  }
0xa: {  	_ =	strace $0x80000047;
	s13 =	sadd.s32 $0x80, s4;
	[dreg:$0x4] =	wrdreg s0  }
0xb: {  	s14 =	sadd.s32 $0x100, s4;
	[dreg:$0x6] =	wrdreg s13  }
0xc: {  	s15 =	sadd.s32 $0x180, s4;
	[dreg:$0x7] =	wrdreg s14  }
0xd: {  	s16 =	sadd.s32 $0x200, s4;
	[dreg:$0x8] =	wrdreg s15  }
0xe: {  	s17 =	sadd.s32 $0x280, s4;
	[dreg:$0x9] =	wrdreg s16  }
0xf: {  	s18 =	sadd.s32 $0x300, s4;
	[dreg:$0xa] =	wrdreg s17  }
0x10: {  	s19 =	sadd.s32 $0x380, s4;
	[dreg:$0xb] =	wrdreg s18  }
0x11: {  	s20 =	sadd.s32 $0x14000, s4;
	[dreg:$0xc] =	wrdreg s19  }
0x12: {  	s21 =	sadd.s32 $0x14080, s4;
	[dreg:$0xd] =	wrdreg s20  }
0x13: {  	s22 =	sadd.s32 $0x14100, s4;
	[dreg:$0xe] =	wrdreg s21  }
0x14: {  	s23 =	sadd.s32 $0x14180, s4;
	[dreg:$0xf] =	wrdreg s22  }
0x15: {  	s6 =	smul.u32 $0x500, s10;
	s24 =	sadd.s32 $0x14200, s4;
	[dreg:$0x10] =	wrdreg s23  }
0x16: {  	s11 =	sshrl.u32 s25, $0x2;
	s25 =	sadd.s32 $0x14280, s4;
	[dreg:$0x11] =	wrdreg s24  }
0x17: {  	s6 =	sor.u32 s7, s6;
	s26 =	sadd.s32 $0x14300, s4;
	[dreg:$0x12] =	wrdreg s25  }
0x18: {  	s7 =	sadd.s32 s11, s3;
	s3 =	sadd.s32 $0x14380, s4;
	[dreg:$0x13] =	wrdreg s26  }
0x19: {  	s9 =	sadd.s32 $0x800, s4;
	[dreg:$0x14] =	wrdreg s3  }
0x1a: {  	s11 =	sadd.s32 $0x1000, s4;
	[dreg:$0x18] =	wrdreg s9  }
0x1b: {  	s6 =	sshrl.u32 s6, $0x3;
	s12 =	sadd.s32 $0x480, s4;
	[dreg:$0x1a] =	wrdreg s11  }
0x1c: {  	s1 =	sadd.s32 s6, s1;
	s6 =	sadd.s32 $0xE80, s4;
	[dreg:$0x1b] =	wrdreg s12  }
0x1d: {  	s10 =	sshll.u32 s10, $0x7;
	s5 =	sadd.s32 $0x1600, s1;
	[smem:$0x7E9] =	sst s6  }
0x1e: {  	s0 =	sand.u32 $0x380, s10;
	s10 =	sadd.s32 $0xC00, s4;
	[dreg:$0x15] =	wrdreg s5  }
0x1f: {  	s13 =	sadd.s32 $0x880, s4;
	[dreg:$0x19] =	wrdreg s10  }
0x20: {  	s14 =	sadd.s32 $0xC80, s4;
	[dreg:$0x1c] =	wrdreg s13  }
0x21: {  	s15 =	sadd.s32 $0x1080, s4;
	[dreg:$0x1d] =	wrdreg s14  }
0x22: {  	s16 =	sadd.s32 $0x500, s4;
	[dreg:$0x1e] =	wrdreg s15  }
0x23: {  	s17 =	sadd.s32 $0x900, s4;
	[dreg:$0x1f] =	wrdreg s16  }
0x24: {  	s18 =	sadd.s32 $0xD00, s4;
	[smem:$0x7DC] =	sst s17  }
0x25: {  	s19 =	sadd.s32 $0x1100, s4;
	[smem:$0x7DD] =	sst s18  }
0x26: {  	s20 =	sadd.s32 $0x580, s4;
	[smem:$0x7DE] =	sst s19  }
0x27: {  	s21 =	sadd.s32 $0x980, s4;
	[smem:$0x7DF] =	sst s20  }
0x28: {  	s22 =	sadd.s32 $0xD80, s4;
	[smem:$0x7E0] =	sst s21  }
0x29: {  	s23 =	sadd.s32 $0x1180, s4;
	[smem:$0x7E1] =	sst s22  }
0x2a: {  	s24 =	sadd.s32 $0x600, s4;
	[smem:$0x7E2] =	sst s23  }
0x2b: {  	s25 =	sadd.s32 $0xA00, s4;
	[smem:$0x7E3] =	sst s24  }
0x2c: {  	s26 =	sadd.s32 $0xE00, s4;
	[smem:$0x7E4] =	sst s25  }
0x2d: {  	s1 =	sadd.s32 $0x1200, s4;
	[smem:$0x7E5] =	sst s26  }
0x2e: {  	s3 =	sadd.s32 $0x680, s4;
	[smem:$0x7E6] =	sst s1  }
0x2f: {  	s9 =	sadd.s32 $0xB00, s4;
	[smem:$0x7E7] =	sst s3  }
0x30: {  	s11 =	sadd.s32 $0x1300, s4;
	[smem:$0x7EC] =	sst s9  }
0x31: {  	s12 =	sadd.s32 $0x780, s4;
	[smem:$0x7EE] =	sst s11  }
0x32: {  	s0 =	sadd.s32 s0, s7;
	[smem:$0x7EF] =	sst s12  }
0x33: {  	s7 =	smax.u32 s8, $0x1;
	[dreg:$0x5] =	wrdreg s0  }
0x34: {  	s8 =	sadd.s32 $0x400, s4;
	[dreg:$0x16] =	wrdreg s7  }
0x35: {  	s5 =	sadd.s32 $0xA80, s4;
	[dreg:$0x17] =	wrdreg s8  }
0x36: {  	s10 =	sadd.s32 $0xF00, s4;
	[smem:$0x7E8] =	sst s5  }
0x37: {  	s13 =	sadd.s32 $0xB80, s4;
	[smem:$0x7ED] =	sst s10  }
0x38: {  	s14 =	sadd.s32 $0xF80, s4;
	[smem:$0x7F0] =	sst s13  }
0x39: {  	s15 =	sadd.s32 $0x1380, s4;
	[smem:$0x7F1] =	sst s14  }
0x3a: {  	s16 =	sadd.s32 $0x14400, s4;
	[smem:$0x7F2] =	sst s15  }
0x3b: {  	s17 =	sadd.s32 $0x14800, s4;
	[smem:$0x7F3] =	sst s16  }
0x3c: {  	s18 =	sadd.s32 $0x14C00, s4;
	[smem:$0x7F4] =	sst s17  }
0x3d: {  	s30 =	simm.s32 $0x1;
	s19 =	sadd.s32 $0x15000, s4;
	[smem:$0x7F5] =	sst s18  }
0x3e: {  	s31 =	simm.s32 $0x2780;
	s20 =	sadd.s32 $0x14480, s4;
	[smem:$0x7F6] =	sst s19  }
0x3f: {  	s28 =	sadd.s32 $0x14F80, s4;
	s21 =	sadd.s32 $0x14880, s4;
	[smem:$0x7F7] =	sst s20  }
0x40: {  	s29 =	sadd.s32 $0x15380, s4;
	s22 =	sadd.s32 $0x14C80, s4;
	[smem:$0x7F8] =	sst s21  }
0x41: {  	s23 =	sadd.s32 $0x15080, s4;
	s24 =	sadd.s32 $0x14500, s4;
	[smem:$0x7F9] =	sst s22  }
0x42: {  	s25 =	sadd.s32 $0x14900, s4;
	s26 =	sadd.s32 $0x14D00, s4;
	[smem:$0x7FA] =	sst s23  }
0x43: {  	s9 =	sadd.s32 $0x14580, s4;
	s11 =	sadd.s32 $0x14D80, s4;
	[smem:$0x7FB] =	sst s24  }
0x44: {  	s12 =	sadd.s32 $0x15180, s4;
	s7 =	sadd.s32 $0x1280, s4;
	[smem:$0x7FC] =	sst s25  }
0x45: {  	s8 =	sadd.s32 $0x700, s4;
	[smem:$0x7FD] =	sst s26;
	s10 =	sadd.s32 $0x14980, s4  }
0x46: {  	s13 =	sadd.s32 $0x14600, s4;
	s14 =	sadd.s32 $0x14A00, s4;
	s15 =	sadd.s32 $0x14E00, s4  }
0x47: {  	s16 =	sadd.s32 $0x15200, s4;
	s17 =	sadd.s32 $0x14680, s4;
	s18 =	sadd.s32 $0x14A80, s4  }
0x48: {  	s19 =	sadd.s32 $0x14E80, s4;
	s20 =	sadd.s32 $0x15280, s4;
	s21 =	sadd.s32 $0x14700, s4  }
0x49: {  	s22 =	sadd.s32 $0x14B00, s4;
	s23 =	sadd.s32 $0x14F00, s4;
	s24 =	sadd.s32 $0x15300, s4  }
0x4a: {  	s25 =	sadd.s32 $0x14780, s4;
	s26 =	sadd.s32 $0x14B80, s4;
	[smem:$0x7EA] =	sst s7  }
0x4b: {  	v0 =	vimm.f32 $0.0e+00;
	v1 =	vimm.f32 $1.000000000e+00;
	s0 =	simm.s32 $0x80;
	[smem:$0x7EB] =	sst s8;
	s8 =	sadd.s32 $0x15100, s4  }
.LBB2_1:
0x4c: {  	s1 =	simm.s32 $0x40;
	s3 =	simm.s32 $0x0  }
.LBB2_2:
0x4d: {  	p0 =	sne.s32 s1, $0x9FC0;
	[tilespmem:s3+$0x2780] =	vst v0;
	s3 =	smov.u32 s1;
	s1 =	sadd.s32 $0x40, s1  }
.Ltmp0:
0x4e: {  	(pc) =	sbr.rel @p0 .LBB2_2-.Ltmp0, $2  }
0x4f: {  	_ =	sdelay $0x2  }
0x50: {  	s3 =	sshra.s32 s3, $0x2  }
0x51: {  	[tilespmem:s3+$0x2780] =	vst v0;
	s1 =	simm.s32 $0x0;
	s7 =	rddreg [dreg:$0x4]  }
0x52: {  	[tilespmem:s1], [sflag:$0x1] =	stream.linear.gather [hbm4b:s7+s1], $0x2780, $0x38;
	[tilespmem:$0xA200] =	vst v63  }
0x53: {  	_ =	swait.ge [sflag:s30], $0x2780  }
0x54: {  	[sflag:s30] =	ssyncset.done $0x0  }
0x55: {  	s3 =	simm.s32 $0x0;
	s1 =	simm.s32 $0x40;
	[sflag:s30] =	ssyncadd.s32 $0xFFFFD880  }
.LBB2_4:
0x56: {  	p0 =	sne.s32 s1, $0x9DC0;
	v2 =	vld [tilespmem:s3+$0x0];
	_ =	sdelay $0x3  }
.Ltmp1:
0x57: {  	(pc) =	sbr.rel @p0 .LBB2_4-.Ltmp1, $2  }
0x58: {  	_ =	sdelay $0x2  }
0x59: {  	s3 =	sshra.s32 s1, $0x2;
	s1 =	sadd.s32 $0x40, s1;
	[tilespmem:v2+s31+$0x0] =	vst.idx.add.f32.msk $0xffff, v1  }
0x5a: {  	v2 =	vld [tilespmem:s3+$0x0];
	_ =	sdelay $0x7  }
0x5b: {  	s1 =	rddreg [dreg:$0x5];
	s7 =	simm.s32 $0x400;
	[tilespmem:v2+s31+$0x0] =	vst.idx.add.f32.msk $0xffff, v1  }
0x5c: {  	[spmem:s1] =	stream.strided.scatter [tilespmem:s31], [sflag:$0x1], $0x2800, s7, s0, $0x38;
	[tilespmem:$0xA200] =	vst v63  }
0x5d: {  	_ =	swait.ge [sflag:s30], $0x2800  }
0x5e: {  	[sflag:s30] =	ssyncset.done $0x0  }
0x5f: {  	[sflag:s30] =	ssyncadd.s32 $0xFFFFD800  }
0x60: {  	s5 =	simm.s32 $0x4F80;
	[bflag:$0x0] =	sbarrier.arrive $0xFFFF  }
0x61: {  	[tilespmem:s5], [sflag:$0x1] =	stream.linear.gather [spmem:s4], $0x80, $0x38;
	[tilespmem:$0xA200] =	vst v63  }
0x62: {  	s7 =	simm.s32 $0x5380;
	s6 =	rddreg [dreg:$0x17]  }
0x63: {  	[tilespmem:s7], [sflag:$0x1] =	stream.linear.gather [spmem:s6], $0x80, $0x38;
	[tilespmem:$0xA200] =	vst v63  }
0x64: {  	s3 =	rddreg [dreg:$0x18];
	s5 =	simm.s32 $0x5780  }
0x65: {  	[tilespmem:s5], [sflag:$0x1] =	stream.linear.gather [spmem:s3], $0x80, $0x38;
	[tilespmem:$0xA200] =	vst v63  }
0x66: {  	s6 =	rddreg [dreg:$0x19];
	s7 =	simm.s32 $0x5B80  }
0x67: {  	[tilespmem:s7], [sflag:$0x1] =	stream.linear.gather [spmem:s6], $0x80, $0x38;
	[tilespmem:$0xA200] =	vst v63  }
0x68: {  	s3 =	rddreg [dreg:$0x1a];
	s5 =	simm.s32 $0x5F80  }
0x69: {  	[tilespmem:s5], [sflag:$0x1] =	stream.linear.gather [spmem:s3], $0x80, $0x38;
	[tilespmem:$0xA200] =	vst v63  }
0x6a: {  	_ =	swait.ge [sflag:s30], $0x280  }
0x6b: {  	[sflag:s30] =	ssyncset.done $0x0  }
0x6c: {  	s7 =	simm.s32 $0x5000;
	s6 =	rddreg [dreg:$0x6];
	[sflag:s30] =	ssyncadd.s32 $0xFFFFFD80  }
0x6d: {  	[tilespmem:s7], [sflag:$0x1] =	stream.linear.gather [spmem:s6], $0x80, $0x38;
	[tilespmem:$0xA200] =	vst v63  }
0x6e: {  	s5 =	simm.s32 $0x5400;
	s3 =	rddreg [dreg:$0x1b]  }
0x6f: {  	[tilespmem:s5], [sflag:$0x1] =	stream.linear.gather [spmem:s3], $0x80, $0x38;
	[tilespmem:$0xA200] =	vst v63  }
0x70: {  	s6 =	rddreg [dreg:$0x1c];
	s7 =	simm.s32 $0x5800  }
0x71: {  	[tilespmem:s7], [sflag:$0x1] =	stream.linear.gather [spmem:s6], $0x80, $0x38;
	[tilespmem:$0xA200] =	vst v63  }
0x72: {  	s3 =	rddreg [dreg:$0x1d];
	s5 =	simm.s32 $0x5C00  }
0x73: {  	[tilespmem:s5], [sflag:$0x1] =	stream.linear.gather [spmem:s3], $0x80, $0x38;
	[tilespmem:$0xA200] =	vst v63  }
0x74: {  	s6 =	rddreg [dreg:$0x1e];
	s7 =	simm.s32 $0x6000  }
0x75: {  	[tilespmem:s7], [sflag:$0x1] =	stream.linear.gather [spmem:s6], $0x80, $0x38;
	[tilespmem:$0xA200] =	vst v63  }
0x76: {  	_ =	swait.ge [sflag:s30], $0x280  }
0x77: {  	[sflag:s30] =	ssyncset.done $0x0;
	s3 =	rddreg [dreg:$0x7]  }
0x78: {  	s5 =	simm.s32 $0x5080;
	s6 =	rddreg [dreg:$0x1f];
	[sflag:s30] =	ssyncadd.s32 $0xFFFFFD80  }
0x79: {  	[tilespmem:s5], [sflag:$0x1] =	stream.linear.gather [spmem:s3], $0x80, $0x38;
	[tilespmem:$0xA200] =	vst v63  }
0x7a: {  	s7 =	simm.s32 $0x5480;
	s3 =	sld [smem:$0x7DC]  }
0x7b: {  	[tilespmem:s7], [sflag:$0x1] =	stream.linear.gather [spmem:s6], $0x80, $0x38;
	[tilespmem:$0xA200] =	vst v63  }
0x7c: {  	s5 =	simm.s32 $0x5880;
	s6 =	sld [smem:$0x7DD]  }
0x7d: {  	[tilespmem:s5], [sflag:$0x1] =	stream.linear.gather [spmem:s3], $0x80, $0x38;
	[tilespmem:$0xA200] =	vst v63  }
0x7e: {  	s7 =	simm.s32 $0x5C80;
	s3 =	sld [smem:$0x7DE]  }
0x7f: {  	[tilespmem:s7], [sflag:$0x1] =	stream.linear.gather [spmem:s6], $0x80, $0x38;
	[tilespmem:$0xA200] =	vst v63  }
0x80: {  	s5 =	simm.s32 $0x6080  }
0x81: {  	[tilespmem:s5], [sflag:$0x1] =	stream.linear.gather [spmem:s3], $0x80, $0x38;
	[tilespmem:$0xA200] =	vst v63  }
0x82: {  	_ =	swait.ge [sflag:s30], $0x280  }
0x83: {  	[sflag:s30] =	ssyncset.done $0x0;
	s6 =	rddreg [dreg:$0x8]  }
0x84: {  	s7 =	simm.s32 $0x5100;
	s3 =	sld [smem:$0x7DF];
	[sflag:s30] =	ssyncadd.s32 $0xFFFFFD80  }
0x85: {  	[tilespmem:s7], [sflag:$0x1] =	stream.linear.gather [spmem:s6], $0x80, $0x38;
	[tilespmem:$0xA200] =	vst v63  }
0x86: {  	s5 =	simm.s32 $0x5500;
	s6 =	sld [smem:$0x7E0]  }
0x87: {  	[tilespmem:s5], [sflag:$0x1] =	stream.linear.gather [spmem:s3], $0x80, $0x38;
	[tilespmem:$0xA200] =	vst v63  }
0x88: {  	s7 =	simm.s32 $0x5900;
	s3 =	sld [smem:$0x7E1]  }
0x89: {  	[tilespmem:s7], [sflag:$0x1] =	stream.linear.gather [spmem:s6], $0x80, $0x38;
	[tilespmem:$0xA200] =	vst v63  }
0x8a: {  	s5 =	simm.s32 $0x5D00;
	s6 =	sld [smem:$0x7E2]  }
0x8b: {  	[tilespmem:s5], [sflag:$0x1] =	stream.linear.gather [spmem:s3], $0x80, $0x38;
	[tilespmem:$0xA200] =	vst v63  }
0x8c: {  	s7 =	simm.s32 $0x6100  }
0x8d: {  	[tilespmem:s7], [sflag:$0x1] =	stream.linear.gather [spmem:s6], $0x80, $0x38;
	[tilespmem:$0xA200] =	vst v63  }
0x8e: {  	_ =	swait.ge [sflag:s30], $0x280  }
0x8f: {  	[sflag:s30] =	ssyncset.done $0x0;
	s3 =	rddreg [dreg:$0x9]  }
0x90: {  	s5 =	simm.s32 $0x5180;
	s6 =	sld [smem:$0x7E3];
	[sflag:s30] =	ssyncadd.s32 $0xFFFFFD80  }
0x91: {  	[tilespmem:s5], [sflag:$0x1] =	stream.linear.gather [spmem:s3], $0x80, $0x38;
	[tilespmem:$0xA200] =	vst v63  }
0x92: {  	s7 =	simm.s32 $0x5580;
	s3 =	sld [smem:$0x7E4]  }
0x93: {  	[tilespmem:s7], [sflag:$0x1] =	stream.linear.gather [spmem:s6], $0x80, $0x38;
	[tilespmem:$0xA200] =	vst v63  }
0x94: {  	s5 =	simm.s32 $0x5980;
	s6 =	sld [smem:$0x7E5]  }
0x95: {  	[tilespmem:s5], [sflag:$0x1] =	stream.linear.gather [spmem:s3], $0x80, $0x38;
	[tilespmem:$0xA200] =	vst v63  }
0x96: {  	s7 =	simm.s32 $0x5D80;
	s3 =	sld [smem:$0x7E6]  }
0x97: {  	[tilespmem:s7], [sflag:$0x1] =	stream.linear.gather [spmem:s6], $0x80, $0x38;
	[tilespmem:$0xA200] =	vst v63  }
0x98: {  	s5 =	simm.s32 $0x6180  }
0x99: {  	[tilespmem:s5], [sflag:$0x1] =	stream.linear.gather [spmem:s3], $0x80, $0x38;
	[tilespmem:$0xA200] =	vst v63  }
0x9a: {  	_ =	swait.ge [sflag:s30], $0x280  }
0x9b: {  	[sflag:s30] =	ssyncset.done $0x0;
	s6 =	rddreg [dreg:$0xa]  }
0x9c: {  	s7 =	simm.s32 $0x5200;
	s3 =	sld [smem:$0x7E7];
	[sflag:s30] =	ssyncadd.s32 $0xFFFFFD80  }
0x9d: {  	[tilespmem:s7], [sflag:$0x1] =	stream.linear.gather [spmem:s6], $0x80, $0x38;
	[tilespmem:$0xA200] =	vst v63  }
0x9e: {  	s5 =	simm.s32 $0x5600;
	s6 =	sld [smem:$0x7E8]  }
0x9f: {  	[tilespmem:s5], [sflag:$0x1] =	stream.linear.gather [spmem:s3], $0x80, $0x38;
	[tilespmem:$0xA200] =	vst v63  }
0xa0: {  	s7 =	simm.s32 $0x5A00;
	s3 =	sld [smem:$0x7E9]  }
0xa1: {  	[tilespmem:s7], [sflag:$0x1] =	stream.linear.gather [spmem:s6], $0x80, $0x38;
	[tilespmem:$0xA200] =	vst v63  }
0xa2: {  	s5 =	simm.s32 $0x5E00;
	s6 =	sld [smem:$0x7EA]  }
0xa3: {  	[tilespmem:s5], [sflag:$0x1] =	stream.linear.gather [spmem:s3], $0x80, $0x38;
	[tilespmem:$0xA200] =	vst v63  }
0xa4: {  	s7 =	simm.s32 $0x6200  }
0xa5: {  	[tilespmem:s7], [sflag:$0x1] =	stream.linear.gather [spmem:s6], $0x80, $0x38;
	[tilespmem:$0xA200] =	vst v63  }
0xa6: {  	_ =	swait.ge [sflag:s30], $0x280  }
0xa7: {  	[sflag:s30] =	ssyncset.done $0x0;
	s3 =	rddreg [dreg:$0xb]  }
0xa8: {  	s5 =	simm.s32 $0x5280;
	s6 =	sld [smem:$0x7EB];
	[sflag:s30] =	ssyncadd.s32 $0xFFFFFD80  }
0xa9: {  	[tilespmem:s5], [sflag:$0x1] =	stream.linear.gather [spmem:s3], $0x80, $0x38;
	[tilespmem:$0xA200] =	vst v63  }
0xaa: {  	s7 =	simm.s32 $0x5680;
	s3 =	sld [smem:$0x7EC]  }
0xab: {  	[tilespmem:s7], [sflag:$0x1] =	stream.linear.gather [spmem:s6], $0x80, $0x38;
	[tilespmem:$0xA200] =	vst v63  }
0xac: {  	s5 =	simm.s32 $0x5A80;
	s6 =	sld [smem:$0x7ED]  }
0xad: {  	[tilespmem:s5], [sflag:$0x1] =	stream.linear.gather [spmem:s3], $0x80, $0x38;
	[tilespmem:$0xA200] =	vst v63  }
0xae: {  	s7 =	simm.s32 $0x5E80;
	s3 =	sld [smem:$0x7EE]  }
0xaf: {  	[tilespmem:s7], [sflag:$0x1] =	stream.linear.gather [spmem:s6], $0x80, $0x38;
	[tilespmem:$0xA200] =	vst v63  }
0xb0: {  	s5 =	simm.s32 $0x6280  }
0xb1: {  	[tilespmem:s5], [sflag:$0x1] =	stream.linear.gather [spmem:s3], $0x80, $0x38;
	[tilespmem:$0xA200] =	vst v63  }
0xb2: {  	_ =	swait.ge [sflag:s30], $0x280  }
0xb3: {  	[sflag:s30] =	ssyncset.done $0x0;
	s6 =	rddreg [dreg:$0xc]  }
0xb4: {  	s7 =	simm.s32 $0x5300;
	s3 =	sld [smem:$0x7EF];
	[sflag:s30] =	ssyncadd.s32 $0xFFFFFD80  }
0xb5: {  	[tilespmem:s7], [sflag:$0x1] =	stream.linear.gather [spmem:s6], $0x80, $0x38;
	[tilespmem:$0xA200] =	vst v63  }
0xb6: {  	s5 =	simm.s32 $0x5700;
	s6 =	sld [smem:$0x7F0]  }
0xb7: {  	[tilespmem:s5], [sflag:$0x1] =	stream.linear.gather [spmem:s3], $0x80, $0x38;
	[tilespmem:$0xA200] =	vst v63  }
0xb8: {  	s7 =	simm.s32 $0x5B00;
	s3 =	sld [smem:$0x7F1]  }
0xb9: {  	[tilespmem:s7], [sflag:$0x1] =	stream.linear.gather [spmem:s6], $0x80, $0x38;
	[tilespmem:$0xA200] =	vst v63  }
0xba: {  	s5 =	simm.s32 $0x5F00;
	s6 =	sld [smem:$0x7F2]  }
0xbb: {  	[tilespmem:s5], [sflag:$0x1] =	stream.linear.gather [spmem:s3], $0x80, $0x38;
	[tilespmem:$0xA200] =	vst v63  }
0xbc: {  	s7 =	simm.s32 $0x6300  }
0xbd: {  	[tilespmem:s7], [sflag:$0x1] =	stream.linear.gather [spmem:s6], $0x80, $0x38;
	[tilespmem:$0xA200] =	vst v63  }
0xbe: {  	_ =	swait.ge [sflag:s30], $0x280  }
0xbf: {  	[sflag:s30] =	ssyncset.done $0x0;
	s3 =	rddreg [dreg:$0xd]  }
0xc0: {  	s5 =	simm.s32 $0x6380;
	s6 =	sld [smem:$0x7F3];
	[sflag:s30] =	ssyncadd.s32 $0xFFFFFD80  }
0xc1: {  	[tilespmem:s5], [sflag:$0x1] =	stream.linear.gather [spmem:s3], $0x80, $0x38;
	[tilespmem:$0xA200] =	vst v63  }
0xc2: {  	s7 =	simm.s32 $0x6780;
	s3 =	sld [smem:$0x7F4]  }
0xc3: {  	[tilespmem:s7], [sflag:$0x1] =	stream.linear.gather [spmem:s6], $0x80, $0x38;
	[tilespmem:$0xA200] =	vst v63  }
0xc4: {  	s5 =	simm.s32 $0x6B80;
	s6 =	sld [smem:$0x7F5]  }
0xc5: {  	[tilespmem:s5], [sflag:$0x1] =	stream.linear.gather [spmem:s3], $0x80, $0x38;
	[tilespmem:$0xA200] =	vst v63  }
0xc6: {  	s7 =	simm.s32 $0x6F80;
	s3 =	sld [smem:$0x7F6]  }
0xc7: {  	[tilespmem:s7], [sflag:$0x1] =	stream.linear.gather [spmem:s6], $0x80, $0x38;
	[tilespmem:$0xA200] =	vst v63  }
0xc8: {  	s5 =	simm.s32 $0x7380  }
0xc9: {  	[tilespmem:s5], [sflag:$0x1] =	stream.linear.gather [spmem:s3], $0x80, $0x38;
	[tilespmem:$0xA200] =	vst v63  }
0xca: {  	_ =	swait.ge [sflag:s30], $0x280  }
0xcb: {  	[sflag:s30] =	ssyncset.done $0x0;
	s6 =	rddreg [dreg:$0xe]  }
0xcc: {  	s7 =	simm.s32 $0x6400;
	s3 =	sld [smem:$0x7F7];
	[sflag:s30] =	ssyncadd.s32 $0xFFFFFD80  }
0xcd: {  	[tilespmem:s7], [sflag:$0x1] =	stream.linear.gather [spmem:s6], $0x80, $0x38;
	[tilespmem:$0xA200] =	vst v63  }
0xce: {  	s5 =	simm.s32 $0x6800;
	s6 =	sld [smem:$0x7F8]  }
0xcf: {  	[tilespmem:s5], [sflag:$0x1] =	stream.linear.gather [spmem:s3], $0x80, $0x38;
	[tilespmem:$0xA200] =	vst v63  }
0xd0: {  	s7 =	simm.s32 $0x6C00;
	s3 =	sld [smem:$0x7F9]  }
0xd1: {  	[tilespmem:s7], [sflag:$0x1] =	stream.linear.gather [spmem:s6], $0x80, $0x38;
	[tilespmem:$0xA200] =	vst v63  }
0xd2: {  	s5 =	simm.s32 $0x7000;
	s6 =	sld [smem:$0x7FA]  }
0xd3: {  	[tilespmem:s5], [sflag:$0x1] =	stream.linear.gather [spmem:s3], $0x80, $0x38;
	[tilespmem:$0xA200] =	vst v63  }
0xd4: {  	s7 =	simm.s32 $0x7400  }
0xd5: {  	[tilespmem:s7], [sflag:$0x1] =	stream.linear.gather [spmem:s6], $0x80, $0x38;
	[tilespmem:$0xA200] =	vst v63  }
0xd6: {  	_ =	swait.ge [sflag:s30], $0x280  }
0xd7: {  	[sflag:s30] =	ssyncset.done $0x0;
	s3 =	rddreg [dreg:$0xf]  }
0xd8: {  	s5 =	simm.s32 $0x6480;
	s6 =	sld [smem:$0x7FB];
	[sflag:s30] =	ssyncadd.s32 $0xFFFFFD80  }
0xd9: {  	[tilespmem:s5], [sflag:$0x1] =	stream.linear.gather [spmem:s3], $0x80, $0x38;
	[tilespmem:$0xA200] =	vst v63  }
0xda: {  	s7 =	simm.s32 $0x6880;
	s3 =	sld [smem:$0x7FC]  }
0xdb: {  	[tilespmem:s7], [sflag:$0x1] =	stream.linear.gather [spmem:s6], $0x80, $0x38;
	[tilespmem:$0xA200] =	vst v63  }
0xdc: {  	s5 =	simm.s32 $0x6C80;
	s6 =	sld [smem:$0x7FD]  }
0xdd: {  	[tilespmem:s5], [sflag:$0x1] =	stream.linear.gather [spmem:s3], $0x80, $0x38;
	[tilespmem:$0xA200] =	vst v63  }
0xde: {  	s7 =	simm.s32 $0x7080  }
0xdf: {  	[tilespmem:s7], [sflag:$0x1] =	stream.linear.gather [spmem:s6], $0x80, $0x38;
	[tilespmem:$0xA200] =	vst v63  }
0xe0: {  	s5 =	simm.s32 $0x7480  }
0xe1: {  	[tilespmem:s5], [sflag:$0x1] =	stream.linear.gather [spmem:s8], $0x80, $0x38;
	[tilespmem:$0xA200] =	vst v63  }
0xe2: {  	_ =	swait.ge [sflag:s30], $0x280  }
0xe3: {  	[sflag:s30] =	ssyncset.done $0x0  }
0xe4: {  	s7 =	simm.s32 $0x6500;
	s6 =	rddreg [dreg:$0x10];
	[sflag:s30] =	ssyncadd.s32 $0xFFFFFD80  }
0xe5: {  	[tilespmem:s7], [sflag:$0x1] =	stream.linear.gather [spmem:s6], $0x80, $0x38;
	[tilespmem:$0xA200] =	vst v63  }
0xe6: {  	s3 =	simm.s32 $0x6900  }
0xe7: {  	[tilespmem:s3], [sflag:$0x1] =	stream.linear.gather [spmem:s9], $0x80, $0x38;
	[tilespmem:$0xA200] =	vst v63  }
0xe8: {  	s5 =	simm.s32 $0x6D00  }
0xe9: {  	[tilespmem:s5], [sflag:$0x1] =	stream.linear.gather [spmem:s10], $0x80, $0x38;
	[tilespmem:$0xA200] =	vst v63  }
0xea: {  	s6 =	simm.s32 $0x7100  }
0xeb: {  	[tilespmem:s6], [sflag:$0x1] =	stream.linear.gather [spmem:s11], $0x80, $0x38;
	[tilespmem:$0xA200] =	vst v63  }
0xec: {  	s7 =	simm.s32 $0x7500  }
0xed: {  	[tilespmem:s7], [sflag:$0x1] =	stream.linear.gather [spmem:s12], $0x80, $0x38;
	[tilespmem:$0xA200] =	vst v63  }
0xee: {  	_ =	swait.ge [sflag:s30], $0x280  }
0xef: {  	[sflag:s30] =	ssyncset.done $0x0  }
0xf0: {  	s5 =	simm.s32 $0x6580;
	s3 =	rddreg [dreg:$0x11];
	[sflag:s30] =	ssyncadd.s32 $0xFFFFFD80  }
0xf1: {  	[tilespmem:s5], [sflag:$0x1] =	stream.linear.gather [spmem:s3], $0x80, $0x38;
	[tilespmem:$0xA200] =	vst v63  }
0xf2: {  	s6 =	simm.s32 $0x6980  }
0xf3: {  	[tilespmem:s6], [sflag:$0x1] =	stream.linear.gather [spmem:s13], $0x80, $0x38;
	[tilespmem:$0xA200] =	vst v63  }
0xf4: {  	s7 =	simm.s32 $0x6D80  }
0xf5: {  	[tilespmem:s7], [sflag:$0x1] =	stream.linear.gather [spmem:s14], $0x80, $0x38;
	[tilespmem:$0xA200] =	vst v63  }
0xf6: {  	s3 =	simm.s32 $0x7180  }
0xf7: {  	[tilespmem:s3], [sflag:$0x1] =	stream.linear.gather [spmem:s15], $0x80, $0x38;
	[tilespmem:$0xA200] =	vst v63  }
0xf8: {  	s5 =	simm.s32 $0x7580  }
0xf9: {  	[tilespmem:s5], [sflag:$0x1] =	stream.linear.gather [spmem:s16], $0x80, $0x38;
	[tilespmem:$0xA200] =	vst v63  }
0xfa: {  	_ =	swait.ge [sflag:s30], $0x280  }
0xfb: {  	[sflag:s30] =	ssyncset.done $0x0  }
0xfc: {  	s7 =	simm.s32 $0x6600;
	s6 =	rddreg [dreg:$0x12];
	[sflag:s30] =	ssyncadd.s32 $0xFFFFFD80  }
0xfd: {  	[tilespmem:s7], [sflag:$0x1] =	stream.linear.gather [spmem:s6], $0x80, $0x38;
	[tilespmem:$0xA200] =	vst v63  }
0xfe: {  	s3 =	simm.s32 $0x6A00  }
0xff: {  	[tilespmem:s3], [sflag:$0x1] =	stream.linear.gather [spmem:s17], $0x80, $0x38;
	[tilespmem:$0xA200] =	vst v63  }
0x100: {  	s5 =	simm.s32 $0x6E00  }
0x101: {  	[tilespmem:s5], [sflag:$0x1] =	stream.linear.gather [spmem:s18], $0x80, $0x38;
	[tilespmem:$0xA200] =	vst v63  }
0x102: {  	s6 =	simm.s32 $0x7200  }
0x103: {  	[tilespmem:s6], [sflag:$0x1] =	stream.linear.gather [spmem:s19], $0x80, $0x38;
	[tilespmem:$0xA200] =	vst v63  }
0x104: {  	s7 =	simm.s32 $0x7600  }
0x105: {  	[tilespmem:s7], [sflag:$0x1] =	stream.linear.gather [spmem:s20], $0x80, $0x38;
	[tilespmem:$0xA200] =	vst v63  }
0x106: {  	_ =	swait.ge [sflag:s30], $0x280  }
0x107: {  	[sflag:s30] =	ssyncset.done $0x0  }
0x108: {  	s5 =	simm.s32 $0x6680;
	s3 =	rddreg [dreg:$0x13];
	[sflag:s30] =	ssyncadd.s32 $0xFFFFFD80  }
0x109: {  	[tilespmem:s5], [sflag:$0x1] =	stream.linear.gather [spmem:s3], $0x80, $0x38;
	[tilespmem:$0xA200] =	vst v63  }
0x10a: {  	s6 =	simm.s32 $0x6A80  }
0x10b: {  	[tilespmem:s6], [sflag:$0x1] =	stream.linear.gather [spmem:s21], $0x80, $0x38;
	[tilespmem:$0xA200] =	vst v63  }
0x10c: {  	s7 =	simm.s32 $0x6E80  }
0x10d: {  	[tilespmem:s7], [sflag:$0x1] =	stream.linear.gather [spmem:s22], $0x80, $0x38;
	[tilespmem:$0xA200] =	vst v63  }
0x10e: {  	s3 =	simm.s32 $0x7280  }
0x10f: {  	[tilespmem:s3], [sflag:$0x1] =	stream.linear.gather [spmem:s23], $0x80, $0x38;
	[tilespmem:$0xA200] =	vst v63  }
0x110: {  	s5 =	simm.s32 $0x7680  }
0x111: {  	[tilespmem:s5], [sflag:$0x1] =	stream.linear.gather [spmem:s24], $0x80, $0x38;
	[tilespmem:$0xA200] =	vst v63  }
0x112: {  	_ =	swait.ge [sflag:s30], $0x280  }
0x113: {  	[sflag:s30] =	ssyncset.done $0x0  }
0x114: {  	s7 =	simm.s32 $0x6700;
	s6 =	rddreg [dreg:$0x14];
	[sflag:s30] =	ssyncadd.s32 $0xFFFFFD80  }
0x115: {  	[tilespmem:s7], [sflag:$0x1] =	stream.linear.gather [spmem:s6], $0x80, $0x38;
	[tilespmem:$0xA200] =	vst v63  }
0x116: {  	s5 =	simm.s32 $0x6B00  }
0x117: {  	[tilespmem:s5], [sflag:$0x1] =	stream.linear.gather [spmem:s25], $0x80, $0x38;
	[tilespmem:$0xA200] =	vst v63  }
0x118: {  	s6 =	simm.s32 $0x6F00  }
0x119: {  	[tilespmem:s6], [sflag:$0x1] =	stream.linear.gather [spmem:s26], $0x80, $0x38;
	[tilespmem:$0xA200] =	vst v63  }
0x11a: {  	s7 =	simm.s32 $0x7300  }
0x11b: {  	[tilespmem:s7], [sflag:$0x1] =	stream.linear.gather [spmem:s28], $0x80, $0x38;
	[tilespmem:$0xA200] =	vst v63  }
0x11c: {  	s3 =	simm.s32 $0x7700  }
0x11d: {  	[tilespmem:s3], [sflag:$0x1] =	stream.linear.gather [spmem:s29], $0x80, $0x38;
	[tilespmem:$0xA200] =	vst v63  }
0x11e: {  	s5 =	simm.s32 $0x0;
	_ =	swait.ge [sflag:s30], $0x280  }
0x11f: {  	s1 =	sand.u32 $0x1C00, s5;
	s6 =	sand.u32 $0x70, s5;
	[sflag:s30] =	ssyncset.done $0x0  }
0x120: {  	s1 =	sor.u32 s6, s1;
	[sflag:s30] =	ssyncadd.s32 $0xFFFFFD80  }
0x121: {  	v2 =	vld [tilespmem:s1+$0x5000]  }
0x122: {  	v3 =	vld [tilespmem:s1+$0x4F80];
	_ =	sdelay $0x1  }
0x123: {  	v4 =	vld [tilespmem:s1+$0x5080];
	_ =	sdelay $0x1  }
0x124: {  	v5 =	vld [tilespmem:s1+$0x5100]  }
0x125: {  	v2 =	vadd.f32 v2, v3  }
0x126: {  	v3 =	vld [tilespmem:s1+$0x5180]  }
0x127: {  	v2 =	vadd.f32 v4, v2  }
0x128: {  	v56 =	vld [tilespmem:s1+$0x5200]  }
0x129: {  	v2 =	vadd.f32 v5, v2  }
0x12a: {  	v57 =	vld [tilespmem:s1+$0x5280]  }
0x12b: {  	v2 =	vadd.f32 v3, v2  }
0x12c: {  	v3 =	vld [tilespmem:s1+$0x5300]  }
0x12d: {  	v2 =	vadd.f32 v56, v2  }
0x12e: {  	v58 =	vld [tilespmem:s1+$0x6380]  }
0x12f: {  	v2 =	vadd.f32 v57, v2  }
0x130: {  	v59 =	vld [tilespmem:s1+$0x6400]  }
0x131: {  	v2 =	vadd.f32 v3, v2  }
0x132: {  	v3 =	vld [tilespmem:s1+$0x6480]  }
0x133: {  	v2 =	vadd.f32 v58, v2  }
0x134: {  	v60 =	vld [tilespmem:s1+$0x6500]  }
0x135: {  	v2 =	vadd.f32 v59, v2  }
0x136: {  	v61 =	vld [tilespmem:s1+$0x6580]  }
0x137: {  	v2 =	vadd.f32 v3, v2  }
0x138: {  	v3 =	vld [tilespmem:s1+$0x6600]  }
0x139: {  	v2 =	vadd.f32 v60, v2  }
0x13a: {  	v62 =	vld [tilespmem:s1+$0x6680]  }
0x13b: {  	v2 =	vadd.f32 v61, v2  }
0x13c: {  	v63 =	vld [tilespmem:s1+$0x6700]  }
0x13d: {  	v2 =	vadd.f32 v3, v2;
	_ =	sdelay $0x1  }
0x13e: {  	v2 =	vadd.f32 v62, v2;
	_ =	sdelay $0x1  }
0x13f: {  	s5 =	simm.s32 $0x80;
	s7 =	simm.s32 $0x10;
	v2 =	vadd.f32 v63, v2  }
0x140: {  	s6 =	sand.u32 $0x1C00, s5;
	s3 =	sand.u32 $0x70, s7;
	s1 =	simm.s32 $0x7780  }
0x141: {  	s3 =	sor.u32 s3, s6;
	s6 =	simm.s32 $0x20;
	[tilespmem:s1+$0x0] =	vst v2  }
.LBB2_6:
0x142: {  	p0 =	sne.s32 s6, $0x270;
	v2 =	vld [tilespmem:s3+$0x5000]  }
0x143: {  	v3 =	vld [tilespmem:s3+$0x4F80];
	_ =	sdelay $0x1  }
0x144: {  	v4 =	vld [tilespmem:s3+$0x5080];
	_ =	sdelay $0x1  }
0x145: {  	v5 =	vld [tilespmem:s3+$0x5100]  }
0x146: {  	v2 =	vadd.f32 v2, v3  }
0x147: {  	v3 =	vld [tilespmem:s3+$0x5180]  }
0x148: {  	v2 =	vadd.f32 v4, v2  }
0x149: {  	v4 =	vld [tilespmem:s3+$0x5200]  }
0x14a: {  	v2 =	vadd.f32 v5, v2  }
0x14b: {  	v5 =	vld [tilespmem:s3+$0x5280]  }
0x14c: {  	v2 =	vadd.f32 v3, v2  }
0x14d: {  	v3 =	vld [tilespmem:s3+$0x5300]  }
0x14e: {  	v2 =	vadd.f32 v4, v2  }
0x14f: {  	v4 =	vld [tilespmem:s3+$0x6380]  }
0x150: {  	v2 =	vadd.f32 v5, v2  }
0x151: {  	v5 =	vld [tilespmem:s3+$0x6400]  }
0x152: {  	v2 =	vadd.f32 v3, v2  }
0x153: {  	v3 =	vld [tilespmem:s3+$0x6480]  }
0x154: {  	v2 =	vadd.f32 v4, v2  }
0x155: {  	v4 =	vld [tilespmem:s3+$0x6500]  }
0x156: {  	v2 =	vadd.f32 v5, v2  }
0x157: {  	v5 =	vld [tilespmem:s3+$0x6580]  }
0x158: {  	v2 =	vadd.f32 v3, v2  }
0x159: {  	v3 =	vld [tilespmem:s3+$0x6600]  }
0x15a: {  	v2 =	vadd.f32 v4, v2  }
0x15b: {  	v4 =	vld [tilespmem:s3+$0x6680]  }
0x15c: {  	v2 =	vadd.f32 v5, v2  }
0x15d: {  	v5 =	vld [tilespmem:s3+$0x6700]  }
0x15e: {  	v2 =	vadd.f32 v3, v2;
	_ =	sdelay $0x1  }
.Ltmp2:
0x15f: {  	v2 =	vadd.f32 v4, v2;
	(pc) =	sbr.rel @p0 .LBB2_6-.Ltmp2, $4  }
0x160: {  	_ = 	snop  }
0x161: {  	s5 =	sadd.s32 $0x80, s5;
	v2 =	vadd.f32 v5, v2  }
0x162: {  	s1 =	sadd.s32 $0x10, s1;
	s7 =	sand.u32 $0x1C00, s5;
	s3 =	sand.u32 $0x70, s6  }
0x163: {  	s6 =	sadd.s32 $0x10, s6;
	s3 =	sor.u32 s3, s7;
	[tilespmem:s1+$0x0] =	vst v2  }
0x164: {  	v2 =	vld [tilespmem:s3+$0x5000]  }
0x165: {  	v3 =	vld [tilespmem:s3+$0x4F80];
	_ =	sdelay $0x1  }
0x166: {  	v4 =	vld [tilespmem:s3+$0x5080];
	_ =	sdelay $0x1  }
0x167: {  	v5 =	vld [tilespmem:s3+$0x5100]  }
0x168: {  	v2 =	vadd.f32 v2, v3  }
0x169: {  	v3 =	vld [tilespmem:s3+$0x5180]  }
0x16a: {  	v2 =	vadd.f32 v4, v2  }
0x16b: {  	v56 =	vld [tilespmem:s3+$0x5200]  }
0x16c: {  	v2 =	vadd.f32 v5, v2  }
0x16d: {  	v57 =	vld [tilespmem:s3+$0x5280]  }
0x16e: {  	v2 =	vadd.f32 v3, v2  }
0x16f: {  	v3 =	vld [tilespmem:s3+$0x5300]  }
0x170: {  	v2 =	vadd.f32 v56, v2  }
0x171: {  	v58 =	vld [tilespmem:s3+$0x6380]  }
0x172: {  	v2 =	vadd.f32 v57, v2  }
0x173: {  	v59 =	vld [tilespmem:s3+$0x6400]  }
0x174: {  	v2 =	vadd.f32 v3, v2  }
0x175: {  	v3 =	vld [tilespmem:s3+$0x6480]  }
0x176: {  	v2 =	vadd.f32 v58, v2  }
0x177: {  	v60 =	vld [tilespmem:s3+$0x6500]  }
0x178: {  	v2 =	vadd.f32 v59, v2  }
0x179: {  	v61 =	vld [tilespmem:s3+$0x6580]  }
0x17a: {  	v2 =	vadd.f32 v3, v2  }
0x17b: {  	v3 =	vld [tilespmem:s3+$0x6600]  }
0x17c: {  	v2 =	vadd.f32 v60, v2  }
0x17d: {  	v62 =	vld [tilespmem:s3+$0x6680]  }
0x17e: {  	v2 =	vadd.f32 v61, v2  }
0x17f: {  	v63 =	vld [tilespmem:s3+$0x6700]  }
0x180: {  	v2 =	vadd.f32 v3, v2;
	_ =	sdelay $0x1  }
0x181: {  	v2 =	vadd.f32 v62, v2;
	_ =	sdelay $0x1  }
0x182: {  	v2 =	vadd.f32 v63, v2  }
0x183: {  	s1 =	sadd.s32 $0x10, s1  }
0x184: {  	s6 =	simm.s32 $0x100;
	s5 =	simm.s32 $0x7780;
	s3 =	rddreg [dreg:$0x15];
	[tilespmem:s1+$0x0] =	vst v2  }
0x185: {  	[hbm4b:s3+s0] =	stream.strided.scatter [tilespmem:s5], [sflag:$0x1], $0x280, s6, s0, $0x38;
	[tilespmem:$0xA200] =	vst v63  }
0x186: {  	_ =	swait.ge [sflag:s30], $0x280  }
0x187: {  	s2 =	sadd.s32 $0x1, s2;
	s7 =	rddreg [dreg:$0x16]  }
0x188: {  	p0 =	sne.s32 s2, s7  }
.Ltmp3:
0x189: {  	_ = 	snop;
	(pc) =	sbr.rel @p0 .LBB2_1-.Ltmp3, $3  }
0x18a: {  	_ =	sdelay $0x1  }
0x18b: {  	[sflag:s30] =	ssyncset.done $0x0  }
0x18c: {  	[sflag:s30] =	ssyncadd.s32 $0xFFFFFD80  }
0x18d: {  	_ =	sfence.sel $0x180000  }
0x18e: {  	[bflag:$0x0] =	sbarrier.arrive $0xFFFF  }
0x18f: {  	_ =	strace $0x90000047  }
0x190: {  	s0 =	stileid.u32;
	[bflag:$0x2] =	sbarrier.arrive $0xFFFF  }
0x191: {  	p0 =	sne.s32 s0, $0x0;
	s0 =	rddreg [dreg:$0x3]  }
0x192: {  	s0 =	sadd.s32 @!p0 $0x100000, s0  }
0x193: {  	[sflag:s0] =	ssyncadd.tile.s32 @!p0 $0x1;
	_ =	shalt  }
.Lfunc_end2:
_tile_overlayer_lowered:
.L_overlay_start_2:
0x194: {  	(tag) =	ssettag $0x2  }
0x195: {  	s0 =	rddreg [dreg:$0x0];
	s2 =	stileid.u32  }
0x196: {  	s1 =	rddreg [dreg:$0x1];
	p0 =	sne.s32 s2, $0x0  }
0x197: {  	s3 =	rddreg [dreg:$0x2];
	[bflag:$0x3] =	sbarrier.arrive $0xFFFF;
	s2 =	simm.s32 @!p0 $0x1C01  }
0x198: {  	[timem:s3], [sflag:s2] =	dma.local @!p0 [hbm:s0], s1  }
0x199: {  	s0 =	simm.s32 @!p0 $0x1  }
0x19a: {  	_ =	swait.ge @!p0 [sflag:s0], s1  }
0x19b: {  	s1 =	ssub.s32 @!p0 $0x0, s1;
	[sflag:s0] =	ssyncset.done @!p0 $0x0  }
0x19c: {  	[sflag:s0] =	ssyncadd.s32 @!p0 s1  }
0x19d: {  	[bflag:$0x3] =	sbarrier.arrive $0xFFFF  }
0x19e: {  	_ =	shalt  }

// kernel: kernel.9.cloned.1.call-start
scs
__scs_entry_jumppad:
0x0: {  	(pc) =	sbr.rel $0x88, $3  }
0x1: {  	(tag) =	ssettag $0x0;
	lr =	simm.s32 $0x1  }
0x2: {  	[smem:$0x3F9C] =	sst lr;
	_ =	strace $0xD0000000  }
0x3: {  	_ = 	snop  }
0x4: {  	_ = 	snop  }
0x5: {  	_ = 	snop  }
0x6: {  	_ = 	snop  }
0x7: {  	_ = 	snop  }
__scs_overlays_trampoline_lowered:
0x8: {  	[smem:$0x3FAB] =	sst s0  }
0x9: {  	[smem:$0x3FAC] =	sst s1  }
0xa: {  	[smem:$0x3FAD] =	sst s2  }
0xb: {  	[smem:$0x3FAE] =	sst s3  }
0xc: {  	[smem:$0x3FAF] =	sst s4  }
0xd: {  	[smem:$0x3FB0] =	sst s5  }
0xe: {  	[smem:$0x3FB1] =	sst s6  }
0xf: {  	[smem:$0x3FB2] =	sst s7  }
0x10: {  	[smem:$0x3FB3] =	sst s8  }
0x11: {  	[smem:$0x3FB4] =	sst s9;
	s0 =	simm.s32 @!p0 $0x0  }
0x12: {  	s1 =	sld [smem:$0x3F9A];
	s0 =	simm.s32 @p0 $0x1  }
0x13: {  	[smem:$0x3FB5] =	sst s0;
	s0 =	simm.s32 @!p1 $0x0  }
0x14: {  	s2 =	sld [smem:$0x3F99];
	s0 =	simm.s32 @p1 $0x1  }
0x15: {  	[smem:$0x3FB6] =	sst s0;
	s0 =	simm.s32 @!p2 $0x0  }
0x16: {  	s3 =	sld [smem:$0x3FDB];
	s0 =	simm.s32 @p2 $0x1  }
0x17: {  	s4 =	simm.s32 $0x1BF5;
	[smem:$0x3FB8] =	sst s0  }
0x18: {  	s0 =	sld [smem:$0x3F9B];
	_ =	swait.ge [sflag:s4], $0x0  }
0x19: {  	s7 =	sld [smem:$0x3F9C]  }
0x1a: {  	s8 =	sadd.s32 $0xFFFFE003, lr  }
0x1b: {  	s9 =	sadd.s32 $0xFFFFFEF7, lr;
	s5 =	simm.s32 $0xFFFFFFFF;
	p2 =	slt.u32 s8, $0xFFFFF086  }
0x1c: {  	p1 =	slt.u32 s9, $0xF7A;
	s5 =	simm.s32 @!p2 $0x0  }
0x1d: {  	s5 =	simm.s32 @p1 $0x1;
	p0 =	seq.s32 s7, s2  }
0x1e: {  	s7 =	smul.u32 @!p0 $0xF7A, s2;
	p2 =	seq.s32 @!p0 s5, $0x0  }
0x1f: {  	s9 =	smul.u32 $0xF7A, s1;
	s8 =	simm.s32 @!p0 $0x1BF5;
	p2 =	por !p2, p0  }
0x20: {  	[sflag:s8] =	ssyncset.s32 @!p0 $0xFFFFF086;
	s6 =	sadd.s32 @!p0 s3, s7;
	s7 =	simm.s32 @!p0 $0x108  }
0x21: {  	s3 =	sadd.s32 s3, s9;
	s6 =	sadd.s32 @!p0 $0x88, s6;
	s7 =	simm.s32 @p2 $0x1082  }
0x22: {  	[simem:s7], [sflag:s8] =	dma.local @!p0 [hbm:s6], $0xF7A  }
0x23: {  	s9 =	sor.u32 $0xD0000000, s2;
	s6 =	simm.s32 $0x108;
	_ =	swait.ge @!p0 [sflag:s8], $0x0  }
0x24: {  	s3 =	sadd.s32 $0x88, s3;
	s6 =	simm.s32 @!p1 $0x1082;
	[sflag:s4] =	ssyncset.s32 $0xFFFFF086  }
0x25: {  	[simem:s6], [sflag:s4] =	dma.local [hbm:s3], $0xF7A  }
0x26: {  	[smem:$0x3F9C] =	sst s1;
	(tag) =	ssettag s2;
	_ =	strace s9  }
0x27: {  	s1 =	sld [smem:$0x3FAC]  }
0x28: {  	s2 =	sld [smem:$0x3FAD]  }
0x29: {  	s4 =	sld [smem:$0x3FAF]  }
0x2a: {  	p0 =	seq.s32 s5, $0x0;
	s5 =	sld [smem:$0x3FB0]  }
0x2b: {  	s6 =	sld [smem:$0x3FB1]  }
0x2c: {  	s7 =	sld [smem:$0x3FB2]  }
0x2d: {  	s3 =	simm.s32 $0x108;
	s8 =	sld [smem:$0x3FB3]  }
0x2e: {  	s3 =	simm.s32 @!p0 $0x1082;
	s9 =	sld [smem:$0x3FB4]  }
0x2f: {  	lr =	sadd.s32 s0, s3;
	s0 =	sld [smem:$0x3FAB]  }
0x30: {  	s3 =	sld [smem:$0x3FAE]  }
0x31: {  	[smem:$0x3FB7] =	sst s10  }
0x32: {  	s10 =	sld [smem:$0x3FB5];
	_ =	sdelay $0x3  }
0x33: {  	p0 =	seq.s32 s10, $0x1;
	s10 =	sld [smem:$0x3FB7];
	_ =	sdelay $0x3  }
0x34: {  	[smem:$0x3FB7] =	sst s10  }
0x35: {  	s10 =	sld [smem:$0x3FB6];
	_ =	sdelay $0x3  }
0x36: {  	p1 =	seq.s32 s10, $0x1;
	s10 =	sld [smem:$0x3FB7];
	_ =	sdelay $0x3  }
0x37: {  	[smem:$0x3FB7] =	sst s10  }
0x38: {  	s10 =	sld [smem:$0x3FB8]  }
0x39: {  	_ = 	snop;
	(pc) =	sbr.ind lr, $3  }
0x3a: {  	_ = 	snop  }
0x3b: {  	_ = 	snop  }
0x3c: {  	p2 =	seq.s32 s10, $0x1;
	s10 =	sld [smem:$0x3FB7]  }
0x3d: {  	_ =	shalt  }
0x3e: {  	_ =	shalt  }
0x3f: {  	_ =	shalt  }
0x40: {  	_ =	shalt  }
0x41: {  	_ =	shalt  }
0x42: {  	_ =	shalt  }
0x43: {  	_ =	shalt  }
0x44: {  	_ =	shalt  }
0x45: {  	_ =	shalt  }
0x46: {  	_ =	shalt  }
0x47: {  	_ =	shalt  }
0x48: {  	_ =	shalt  }
0x49: {  	_ =	shalt  }
0x4a: {  	_ =	shalt  }
0x4b: {  	_ =	shalt  }
0x4c: {  	_ =	shalt  }
0x4d: {  	_ =	shalt  }
0x4e: {  	_ =	shalt  }
0x4f: {  	_ =	shalt  }
0x50: {  	_ =	shalt  }
0x51: {  	_ =	shalt  }
0x52: {  	_ =	shalt  }
0x53: {  	_ =	shalt  }
0x54: {  	_ =	shalt  }
0x55: {  	_ =	shalt  }
0x56: {  	_ =	shalt  }
0x57: {  	_ =	shalt  }
0x58: {  	_ =	shalt  }
0x59: {  	_ =	shalt  }
0x5a: {  	_ =	shalt  }
0x5b: {  	_ =	shalt  }
0x5c: {  	_ =	shalt  }
0x5d: {  	_ =	shalt  }
0x5e: {  	_ =	shalt  }
0x5f: {  	_ =	shalt  }
0x60: {  	_ =	shalt  }
0x61: {  	_ =	shalt  }
0x62: {  	_ =	shalt  }
0x63: {  	_ =	shalt  }
0x64: {  	_ =	shalt  }
0x65: {  	_ =	shalt  }
0x66: {  	_ =	shalt  }
0x67: {  	_ =	shalt  }
0x68: {  	_ =	shalt  }
0x69: {  	_ =	shalt  }
0x6a: {  	_ =	shalt  }
0x6b: {  	_ =	shalt  }
0x6c: {  	_ =	shalt  }
0x6d: {  	_ =	shalt  }
0x6e: {  	_ =	shalt  }
0x6f: {  	_ =	shalt  }
0x70: {  	_ =	shalt  }
0x71: {  	_ =	shalt  }
0x72: {  	_ =	shalt  }
0x73: {  	_ =	shalt  }
0x74: {  	_ =	shalt  }
0x75: {  	_ =	shalt  }
0x76: {  	_ =	shalt  }
0x77: {  	_ =	shalt  }
0x78: {  	_ =	shalt  }
0x79: {  	_ =	shalt  }
0x7a: {  	_ =	shalt  }
0x7b: {  	_ =	shalt  }
0x7c: {  	_ =	shalt  }
0x7d: {  	_ =	shalt  }
0x7e: {  	_ =	shalt  }
0x7f: {  	_ =	shalt  }
0x80: {  	_ =	shalt  }
0x81: {  	_ =	shalt  }
0x82: {  	_ =	shalt  }
0x83: {  	_ =	shalt  }
0x84: {  	_ =	shalt  }
0x85: {  	_ =	shalt  }
0x86: {  	_ =	shalt  }
0x87: {  	_ =	shalt  }
.Lfunc_end0:
.L_simem_size_0:
called_computation.1_lowered:
.L_overlay_start_0:
0x88: {  	s2 =	sld [smem:$0x3FD9]  }
0x89: {  	s3 =	sld [smem:$0x3FFE];
	_ =	sdelay $0x1  }
0x8a: {  	s1 =	srdreg.scid  }
0x8b: {  	s0 =	sand.u32 $0x1, s1  }
0x8c: {  	s17 =	sshll.u32 s0, $0xA;
	s2 =	sadd.s32 s3, s2  }
0x8d: {  	s2 =	sadd.s32 s2, s17  }
0x8e: {  	[smem:$0x3FC3] =	sst s2  }
0x8f: {  	_ = 	snop  }
0x90: {  	s2 =	sld [smem:$0x3FD0];
	(tm) =	ssettm $0x1  }
0x91: {  	s18 =	sld [smem:$0x3FFB];
	_ =	sdelay $0x3  }
0x92: {  	_ =	strace s18  }
0x93: {  	s3 =	sld [smem:$0x3FFC];
	_ =	sdelay $0x3  }
0x94: {  	_ =	strace s3  }
0x95: {  	s3 =	sld [smem:$0x3FFD];
	_ =	sdelay $0x3  }
0x96: {  	_ =	strace s3  }
0x97: {  	_ =	strace $0x8FFFFFFF  }
0x98: {  	s19 =	sld [smem:$0x3FDB];
	_ =	sdelay $0x1  }
0x99: {  	s4 =	simm.s32 $_scs_section_size  }
0x9a: {  	s5 =	simm.s32 $_size__tile_overlayer_lowered;
	s6 =	simm.s32 $_tile_overlayer_lowered  }
0x9b: {  	s22 =	simm.s32 $0x1BFF;
	s21 =	sshll.u32 s6, $0x1;
	s3 =	sadd.s32 s4, s19  }
0x9c: {  	s7 =	simm.s32 $0x0;
	s20 =	sshll.u32 s5, $0x1;
	s5 =	sadd.s32 s21, s3  }
0x9d: {  	[timem:s7], [sflag:s22] =	dma.local [hbm:s5], s20  }
0x9e: {  	_ =	swait.ge [sflag:s22], s20  }
0x9f: {  	s4 =	ssub.s32 $0x0, s20;
	[sflag:s22] =	ssyncset.done $0x0  }
0xa0: {  	[sflag:s22] =	ssyncadd.s32 s4;
	_ =	sdelay $0x1  }
0xa1: {  	s23 =	simm.s32 $0x1B8B  }
0xa2: {  	_ =	swait.ge [sflag:s23], $0x1  }
0xa3: {  	[sflag:s23] =	ssyncset.done $0x0  }
0xa4: {  	s25 =	simm.s32 $0x1B8E;
	s24 =	sld [smem:$0x3FFE];
	[sflag:s23] =	ssyncadd.s32 $0xFFFFFFFF  }
0xa5: {  	s26 =	simm.s32 $execute0_lowered;
	[smem:$0x3FD2] =	sst s25  }
0xa6: {  	s5 =	sshll.u32 s26, $0x1;
	_ =	strace $0x80000049;
	[dreg:$0x1] =	wrdreg $0xFFFFFFFF  }
0xa7: {  	s28 =	simm.s32 $_size_execute0_lowered;
	s3 =	sadd.s32 s3, s5;
	[dreg:$0x0] =	wrdreg $0x0  }
0xa8: {  	s5 =	sshll.u32 s28, $0x1;
	[dreg:$0x2] =	wrdreg s3  }
0xa9: {  	[dreg:$0x3] =	wrdreg s5  }
0xaa: {  	[dreg:$0x4] =	wrdreg $0xC0  }
0xab: {  	_ =	task [dreg:s7], $0x5FFFF  }
0xac: {  	[dreg:$0x1] =	wrdreg $0xFFFFFFFF  }
0xad: {  	[dreg:$0x0] =	wrdreg $0x60  }
0xae: {  	[dreg:$0x2] =	wrdreg s24  }
0xaf: {  	[dreg:$0x3] =	wrdreg s2  }
0xb0: {  	[dreg:$0x4] =	wrdreg $0x49000  }
0xb1: {  	[dreg:$0x5] =	wrdreg $0x9  }
0xb2: {  	_ =	task.clear_ibuf [dreg:s7], $0x6FFFF;
	_ =	strace $0x90000049  }
0xb3: {  	s29 =	simm.s32 $0x9;
	_ =	strace $0x8000004B  }
0xb4: {  	_ =	swait.ge [sflag:s29], $0x1  }
0xb5: {  	[sflag:s29] =	ssyncadd.s32 $0xFFFFFFFF  }
0xb6: {  	_ =	strace $0x9000004B  }
0xb7: {  	_ =	sfence  }
0xb8: {  	s30 =	sld [smem:$0x0];
	_ =	sdelay $0x2  }
0xb9: {  	s31 =	sshll.u32 s1, $0xD;
	s1 =	sshrl.u32 s1, $0x2  }
0xba: {  	s3 =	sand.u32 $0x4000, s31;
	s1 =	sadd.s32 s1, s30  }
0xbb: {  	s0 =	sor.u32 s3, s0;
	s1 =	sshll.u32 s1, $0x11  }
0xbc: {  	s0 =	sor.u32 s1, s0  }
0xbd: {  	s0 =	sadd.s32 $0x8F2B, s0  }
0xbe: {  	[sflag:s0] =	ssyncadd.remote.s32 $0x1  }
0xbf: {  	_ =	sfence.sel $0xFFFF  }
0xc0: {  	[dreg:$0x0] =	wrdreg $0xFFFFFFFF;
	(pc) =	sbr.abs _section_cstart, $3  }
0xc1: {  	[dreg:$0x1] =	wrdreg $0xFFFFFFFF  }
0xc2: {  	_ =	task.clear_ibuf [dreg:s7], $0x2FFFF;
	_ =	strace $0x9FFFFFFF  }
0xc3: {  	(tm) =	ssettm $0x7FFFFFFF  }
tec
execute0_lowered:
.L_overlay_start_1:
0x0: {  	(tag) =	ssettag $0x1  }
0x1: {  	s5 =	rddreg [dreg:$0x0]  }
0x2: {  	s7 =	rddreg [dreg:$0x1];
	s2 =	srdreg.scid  }
0x3: {  	s1 =	rddreg [dreg:$0x2];
	s6 =	sand.u32 $0x1, s2  }
0x4: {  	s2 =	stileid.u32;
	s8 =	smul.u32 $0x140000, s6  }
0x5: {  	s0 =	rddreg [dreg:$0x3];
	s3 =	simm.s32 $0x0;
	s9 =	smul.u32 $0x14000, s2  }
0x6: {  	s17 =	simm.s32 $0x0;
	[smem:$0x7FF] =	sst s3;
	s10 =	smul.u32 $0x9E0, s2  }
0x7: {  	s4 =	sadd.s32 $0xBE00, s5;
	_ =	strace $0x8000004A;
	s26 =	smul.u32 $0x50000, s2  }
0x8: {  	s12 =	ssub.s32 $0x2, s6;
	s14 =	smul.u32 $0x4F0, s6;
	s15 =	sshll.u32 s2, $0x6  }
0x9: {  	s13 =	sshrl.u32 s12, $0x1;
	s15 =	sor.u32 $0x1C02, s15;
	s8 =	sadd.s32 s9, s8  }
0xa: {  	s11 =	sadd.s32 s10, s5;
	s9 =	sshrl.u32 s26, $0x2;
	s29 =	ssub.s32 s12, s13  }
0xb: {  	s30 =	sadd.s32 s10, s7;
	s10 =	simm.s32 $0x4100;
	s12 =	simm.s32 $0x80  }
0xc: {  	s13 =	simm.s32 $0x100;
	s8 =	sshrl.u32 s8, $0x3;
	s31 =	sadd.s32 s14, s11  }
0xd: {  	s7 =	smax.u32 s29, $0x1;
	s11 =	simm.s32 $0x2;
	s28 =	sadd.s32 s8, s5  }
0xe: {  	s5 =	sadd.s32 s9, s1;
	s8 =	sadd.s32 s14, s30;
	s9 =	sadd.s32 $0x2000, s31  }
0xf: {  	v0 =	vimm.f32 $0.0e+00;
	s14 =	simm.s32 $0x1;
	s6 =	sadd.s32 $0x33E00, s28;
	s16 =	sshrl.u32 s5, $0x3  }
.LBB2_1:
0x10: {  	[tilespmem:$0x4100] =	vst v0  }
0x11: {  	[tilespmem:$0x4110] =	vst v0  }
0x12: {  	[tilespmem:$0x4120] =	vst v0  }
0x13: {  	[tilespmem:$0x4130] =	vst v0  }
0x14: {  	[tilespmem:$0x4140] =	vst v0  }
0x15: {  	[tilespmem:$0x4150] =	vst v0  }
0x16: {  	[tilespmem:$0x4160] =	vst v0  }
0x17: {  	[tilespmem:$0x4170] =	vst v0  }
0x18: {  	[tilespmem:$0x4180] =	vst v0  }
0x19: {  	[tilespmem:$0x4190] =	vst v0  }
0x1a: {  	[tilespmem:$0x41A0] =	vst v0  }
0x1b: {  	[tilespmem:$0x41B0] =	vst v0  }
0x1c: {  	[tilespmem:$0x41C0] =	vst v0  }
0x1d: {  	[tilespmem:$0x41D0] =	vst v0  }
0x1e: {  	[tilespmem:$0x41E0] =	vst v0  }
0x1f: {  	[tilespmem:$0x41F0] =	vst v0  }
0x20: {  	[tilespmem:$0x4200] =	vst v0  }
0x21: {  	[tilespmem:$0x4210] =	vst v0  }
0x22: {  	[tilespmem:$0x4220] =	vst v0  }
0x23: {  	[tilespmem:$0x4230] =	vst v0  }
0x24: {  	[tilespmem:$0x4240] =	vst v0  }
0x25: {  	[tilespmem:$0x4250] =	vst v0  }
0x26: {  	[tilespmem:$0x4260] =	vst v0  }
0x27: {  	[tilespmem:$0x4270] =	vst v0  }
0x28: {  	[tilespmem:$0x4280] =	vst v0  }
0x29: {  	[tilespmem:$0x4290] =	vst v0  }
0x2a: {  	[tilespmem:$0x42A0] =	vst v0  }
0x2b: {  	[tilespmem:$0x42B0] =	vst v0  }
0x2c: {  	[tilespmem:$0x42C0] =	vst v0  }
0x2d: {  	[tilespmem:$0x42D0] =	vst v0  }
0x2e: {  	[tilespmem:$0x42E0] =	vst v0  }
0x2f: {  	[tilespmem:$0x42F0] =	vst v0  }
0x30: {  	[tilespmem:$0x4300] =	vst v0  }
0x31: {  	[tilespmem:$0x4310] =	vst v0  }
0x32: {  	[tilespmem:$0x4320] =	vst v0  }
0x33: {  	[tilespmem:$0x4330] =	vst v0  }
0x34: {  	[tilespmem:$0x4340] =	vst v0  }
0x35: {  	[tilespmem:$0x4350] =	vst v0  }
0x36: {  	[tilespmem:$0x4360] =	vst v0  }
0x37: {  	[tilespmem:$0x4370] =	vst v0  }
0x38: {  	[tilespmem:$0x4380] =	vst v0  }
0x39: {  	[tilespmem:$0x4390] =	vst v0  }
0x3a: {  	[tilespmem:$0x43A0] =	vst v0  }
0x3b: {  	[tilespmem:$0x43B0] =	vst v0  }
0x3c: {  	[tilespmem:$0x43C0] =	vst v0  }
0x3d: {  	[tilespmem:$0x43D0] =	vst v0  }
0x3e: {  	[tilespmem:$0x43E0] =	vst v0  }
0x3f: {  	[tilespmem:$0x43F0] =	vst v0  }
0x40: {  	[tilespmem:$0x4400] =	vst v0  }
0x41: {  	[tilespmem:$0x4410] =	vst v0  }
0x42: {  	[tilespmem:$0x4420] =	vst v0  }
0x43: {  	[tilespmem:$0x4430] =	vst v0  }
0x44: {  	[tilespmem:$0x4440] =	vst v0  }
0x45: {  	[tilespmem:$0x4450] =	vst v0  }
0x46: {  	[tilespmem:$0x4460] =	vst v0  }
0x47: {  	[tilespmem:$0x4470] =	vst v0  }
0x48: {  	[tilespmem:$0x4480] =	vst v0  }
0x49: {  	[tilespmem:$0x4490] =	vst v0  }
0x4a: {  	[tilespmem:$0x44A0] =	vst v0  }
0x4b: {  	[tilespmem:$0x44B0] =	vst v0  }
0x4c: {  	[tilespmem:$0x44C0] =	vst v0  }
0x4d: {  	[tilespmem:$0x44D0] =	vst v0  }
0x4e: {  	[tilespmem:$0x44E0] =	vst v0  }
0x4f: {  	[tilespmem:$0x44F0] =	vst v0  }
0x50: {  	[tilespmem:$0x4500] =	vst v0  }
0x51: {  	[tilespmem:$0x4510] =	vst v0  }
0x52: {  	[tilespmem:$0x4520] =	vst v0  }
0x53: {  	[tilespmem:$0x4530] =	vst v0  }
0x54: {  	[tilespmem:$0x4540] =	vst v0  }
0x55: {  	[tilespmem:$0x4550] =	vst v0  }
0x56: {  	[tilespmem:$0x4560] =	vst v0  }
0x57: {  	[tilespmem:$0x4570] =	vst v0  }
0x58: {  	[tilespmem:$0x4580] =	vst v0  }
0x59: {  	[tilespmem:$0x4590] =	vst v0  }
0x5a: {  	[tilespmem:$0x45A0] =	vst v0  }
0x5b: {  	[tilespmem:$0x45B0] =	vst v0  }
0x5c: {  	[tilespmem:$0x45C0] =	vst v0  }
0x5d: {  	[tilespmem:$0x45D0] =	vst v0  }
0x5e: {  	[tilespmem:$0x45E0] =	vst v0  }
0x5f: {  	[tilespmem:$0x45F0] =	vst v0  }
0x60: {  	[tilespmem:$0x4600] =	vst v0  }
0x61: {  	[tilespmem:$0x4610] =	vst v0  }
0x62: {  	[tilespmem:$0x4620] =	vst v0  }
0x63: {  	[tilespmem:$0x4630] =	vst v0  }
0x64: {  	[tilespmem:$0x4640] =	vst v0  }
0x65: {  	[tilespmem:$0x4650] =	vst v0  }
0x66: {  	[tilespmem:$0x4660] =	vst v0  }
0x67: {  	[tilespmem:$0x4670] =	vst v0  }
0x68: {  	[tilespmem:$0x4680] =	vst v0  }
0x69: {  	[tilespmem:$0x4690] =	vst v0  }
0x6a: {  	[tilespmem:$0x46A0] =	vst v0  }
0x6b: {  	[tilespmem:$0x46B0] =	vst v0  }
0x6c: {  	[tilespmem:$0x46C0] =	vst v0  }
0x6d: {  	[tilespmem:$0x46D0] =	vst v0  }
0x6e: {  	[tilespmem:$0x46E0] =	vst v0  }
0x6f: {  	[tilespmem:$0x46F0] =	vst v0  }
0x70: {  	[tilespmem:$0x4700] =	vst v0  }
0x71: {  	[tilespmem:$0x4710] =	vst v0  }
0x72: {  	[tilespmem:$0x4720] =	vst v0  }
0x73: {  	[tilespmem:$0x4730] =	vst v0  }
0x74: {  	[tilespmem:$0x4740] =	vst v0  }
0x75: {  	[tilespmem:$0x4750] =	vst v0  }
0x76: {  	[tilespmem:$0x4760] =	vst v0  }
0x77: {  	[tilespmem:$0x4770] =	vst v0  }
0x78: {  	[tilespmem:$0x4780] =	vst v0  }
0x79: {  	[tilespmem:$0x4790] =	vst v0  }
0x7a: {  	[tilespmem:$0x47A0] =	vst v0  }
0x7b: {  	[tilespmem:$0x47B0] =	vst v0  }
0x7c: {  	[tilespmem:$0x47C0] =	vst v0  }
0x7d: {  	[tilespmem:$0x47D0] =	vst v0  }
0x7e: {  	[tilespmem:$0x47E0] =	vst v0  }
0x7f: {  	[tilespmem:$0x47F0] =	vst v0  }
0x80: {  	[tilespmem:$0x4800] =	vst v0  }
0x81: {  	[tilespmem:$0x4810] =	vst v0  }
0x82: {  	[tilespmem:$0x4820] =	vst v0  }
0x83: {  	[tilespmem:$0x4830] =	vst v0  }
0x84: {  	[tilespmem:$0x4840] =	vst v0  }
0x85: {  	[tilespmem:$0x4850] =	vst v0  }
0x86: {  	[tilespmem:$0x4860] =	vst v0  }
0x87: {  	[tilespmem:$0x4870] =	vst v0  }
0x88: {  	[tilespmem:$0x4880] =	vst v0  }
0x89: {  	[tilespmem:$0x4890] =	vst v0  }
0x8a: {  	[tilespmem:$0x48A0] =	vst v0  }
0x8b: {  	[tilespmem:$0x48B0] =	vst v0  }
0x8c: {  	[tilespmem:$0x48C0] =	vst v0  }
0x8d: {  	[tilespmem:$0x48D0] =	vst v0  }
0x8e: {  	[tilespmem:$0x48E0] =	vst v0  }
0x8f: {  	[tilespmem:$0x48F0] =	vst v0;
	s18 =	sadd.s32 $0x0, s5  }
0x90: {  	[spmem:s18] =	stream.linear.scatter [tilespmem:s10], [sflag:$0x2], $0x800, $0x38;
	[tilespmem:$0x18900] =	vst v63  }
0x91: {  	s18 =	simm.s32 $0x2000;
	_ =	swait.ge [sflag:s11], $0x800  }
.LBB2_2:
0x92: {  	s19 =	sshra.s32 s18, $0x2;
	[sflag:s11] =	ssyncset.done $0x0;
	p0 =	sne.s32 s18, $0x4E000  }
.Ltmp0:
0x93: {  	s19 =	sadd.s32 s19, s5;
	[sflag:s11] =	ssyncadd.s32 $0xFFFFF800;
	(pc) =	sbr.rel @p0 .LBB2_2-.Ltmp0, $3  }
0x94: {  	[spmem:s19] =	stream.linear.scatter [tilespmem:s10], [sflag:$0x2], $0x800, $0x38;
	[tilespmem:$0x18900] =	vst v63  }
0x95: {  	s18 =	sadd.s32 $0x2000, s18;
	_ =	sdelay $0x1  }
0x96: {  	_ =	swait.ge [sflag:s11], $0x800  }
0x97: {  	[sflag:s11] =	ssyncset.done $0x0  }
0x98: {  	[sflag:s11] =	ssyncadd.s32 $0xFFFFF800  }
0x99: {  	s18 =	sadd.s32 $0x0, s9;
	[bflag:$0x0] =	sbarrier.arrive $0xFFFF  }
0x9a: {  	[tilespmem:s3], [sflag:$0x2] =	stream.linear.gather [hbm4b:s18+s3], $0x80, $0x38;
	[tilespmem:$0x18900] =	vst v63  }
0x9b: {  	_ =	swait.ge [sflag:s11], $0x80  }
0x9c: {  	[sflag:s11] =	ssyncset.done $0x0  }
0x9d: {  	s31 =	sadd.s32 $0x0, s8;
	[sflag:s11] =	ssyncadd.s32 $0xFFFFFF80  }
0x9e: {  	[tilespmem:s12], [sflag:$0x2] =	stream.linear.gather [hbm4b:s31+s3], $0x80, $0x38;
	[tilespmem:$0x18900] =	vst v63  }
0x9f: {  	_ =	swait.ge [sflag:s11], $0x80  }
0xa0: {  	[sflag:s11] =	ssyncset.done $0x0  }
0xa1: {  	[sflag:s11] =	ssyncadd.s32 $0xFFFFFF80  }
0xa2: {  	[tilespmem:s13], [sflag:$0x1] =	stream.indirect.gather [hbm4b:s4+s12], $0x80, s3, s12, $0xb8;
	[tilespmem:$0x18900] =	vst v63  }
0xa3: {  	_ =	swait.ge [sflag:s14], $0x4000  }
0xa4: {  	[sflag:s14] =	ssyncset.done $0x0  }
0xa5: {  	[sflag:s14] =	ssyncadd.s32 $0xFFFFC000  }
0xa6: {  	[spmem:s1] =	stream.indirect.scatter.add.f32 [tilespmem:s13], [sflag:$0x2], $0x80, s12, s12, $0xb8;
	[tilespmem:$0x18900] =	vst v63  }
0xa7: {  	_ =	swait.ge [sflag:s11], $0x4000  }
0xa8: {  	s19 =	simm.s32 $0x20;
	s18 =	simm.s32 $0x10;
	[sflag:s11] =	ssyncset.done $0x0  }
.LBB2_4:
0xa9: {  	s20 =	sadd.s32 s18, s9  }
0xaa: {  	[sflag:s11] =	ssyncadd.s32 $0xFFFFC000;
	s21 =	smov.u32 s19;
	s22 =	sadd.s32 $0x10, s19  }
0xab: {  	[tilespmem:s3], [sflag:$0x2] =	stream.linear.gather [hbm4b:s20+s3], $0x80, $0x38;
	[tilespmem:$0x18900] =	vst v63  }
0xac: {  	p0 =	sne.s32 s19, $0x4E0;
	_ =	swait.ge [sflag:s11], $0x80  }
0xad: {  	[sflag:s11] =	ssyncset.done $0x0  }
0xae: {  	s19 =	sadd.s32 s18, s8;
	s18 =	smov.u32 s21;
	[sflag:s11] =	ssyncadd.s32 $0xFFFFFF80  }
0xaf: {  	[tilespmem:s12], [sflag:$0x2] =	stream.linear.gather [hbm4b:s19+s3], $0x80, $0x38;
	[tilespmem:$0x18900] =	vst v63  }
0xb0: {  	_ =	swait.ge [sflag:s11], $0x80  }
0xb1: {  	[sflag:s11] =	ssyncset.done $0x0  }
0xb2: {  	[sflag:s11] =	ssyncadd.s32 $0xFFFFFF80  }
0xb3: {  	[tilespmem:s13], [sflag:$0x1] =	stream.indirect.gather [hbm4b:s4+s12], $0x80, s3, s12, $0xb8;
	[tilespmem:$0x18900] =	vst v63  }
0xb4: {  	_ =	swait.ge [sflag:s14], $0x4000  }
.Ltmp1:
0xb5: {  	[sflag:s14] =	ssyncset.done $0x0;
	(pc) =	sbr.rel @p0 .LBB2_4-.Ltmp1, $4  }
0xb6: {  	[sflag:s14] =	ssyncadd.s32 $0xFFFFC000  }
0xb7: {  	[spmem:s1] =	stream.indirect.scatter.add.f32 [tilespmem:s13], [sflag:$0x2], $0x80, s12, s12, $0xb8;
	[tilespmem:$0x18900] =	vst v63  }
0xb8: {  	_ =	swait.ge [sflag:s11], $0x4000  }
0xb9: {  	s19 =	smov.u32 s22;
	[sflag:s11] =	ssyncset.done $0x0  }
0xba: {  	s19 =	sadd.s32 s18, s9;
	[sflag:s11] =	ssyncadd.s32 $0xFFFFC000  }
0xbb: {  	[tilespmem:s3], [sflag:$0x2] =	stream.linear.gather [hbm4b:s19+s3], $0x80, $0x38;
	[tilespmem:$0x18900] =	vst v63  }
0xbc: {  	_ =	swait.ge [sflag:s11], $0x80  }
0xbd: {  	[sflag:s11] =	ssyncset.done $0x0  }
0xbe: {  	s31 =	sadd.s32 s18, s8;
	[sflag:s11] =	ssyncadd.s32 $0xFFFFFF80  }
0xbf: {  	[tilespmem:s12], [sflag:$0x2] =	stream.linear.gather [hbm4b:s31+s3], $0x80, $0x38;
	[tilespmem:$0x18900] =	vst v63  }
0xc0: {  	_ =	swait.ge [sflag:s11], $0x80  }
0xc1: {  	[sflag:s11] =	ssyncset.done $0x0  }
0xc2: {  	[sflag:s11] =	ssyncadd.s32 $0xFFFFFF80  }
0xc3: {  	[tilespmem:s13], [sflag:$0x1] =	stream.indirect.gather [hbm4b:s4+s12], $0x80, s3, s12, $0xb8;
	[tilespmem:$0x18900] =	vst v63  }
0xc4: {  	_ =	swait.ge [sflag:s14], $0x4000  }
0xc5: {  	[sflag:s14] =	ssyncset.done $0x0  }
0xc6: {  	[sflag:s14] =	ssyncadd.s32 $0xFFFFC000  }
0xc7: {  	[spmem:s1] =	stream.indirect.scatter.add.f32 [tilespmem:s13], [sflag:$0x2], $0x80, s12, s12, $0xb8;
	[tilespmem:$0x18900] =	vst v63  }
0xc8: {  	_ =	swait.ge [sflag:s11], $0x4000  }
0xc9: {  	s17 =	sadd.s32 $0x1, s17;
	[sflag:s11] =	ssyncset.done $0x0  }
0xca: {  	p0 =	sne.s32 s17, s7;
	[sflag:s11] =	ssyncadd.s32 $0xFFFFC000  }
.Ltmp2:
0xcb: {  	[bflag:$0x0] =	sbarrier.arrive $0xFFFF;
	(pc) =	sbr.rel @p0 .LBB2_1-.Ltmp2, $4  }
0xcc: {  	[hbm:s6], [sflag:s15] =	dma.local [spmem:s16], $0x2800  }
0xcd: {  	_ =	swait.ge [sflag:s11], $0x2800  }
0xce: {  	[sflag:s11] =	ssyncset.done $0x0  }
0xcf: {  	[sflag:s11] =	ssyncadd.s32 $0xFFFFD800  }
0xd0: {  	_ =	sfence.sel $0x180000  }
0xd1: {  	[bflag:$0x0] =	sbarrier.arrive $0xFFFF  }
0xd2: {  	p0 =	sne.s32 s2, $0x0;
	_ =	strace $0x9000004A  }
0xd3: {  	s0 =	sadd.s32 @!p0 $0x100000, s0;
	[bflag:$0x2] =	sbarrier.arrive $0xFFFF  }
0xd4: {  	[sflag:s0] =	ssyncadd.tile.s32 @!p0 $0x1;
	_ =	shalt  }
.Lfunc_end2:
_tile_overlayer_lowered:
.L_overlay_start_2:
0xd5: {  	(tag) =	ssettag $0x2  }
0xd6: {  	s0 =	rddreg [dreg:$0x0];
	s2 =	stileid.u32  }
0xd7: {  	s1 =	rddreg [dreg:$0x1];
	p0 =	sne.s32 s2, $0x0  }
0xd8: {  	s3 =	rddreg [dreg:$0x2];
	[bflag:$0x3] =	sbarrier.arrive $0xFFFF;
	s2 =	simm.s32 @!p0 $0x1C02  }
0xd9: {  	[timem:s3], [sflag:s2] =	dma.local @!p0 [hbm:s0], s1  }
0xda: {  	s0 =	simm.s32 @!p0 $0x2  }
0xdb: {  	_ =	swait.ge @!p0 [sflag:s0], s1  }
0xdc: {  	s1 =	ssub.s32 @!p0 $0x0, s1;
	[sflag:s0] =	ssyncset.done @!p0 $0x0  }
0xdd: {  	[sflag:s0] =	ssyncadd.s32 @!p0 s1  }
0xde: {  	[bflag:$0x3] =	sbarrier.arrive $0xFFFF  }
0xdf: {  	_ =	shalt  }

</sc_bundles>
